<compile_context>
chip_gen: v7x
topology: tpu7x:2x2x1
jax: 0.10.2.dev20260603
libtpu: 0.0.44.dev20260713+nightly
codegen_flags: <defaults>
</compile_context>

<pallas_src>
import functools

import jax
import jax.numpy as jnp
from jax import lax
from jax.experimental import pallas as pl
from jax.experimental.pallas import tpu as pltpu
from jax.experimental.pallas import tpu_sc as plsc

N = 10000
NPAD = 10240
D = 128
E = 320000
CHUNK = 64
TILES = 16
ROWS_PER_TILE = 320
VIEW_ROWS = TILES * ROWS_PER_TILE
EPAD = VIEW_ROWS * CHUNK
RPB = 8
BLKS = ROWS_PER_TILE // RPB
NBUF = 4
SLICE = NPAD // TILES

_mesh = plsc.VectorSubcoreMesh(core_axis_name="c", subcore_axis_name="s")


@functools.partial(
    pl.kernel,
    out_type=jax.ShapeDtypeStruct((2 * NPAD,), jnp.float32),
    mesh=_mesh,
    scratch_types=[
        pltpu.VMEM((RPB, CHUNK), jnp.int32),
        pltpu.VMEM((CHUNK,), jnp.float32),
        pltpu.VMEM_SHARED((NPAD,), jnp.float32),
    ],
)
def _deg_kernel(dst_hbm, zeros_hbm, deg_out, idx_v, ones_v, deg_sh):
    c = lax.axis_index("c")
    s = lax.axis_index("s")
    for i in range(CHUNK // 16):
        ones_v[pl.ds(i * 16, 16)] = jnp.ones((16,), jnp.float32)
    pltpu.sync_copy(zeros_hbm.at[pl.ds(s * SLICE, SLICE)],
                    deg_sh.at[pl.ds(s * SLICE, SLICE)])
    plsc.subcore_barrier()

    def blk(b, carry):
        base = c * VIEW_ROWS + s * ROWS_PER_TILE + b * RPB
        pltpu.sync_copy(dst_hbm.at[pl.ds(base, RPB)], idx_v)
        for j in range(RPB):
            pltpu.sync_copy(ones_v, deg_sh.at[idx_v.at[j]], add=True)
        return carry

    lax.fori_loop(0, BLKS, blk, 0)
    plsc.subcore_barrier()
    pltpu.sync_copy(deg_sh.at[pl.ds(s * SLICE, SLICE)],
                    deg_out.at[pl.ds(c * NPAD + s * SLICE, SLICE)])


@functools.partial(
    pl.kernel,
    out_type=jax.ShapeDtypeStruct((2 * NPAD, D), jnp.float32),
    mesh=_mesh,
    scratch_types=[
        pltpu.VMEM((RPB, CHUNK), jnp.int32),
        pltpu.VMEM((RPB, CHUNK), jnp.int32),
        pltpu.VMEM((CHUNK, D), jnp.float32),
        pltpu.VMEM((CHUNK, D), jnp.float32),
        pltpu.VMEM((CHUNK, D), jnp.float32),
        pltpu.VMEM((CHUNK, D), jnp.float32),
        pltpu.VMEM_SHARED((NPAD, D), jnp.float32),
        pltpu.SemaphoreType.DMA,
        pltpu.SemaphoreType.DMA,
    ],
)
def _agg_kernel(g_hbm, src_hbm, dst_hbm, zeros_hbm, out_hbm, srcv, dstv,
                rows0, rows1, rows2, rows3, acc, gsem, ssem):
    c = lax.axis_index("c")
    s = lax.axis_index("s")
    pltpu.sync_copy(zeros_hbm.at[pl.ds(s * SLICE, SLICE)],
                    acc.at[pl.ds(s * SLICE, SLICE)])
    plsc.subcore_barrier()
    bufs = (rows0, rows1, rows2, rows3)
    ahead = NBUF - 1

    def blk(b, carry):
        base = c * VIEW_ROWS + s * ROWS_PER_TILE + b * RPB
        pltpu.sync_copy(src_hbm.at[pl.ds(base, RPB)], srcv)
        pltpu.sync_copy(dst_hbm.at[pl.ds(base, RPB)], dstv)
        gd = [None] * RPB
        sd = [None] * RPB
        for k in range(min(ahead, RPB)):
            gd[k] = pltpu.async_copy(g_hbm.at[srcv.at[k]], bufs[k % NBUF],
                                     gsem)
        for j in range(RPB):
            gd[j].wait()
            sd[j] = pltpu.async_copy(bufs[j % NBUF], acc.at[dstv.at[j]],
                                     ssem, add=True)
            nxt = j + ahead
            if nxt < RPB:
                if nxt - NBUF >= 0:
                    sd[nxt - NBUF].wait()
                gd[nxt] = pltpu.async_copy(g_hbm.at[srcv.at[nxt]],
                                           bufs[nxt % NBUF], gsem)
        for j in range(max(0, RPB - NBUF), RPB):
            sd[j].wait()
        return carry

    lax.fori_loop(0, BLKS, blk, 0)
    plsc.subcore_barrier()
    pltpu.sync_copy(acc.at[pl.ds(s * SLICE, SLICE)],
                    out_hbm.at[pl.ds(c * NPAD + s * SLICE, SLICE)])


def _dinv(deg_blk):
    return lax.rsqrt(deg_blk[0, 0, :] + 1.0)


def _mm1_body(x_ref, w_ref, deg_ref, g_ref):
    dinv = _dinv(deg_ref)
    h = jnp.dot(x_ref[0], w_ref[...], preferred_element_type=jnp.float32)
    g_ref[0] = dinv[:, None] * h


def _mm2_body(s_ref, g_ref, deg_ref, b_ref, w_ref, g2_ref):
    dinv = _dinv(deg_ref)
    t = jax.nn.relu(dinv[:, None] * (s_ref[0] + g_ref[0]) + b_ref[...])
    g2_ref[0] = dinv[:, None] * jnp.dot(t, w_ref[...],
                                        preferred_element_type=jnp.float32)


def _fin_body(s_ref, g_ref, deg_ref, b_ref, out_ref):
    dinv = _dinv(deg_ref)
    out_ref[0] = dinv[:, None] * (s_ref[0] + g_ref[0]) + b_ref[...]


_view_blk = pl.BlockSpec((1, NPAD, D), lambda v: (v, 0, 0))
_deg_blk = pl.BlockSpec((1, 1, NPAD), lambda v: (v, 0, 0))
_w_blk = pl.BlockSpec((D, D), lambda v: (0, 0))
_b_blk = pl.BlockSpec((1, D), lambda v: (0, 0))
_out3 = jax.ShapeDtypeStruct((2, NPAD, D), jnp.float32)

_mm1 = pl.pallas_call(
    _mm1_body, grid=(2,),
    in_specs=[_view_blk, _w_blk, _deg_blk],
    out_specs=_view_blk, out_shape=_out3)

_mm2 = pl.pallas_call(
    _mm2_body, grid=(2,),
    in_specs=[_view_blk, _view_blk, _deg_blk, _b_blk, _w_blk],
    out_specs=_view_blk, out_shape=_out3)

_fin = pl.pallas_call(
    _fin_body, grid=(2,),
    in_specs=[_view_blk, _view_blk, _deg_blk, _b_blk],
    out_specs=_view_blk, out_shape=_out3)


def _tile_rows(a, fill):
    pad = jnp.broadcast_to(fill[:, None], (2, EPAD - E)).astype(jnp.int32)
    return jnp.concatenate([a, pad], axis=1).reshape(2 * VIEW_ROWS, CHUNK)


def kernel(x1, edge_index1, x2, edge_index2, W1, b1, W2, b2):
    x_all = jnp.zeros((2, NPAD, D), jnp.float32).at[:, :N].set(
        jnp.stack([x1, x2]))
    off = jnp.arange(2, dtype=jnp.int32) * NPAD
    src = jnp.stack([edge_index1[0], edge_index2[0]]) + off[:, None]
    src2d = _tile_rows(src, off + N)
    dst = jnp.stack([edge_index1[1], edge_index2[1]])
    dst2d = _tile_rows(dst, jnp.full((2,), N, jnp.int32))

    zeros1 = jnp.zeros((NPAD,), jnp.float32)
    zeros2 = jnp.zeros((NPAD, D), jnp.float32)

    deg = _deg_kernel(dst2d, zeros1).reshape(2, 1, NPAD)

    g1 = _mm1(x_all, W1, deg)
    s1 = _agg_kernel(g1.reshape(2 * NPAD, D), src2d, dst2d, zeros2)
    g2 = _mm2(s1.reshape(2, NPAD, D), g1, deg, b1.reshape(1, D), W2)
    s2 = _agg_kernel(g2.reshape(2 * NPAD, D), src2d, dst2d, zeros2)
    out = _fin(s2.reshape(2, NPAD, D), g2, deg, b2.reshape(1, D))
    return (out[0, :N], out[1, :N])

# --- scband reference (transcript-rebuilt; emitter-appended) ---
"""Pipeline reference for scband-model-70136815943749 (READ-ONLY COPY).

The authoritative reference and input builder live on the scoring server;
editing this copy changes nothing except your own understanding.
"""

import jax, jax.numpy as jnp
import numpy as np

N = 10000
D = 128
E = 320000


def gcn_conv(x, src, dst, W, b, n):
    h = x @ W
    deg = jnp.zeros((n,), dtype=x.dtype).at[dst].add(1.0)
    dinv = jnp.where(deg > 0, 1.0 / jnp.sqrt(deg), 0.0)
    coef = (dinv[src] * dinv[dst])[:, None]
    msgs = h[src] * coef
    out = jnp.zeros((n, h.shape[1]), dtype=x.dtype).at[dst].add(msgs)
    return out + b


def backbone(x, edge_index, W1, b1, W2, b2):
    n = x.shape[0]
    loop = jnp.arange(n, dtype=edge_index.dtype)
    src = jnp.concatenate([edge_index[0], loop])
    dst = jnp.concatenate([edge_index[1], loop])
    h = jax.nn.relu(gcn_conv(x, src, dst, W1, b1, n))
    return gcn_conv(h, src, dst, W2, b2, n)


def setup_inputs(seed: int = 0) -> dict:
    key = jax.random.key(seed)
    k1, k2, k3, k4, k5, k6 = jax.random.split(key, 6)
    x1 = jax.random.normal(k1, (N, D), dtype=jnp.float32)
    x2 = jax.random.normal(k2, (N, D), dtype=jnp.float32)
    edge_index1 = jax.random.randint(k3, (2, E), 0, N, dtype=jnp.int32)
    edge_index2 = jax.random.randint(k4, (2, E), 0, N, dtype=jnp.int32)
    scale = 1.0 / np.sqrt(D)
    W1 = jax.random.normal(k5, (D, D), dtype=jnp.float32) * scale
    W2 = jax.random.normal(k6, (D, D), dtype=jnp.float32) * scale
    b1 = jnp.zeros((D,), dtype=jnp.float32)
    b2 = jnp.zeros((D,), dtype=jnp.float32)
    return {"x1": x1, "edge_index1": edge_index1, "x2": x2, "edge_index2": edge_index2,
            "W1": W1, "b1": b1, "W2": W2, "b2": b2}


def reference(x1, edge_index1, x2, edge_index2, W1, b1, W2, b2):
    # Model.forward(data1, data2): shared GCN backbone applied to two graph views.
    h1 = backbone(x1, edge_index1, W1, b1, W2, b2)
    h2 = backbone(x2, edge_index2, W1, b1, W2, b2)
    return (h1, h2)

if __name__ == "__main__":
    import jax
    _d = setup_inputs()
    print(jax.jit(kernel)(*tuple(_d.values())))

</pallas_src>

<mosaic_0001>
#map = affine_map<(d0, d1) -> (0, 0)>
#map1 = affine_map<(d0, d1) -> (0)>
module attributes {stable_mosaic.version = 14 : i64} {
  func.func @_deg_kernel(%arg0: i32, %arg1: i32, %arg2: memref<10240x64xi32, #tpu.memory_space<hbm>>, %arg3: memref<10240xf32, #tpu.memory_space<hbm>>, %arg4: memref<20480xf32, #tpu.memory_space<hbm>>, %arg5: memref<8x64xi32, #tpu.memory_space<vmem>>, %arg6: memref<64xf32, #tpu.memory_space<vmem>>, %arg7: memref<10240xf32, #tpu.memory_space<vmem_shared>>) attributes {dimension_semantics = [#tpu.dimension_semantics<core_parallel>, #tpu.dimension_semantics<subcore_parallel>], iteration_bounds = array<i64: 2, 16>, scalar_prefetch = 0 : i64, scratch_operands = 3 : i64, tpu.core_type = #tpu.core_type<sc_vector_subcore>, window_params = [{transform_indices = #map}, {transform_indices = #map1}, {transform_indices = #map1}]} {
    %broadcast_in_dim3A = arith.constant 1.000000e+00 : f32
    %broadcast_in_dim3A_0 = vector.broadcast %broadcast_in_dim3A : f32 to vector<16xf32>
    %swap3A = arith.constant 0 : index
    %swap3A_1 = tpu.vector_load %arg6[%swap3A] {strides = array<i32>} : memref<64xf32, #tpu.memory_space<vmem>>, vector<16xf32>,
    %swap3A_2 = vector.shape_cast %swap3A_1 : vector<16xf32> to vector<16xf32>
    %swap3A_3 = vector.shape_cast %broadcast_in_dim3A_0 : vector<16xf32> to vector<16xf32>
    tpu.vector_store %arg6[%swap3A], %swap3A_3 {strides = array<i32>} : memref<64xf32, #tpu.memory_space<vmem>>, vector<16xf32>,
    %broadcast_in_dim3A_4 = arith.constant 1.000000e+00 : f32
    %broadcast_in_dim3A_5 = vector.broadcast %broadcast_in_dim3A_4 : f32 to vector<16xf32>
    %swap3A_6 = arith.constant 16 : index
    %swap3A_7 = tpu.vector_load %arg6[%swap3A_6] {strides = array<i32>} : memref<64xf32, #tpu.memory_space<vmem>>, vector<16xf32>,
    %swap3A_8 = vector.shape_cast %swap3A_7 : vector<16xf32> to vector<16xf32>
    %swap3A_9 = vector.shape_cast %broadcast_in_dim3A_5 : vector<16xf32> to vector<16xf32>
    tpu.vector_store %arg6[%swap3A_6], %swap3A_9 {strides = array<i32>} : memref<64xf32, #tpu.memory_space<vmem>>, vector<16xf32>,
    %broadcast_in_dim3A_10 = arith.constant 1.000000e+00 : f32
    %broadcast_in_dim3A_11 = vector.broadcast %broadcast_in_dim3A_10 : f32 to vector<16xf32>
    %swap3A_12 = arith.constant 32 : index
    %swap3A_13 = tpu.vector_load %arg6[%swap3A_12] {strides = array<i32>} : memref<64xf32, #tpu.memory_space<vmem>>, vector<16xf32>,
    %swap3A_14 = vector.shape_cast %swap3A_13 : vector<16xf32> to vector<16xf32>
    %swap3A_15 = vector.shape_cast %broadcast_in_dim3A_11 : vector<16xf32> to vector<16xf32>
    tpu.vector_store %arg6[%swap3A_12], %swap3A_15 {strides = array<i32>} : memref<64xf32, #tpu.memory_space<vmem>>, vector<16xf32>,
    %broadcast_in_dim3A_16 = arith.constant 1.000000e+00 : f32
    %broadcast_in_dim3A_17 = vector.broadcast %broadcast_in_dim3A_16 : f32 to vector<16xf32>
    %swap3A_18 = arith.constant 48 : index
    %swap3A_19 = tpu.vector_load %arg6[%swap3A_18] {strides = array<i32>} : memref<64xf32, #tpu.memory_space<vmem>>, vector<16xf32>,
    %swap3A_20 = vector.shape_cast %swap3A_19 : vector<16xf32> to vector<16xf32>
    %swap3A_21 = vector.shape_cast %broadcast_in_dim3A_17 : vector<16xf32> to vector<16xf32>
    tpu.vector_store %arg6[%swap3A_18], %swap3A_21 {strides = array<i32>} : memref<64xf32, #tpu.memory_space<vmem>>, vector<16xf32>,
    %mul3A = arith.constant 640 : i32
    %mul3A_22 = arith.muli %arg1, %mul3A : i32
    %mul3A_23 = arith.constant 640 : i32
    %mul3A_24 = arith.muli %arg1, %mul3A_23 : i32
    "tpu.region"() ({
      %run_scoped3A = tpu.sem_alloc : memref<!tpu.dma_semaphore, #tpu.memory_space<semaphore_mem>>
      %dma_start3A = tpu.memref_slice %arg7[%mul3A_24] : memref<10240xf32, #tpu.memory_space<vmem_shared>> -> memref<640xf32, #tpu.memory_space<vmem_shared>>
      %dma_start3A_37 = tpu.memref_slice %arg3[%mul3A_22] : memref<10240xf32, #tpu.memory_space<hbm>> -> memref<640xf32, #tpu.memory_space<hbm>>
      tpu.enqueue_dma source(%dma_start3A_37 : memref<640xf32, #tpu.memory_space<hbm>>) target(%dma_start3A : memref<640xf32, #tpu.memory_space<vmem_shared>>) target_semaphore(%run_scoped3A : memref<!tpu.dma_semaphore, #tpu.memory_space<semaphore_mem>>)
      %dma_wait3A = tpu.memref_slice %arg7[%mul3A_24] : memref<10240xf32, #tpu.memory_space<vmem_shared>> -> memref<640xf32, #tpu.memory_space<vmem_shared>>
      %dma_wait3A_38 = tpu.memref_slice %arg3[%mul3A_22] : memref<10240xf32, #tpu.memory_space<hbm>> -> memref<640xf32, #tpu.memory_space<hbm>>
      tpu.wait_dma2 semaphore(%run_scoped3A : memref<!tpu.dma_semaphore, #tpu.memory_space<semaphore_mem>>) src(%dma_wait3A_38 : memref<640xf32, #tpu.memory_space<hbm>>) dst(%dma_wait3A : memref<640xf32, #tpu.memory_space<vmem_shared>>)
      tpu.yield
    }) : () -> ()
    %barrier3A = arith.constant 0 : index
    tpu.barrier barrier_id(%barrier3A)
    %scan3A = arith.constant 0 : i32
    %scan3A_25 = arith.constant 0 : i32
    %scan3A_26 = arith.constant 40 : i32
    %scan3A_27 = arith.addi %scan3A_25, %scan3A_26 : i32
    %scan3A_28 = arith.constant 1 : i32
    scf.for %scan3A_37 = %scan3A_25 to %scan3A_27 step %scan3A_28  : i32 {
      %mul3A_38 = arith.constant 5120 : i32
      %mul3A_39 = arith.muli %arg0, %mul3A_38 : i32
      %mul3A_40 = arith.constant 320 : i32
      %mul3A_41 = arith.muli %arg1, %mul3A_40 : i32
      %add3A_42 = arith.addi %mul3A_39, %mul3A_41 : i32
      %mul3A_43 = arith.constant 8 : i32
      %mul3A_44 = arith.muli %scan3A_37, %mul3A_43 : i32
      %add3A_45 = arith.addi %add3A_42, %mul3A_44 : i32
      "tpu.region"() ({
        %run_scoped3A_53 = tpu.sem_alloc : memref<!tpu.dma_semaphore, #tpu.memory_space<semaphore_mem>>
        %dma_start3A = arith.constant 0 : i32
        %dma_start3A_54 = tpu.memref_slice %arg2[%add3A_45, %dma_start3A] : memref<10240x64xi32, #tpu.memory_space<hbm>> -> memref<8x64xi32, #tpu.memory_space<hbm>>
        %dma_start3A_55 = arith.constant 0 : i32
        %dma_start3A_56 = tpu.memref_slice %arg2[%add3A_45, %dma_start3A_55] : memref<10240x64xi32, #tpu.memory_space<hbm>> -> memref<8x64xi32, #tpu.memory_space<hbm>>
        tpu.enqueue_dma source(%dma_start3A_56 : memref<8x64xi32, #tpu.memory_space<hbm>>) target(%arg5 : memref<8x64xi32, #tpu.memory_space<vmem>>) target_semaphore(%run_scoped3A_53 : memref<!tpu.dma_semaphore, #tpu.memory_space<semaphore_mem>>)
        %dma_wait3A = arith.constant 0 : i32
        %dma_wait3A_57 = tpu.memref_slice %arg2[%add3A_45, %dma_wait3A] : memref<10240x64xi32, #tpu.memory_space<hbm>> -> memref<8x64xi32, #tpu.memory_space<hbm>>
        %dma_wait3A_58 = arith.constant 0 : i32
        %dma_wait3A_59 = tpu.memref_slice %arg2[%add3A_45, %dma_wait3A_58] : memref<10240x64xi32, #tpu.memory_space<hbm>> -> memref<8x64xi32, #tpu.memory_space<hbm>>
        tpu.wait_dma2 semaphore(%run_scoped3A_53 : memref<!tpu.dma_semaphore, #tpu.memory_space<semaphore_mem>>) src(%dma_wait3A_59 : memref<8x64xi32, #tpu.memory_space<hbm>>) dst(%arg5 : memref<8x64xi32, #tpu.memory_space<vmem>>)
        tpu.yield
      }) : () -> ()
      %run_scoped3A = arith.constant 0 : i32
      "tpu.region"() ({
        %run_scoped3A_53 = tpu.sem_alloc : memref<!tpu.dma_semaphore, #tpu.memory_space<semaphore_mem>>
        %dma_start3A = arith.constant 0 : i32
        %dma_start3A_54 = tpu.memref_slice %arg5[%run_scoped3A, %dma_start3A] : memref<8x64xi32, #tpu.memory_space<vmem>> -> memref<1x64xi32, #tpu.memory_space<vmem>>
        %dma_start3A_55 = tpu.memref_squeeze %dma_start3A_54 : memref<1x64xi32, #tpu.memory_space<vmem>> -> memref<64xi32, #tpu.memory_space<vmem>>
        %dma_start3A_56 = arith.constant 0 : i32
        %dma_start3A_57 = tpu.memref_slice %arg7[%dma_start3A_56] : memref<10240xf32, #tpu.memory_space<vmem_shared>> -> memref<10240xf32, #tpu.memory_space<vmem_shared>>
        tpu.enqueue_indirect_dma source(%arg6 : memref<64xf32, #tpu.memory_space<vmem>>) target(%dma_start3A_57 : memref<10240xf32, #tpu.memory_space<vmem_shared>>) offsets(%dma_start3A_55 : memref<64xi32, #tpu.memory_space<vmem>>) semaphore(%run_scoped3A_53 : memref<!tpu.dma_semaphore, #tpu.memory_space<semaphore_mem>>) {add = true}
        %dma_wait3A = arith.constant 0 : i32
        %dma_wait3A_58 = tpu.memref_slice %arg5[%run_scoped3A, %dma_wait3A] : memref<8x64xi32, #tpu.memory_space<vmem>> -> memref<1x64xi32, #tpu.memory_space<vmem>>
        %dma_wait3A_59 = tpu.memref_squeeze %dma_wait3A_58 : memref<1x64xi32, #tpu.memory_space<vmem>> -> memref<64xi32, #tpu.memory_space<vmem>>
        %dma_wait3A_60 = arith.constant 0 : i32
        %dma_wait3A_61 = tpu.memref_slice %arg7[%dma_wait3A_60] : memref<10240xf32, #tpu.memory_space<vmem_shared>> -> memref<10240xf32, #tpu.memory_space<vmem_shared>>
        tpu.wait_indirect_dma semaphore(%run_scoped3A_53 : memref<!tpu.dma_semaphore, #tpu.memory_space<semaphore_mem>>) src(%arg6 : memref<64xf32, #tpu.memory_space<vmem>>) dst(%dma_wait3A_61 : memref<10240xf32, #tpu.memory_space<vmem_shared>>)
        tpu.yield
      }) : () -> ()
      %run_scoped3A_46 = arith.constant 1 : i32
      "tpu.region"() ({
        %run_scoped3A_53 = tpu.sem_alloc : memref<!tpu.dma_semaphore, #tpu.memory_space<semaphore_mem>>
        %dma_start3A = arith.constant 0 : i32
        %dma_start3A_54 = tpu.memref_slice %arg5[%run_scoped3A_46, %dma_start3A] : memref<8x64xi32, #tpu.memory_space<vmem>> -> memref<1x64xi32, #tpu.memory_space<vmem>>
        %dma_start3A_55 = tpu.memref_squeeze %dma_start3A_54 : memref<1x64xi32, #tpu.memory_space<vmem>> -> memref<64xi32, #tpu.memory_space<vmem>>
        %dma_start3A_56 = arith.constant 0 : i32
        %dma_start3A_57 = tpu.memref_slice %arg7[%dma_start3A_56] : memref<10240xf32, #tpu.memory_space<vmem_shared>> -> memref<10240xf32, #tpu.memory_space<vmem_shared>>
        tpu.enqueue_indirect_dma source(%arg6 : memref<64xf32, #tpu.memory_space<vmem>>) target(%dma_start3A_57 : memref<10240xf32, #tpu.memory_space<vmem_shared>>) offsets(%dma_start3A_55 : memref<64xi32, #tpu.memory_space<vmem>>) semaphore(%run_scoped3A_53 : memref<!tpu.dma_semaphore, #tpu.memory_space<semaphore_mem>>) {add = true}
        %dma_wait3A = arith.constant 0 : i32
        %dma_wait3A_58 = tpu.memref_slice %arg5[%run_scoped3A_46, %dma_wait3A] : memref<8x64xi32, #tpu.memory_space<vmem>> -> memref<1x64xi32, #tpu.memory_space<vmem>>
        %dma_wait3A_59 = tpu.memref_squeeze %dma_wait3A_58 : memref<1x64xi32, #tpu.memory_space<vmem>> -> memref<64xi32, #tpu.memory_space<vmem>>
        %dma_wait3A_60 = arith.constant 0 : i32
        %dma_wait3A_61 = tpu.memref_slice %arg7[%dma_wait3A_60] : memref<10240xf32, #tpu.memory_space<vmem_shared>> -> memref<10240xf32, #tpu.memory_space<vmem_shared>>
        tpu.wait_indirect_dma semaphore(%run_scoped3A_53 : memref<!tpu.dma_semaphore, #tpu.memory_space<semaphore_mem>>) src(%arg6 : memref<64xf32, #tpu.memory_space<vmem>>) dst(%dma_wait3A_61 : memref<10240xf32, #tpu.memory_space<vmem_shared>>)
        tpu.yield
      }) : () -> ()
      %run_scoped3A_47 = arith.constant 2 : i32
      "tpu.region"() ({
        %run_scoped3A_53 = tpu.sem_alloc : memref<!tpu.dma_semaphore, #tpu.memory_space<semaphore_mem>>
        %dma_start3A = arith.constant 0 : i32
        %dma_start3A_54 = tpu.memref_slice %arg5[%run_scoped3A_47, %dma_start3A] : memref<8x64xi32, #tpu.memory_space<vmem>> -> memref<1x64xi32, #tpu.memory_space<vmem>>
        %dma_start3A_55 = tpu.memref_squeeze %dma_start3A_54 : memref<1x64xi32, #tpu.memory_space<vmem>> -> memref<64xi32, #tpu.memory_space<vmem>>
        %dma_start3A_56 = arith.constant 0 : i32
        %dma_start3A_57 = tpu.memref_slice %arg7[%dma_start3A_56] : memref<10240xf32, #tpu.memory_space<vmem_shared>> -> memref<10240xf32, #tpu.memory_space<vmem_shared>>
        tpu.enqueue_indirect_dma source(%arg6 : memref<64xf32, #tpu.memory_space<vmem>>) target(%dma_start3A_57 : memref<10240xf32, #tpu.memory_space<vmem_shared>>) offsets(%dma_start3A_55 : memref<64xi32, #tpu.memory_space<vmem>>) semaphore(%run_scoped3A_53 : memref<!tpu.dma_semaphore, #tpu.memory_space<semaphore_mem>>) {add = true}
        %dma_wait3A = arith.constant 0 : i32
        %dma_wait3A_58 = tpu.memref_slice %arg5[%run_scoped3A_47, %dma_wait3A] : memref<8x64xi32, #tpu.memory_space<vmem>> -> memref<1x64xi32, #tpu.memory_space<vmem>>
        %dma_wait3A_59 = tpu.memref_squeeze %dma_wait3A_58 : memref<1x64xi32, #tpu.memory_space<vmem>> -> memref<64xi32, #tpu.memory_space<vmem>>
        %dma_wait3A_60 = arith.constant 0 : i32
        %dma_wait3A_61 = tpu.memref_slice %arg7[%dma_wait3A_60] : memref<10240xf32, #tpu.memory_space<vmem_shared>> -> memref<10240xf32, #tpu.memory_space<vmem_shared>>
        tpu.wait_indirect_dma semaphore(%run_scoped3A_53 : memref<!tpu.dma_semaphore, #tpu.memory_space<semaphore_mem>>) src(%arg6 : memref<64xf32, #tpu.memory_space<vmem>>) dst(%dma_wait3A_61 : memref<10240xf32, #tpu.memory_space<vmem_shared>>)
        tpu.yield
      }) : () -> ()
      %run_scoped3A_48 = arith.constant 3 : i32
      "tpu.region"() ({
        %run_scoped3A_53 = tpu.sem_alloc : memref<!tpu.dma_semaphore, #tpu.memory_space<semaphore_mem>>
        %dma_start3A = arith.constant 0 : i32
        %dma_start3A_54 = tpu.memref_slice %arg5[%run_scoped3A_48, %dma_start3A] : memref<8x64xi32, #tpu.memory_space<vmem>> -> memref<1x64xi32, #tpu.memory_space<vmem>>
        %dma_start3A_55 = tpu.memref_squeeze %dma_start3A_54 : memref<1x64xi32, #tpu.memory_space<vmem>> -> memref<64xi32, #tpu.memory_space<vmem>>
        %dma_start3A_56 = arith.constant 0 : i32
        %dma_start3A_57 = tpu.memref_slice %arg7[%dma_start3A_56] : memref<10240xf32, #tpu.memory_space<vmem_shared>> -> memref<10240xf32, #tpu.memory_space<vmem_shared>>
        tpu.enqueue_indirect_dma source(%arg6 : memref<64xf32, #tpu.memory_space<vmem>>) target(%dma_start3A_57 : memref<10240xf32, #tpu.memory_space<vmem_shared>>) offsets(%dma_start3A_55 : memref<64xi32, #tpu.memory_space<vmem>>) semaphore(%run_scoped3A_53 : memref<!tpu.dma_semaphore, #tpu.memory_space<semaphore_mem>>) {add = true}
        %dma_wait3A = arith.constant 0 : i32
        %dma_wait3A_58 = tpu.memref_slice %arg5[%run_scoped3A_48, %dma_wait3A] : memref<8x64xi32, #tpu.memory_space<vmem>> -> memref<1x64xi32, #tpu.memory_space<vmem>>
        %dma_wait3A_59 = tpu.memref_squeeze %dma_wait3A_58 : memref<1x64xi32, #tpu.memory_space<vmem>> -> memref<64xi32, #tpu.memory_space<vmem>>
        %dma_wait3A_60 = arith.constant 0 : i32
        %dma_wait3A_61 = tpu.memref_slice %arg7[%dma_wait3A_60] : memref<10240xf32, #tpu.memory_space<vmem_shared>> -> memref<10240xf32, #tpu.memory_space<vmem_shared>>
        tpu.wait_indirect_dma semaphore(%run_scoped3A_53 : memref<!tpu.dma_semaphore, #tpu.memory_space<semaphore_mem>>) src(%arg6 : memref<64xf32, #tpu.memory_space<vmem>>) dst(%dma_wait3A_61 : memref<10240xf32, #tpu.memory_space<vmem_shared>>)
        tpu.yield
      }) : () -> ()
      %run_scoped3A_49 = arith.constant 4 : i32
      "tpu.region"() ({
        %run_scoped3A_53 = tpu.sem_alloc : memref<!tpu.dma_semaphore, #tpu.memory_space<semaphore_mem>>
        %dma_start3A = arith.constant 0 : i32
        %dma_start3A_54 = tpu.memref_slice %arg5[%run_scoped3A_49, %dma_start3A] : memref<8x64xi32, #tpu.memory_space<vmem>> -> memref<1x64xi32, #tpu.memory_space<vmem>>
        %dma_start3A_55 = tpu.memref_squeeze %dma_start3A_54 : memref<1x64xi32, #tpu.memory_space<vmem>> -> memref<64xi32, #tpu.memory_space<vmem>>
        %dma_start3A_56 = arith.constant 0 : i32
        %dma_start3A_57 = tpu.memref_slice %arg7[%dma_start3A_56] : memref<10240xf32, #tpu.memory_space<vmem_shared>> -> memref<10240xf32, #tpu.memory_space<vmem_shared>>
        tpu.enqueue_indirect_dma source(%arg6 : memref<64xf32, #tpu.memory_space<vmem>>) target(%dma_start3A_57 : memref<10240xf32, #tpu.memory_space<vmem_shared>>) offsets(%dma_start3A_55 : memref<64xi32, #tpu.memory_space<vmem>>) semaphore(%run_scoped3A_53 : memref<!tpu.dma_semaphore, #tpu.memory_space<semaphore_mem>>) {add = true}
        %dma_wait3A = arith.constant 0 : i32
        %dma_wait3A_58 = tpu.memref_slice %arg5[%run_scoped3A_49, %dma_wait3A] : memref<8x64xi32, #tpu.memory_space<vmem>> -> memref<1x64xi32, #tpu.memory_space<vmem>>
        %dma_wait3A_59 = tpu.memref_squeeze %dma_wait3A_58 : memref<1x64xi32, #tpu.memory_space<vmem>> -> memref<64xi32, #tpu.memory_space<vmem>>
        %dma_wait3A_60 = arith.constant 0 : i32
        %dma_wait3A_61 = tpu.memref_slice %arg7[%dma_wait3A_60] : memref<10240xf32, #tpu.memory_space<vmem_shared>> -> memref<10240xf32, #tpu.memory_space<vmem_shared>>
        tpu.wait_indirect_dma semaphore(%run_scoped3A_53 : memref<!tpu.dma_semaphore, #tpu.memory_space<semaphore_mem>>) src(%arg6 : memref<64xf32, #tpu.memory_space<vmem>>) dst(%dma_wait3A_61 : memref<10240xf32, #tpu.memory_space<vmem_shared>>)
        tpu.yield
      }) : () -> ()
      %run_scoped3A_50 = arith.constant 5 : i32
      "tpu.region"() ({
        %run_scoped3A_53 = tpu.sem_alloc : memref<!tpu.dma_semaphore, #tpu.memory_space<semaphore_mem>>
        %dma_start3A = arith.constant 0 : i32
        %dma_start3A_54 = tpu.memref_slice %arg5[%run_scoped3A_50, %dma_start3A] : memref<8x64xi32, #tpu.memory_space<vmem>> -> memref<1x64xi32, #tpu.memory_space<vmem>>
        %dma_start3A_55 = tpu.memref_squeeze %dma_start3A_54 : memref<1x64xi32, #tpu.memory_space<vmem>> -> memref<64xi32, #tpu.memory_space<vmem>>
        %dma_start3A_56 = arith.constant 0 : i32
        %dma_start3A_57 = tpu.memref_slice %arg7[%dma_start3A_56] : memref<10240xf32, #tpu.memory_space<vmem_shared>> -> memref<10240xf32, #tpu.memory_space<vmem_shared>>
        tpu.enqueue_indirect_dma source(%arg6 : memref<64xf32, #tpu.memory_space<vmem>>) target(%dma_start3A_57 : memref<10240xf32, #tpu.memory_space<vmem_shared>>) offsets(%dma_start3A_55 : memref<64xi32, #tpu.memory_space<vmem>>) semaphore(%run_scoped3A_53 : memref<!tpu.dma_semaphore, #tpu.memory_space<semaphore_mem>>) {add = true}
        %dma_wait3A = arith.constant 0 : i32
        %dma_wait3A_58 = tpu.memref_slice %arg5[%run_scoped3A_50, %dma_wait3A] : memref<8x64xi32, #tpu.memory_space<vmem>> -> memref<1x64xi32, #tpu.memory_space<vmem>>
        %dma_wait3A_59 = tpu.memref_squeeze %dma_wait3A_58 : memref<1x64xi32, #tpu.memory_space<vmem>> -> memref<64xi32, #tpu.memory_space<vmem>>
        %dma_wait3A_60 = arith.constant 0 : i32
        %dma_wait3A_61 = tpu.memref_slice %arg7[%dma_wait3A_60] : memref<10240xf32, #tpu.memory_space<vmem_shared>> -> memref<10240xf32, #tpu.memory_space<vmem_shared>>
        tpu.wait_indirect_dma semaphore(%run_scoped3A_53 : memref<!tpu.dma_semaphore, #tpu.memory_space<semaphore_mem>>) src(%arg6 : memref<64xf32, #tpu.memory_space<vmem>>) dst(%dma_wait3A_61 : memref<10240xf32, #tpu.memory_space<vmem_shared>>)
        tpu.yield
      }) : () -> ()
      %run_scoped3A_51 = arith.constant 6 : i32
      "tpu.region"() ({
        %run_scoped3A_53 = tpu.sem_alloc : memref<!tpu.dma_semaphore, #tpu.memory_space<semaphore_mem>>
        %dma_start3A = arith.constant 0 : i32
        %dma_start3A_54 = tpu.memref_slice %arg5[%run_scoped3A_51, %dma_start3A] : memref<8x64xi32, #tpu.memory_space<vmem>> -> memref<1x64xi32, #tpu.memory_space<vmem>>
        %dma_start3A_55 = tpu.memref_squeeze %dma_start3A_54 : memref<1x64xi32, #tpu.memory_space<vmem>> -> memref<64xi32, #tpu.memory_space<vmem>>
        %dma_start3A_56 = arith.constant 0 : i32
        %dma_start3A_57 = tpu.memref_slice %arg7[%dma_start3A_56] : memref<10240xf32, #tpu.memory_space<vmem_shared>> -> memref<10240xf32, #tpu.memory_space<vmem_shared>>
        tpu.enqueue_indirect_dma source(%arg6 : memref<64xf32, #tpu.memory_space<vmem>>) target(%dma_start3A_57 : memref<10240xf32, #tpu.memory_space<vmem_shared>>) offsets(%dma_start3A_55 : memref<64xi32, #tpu.memory_space<vmem>>) semaphore(%run_scoped3A_53 : memref<!tpu.dma_semaphore, #tpu.memory_space<semaphore_mem>>) {add = true}
        %dma_wait3A = arith.constant 0 : i32
        %dma_wait3A_58 = tpu.memref_slice %arg5[%run_scoped3A_51, %dma_wait3A] : memref<8x64xi32, #tpu.memory_space<vmem>> -> memref<1x64xi32, #tpu.memory_space<vmem>>
        %dma_wait3A_59 = tpu.memref_squeeze %dma_wait3A_58 : memref<1x64xi32, #tpu.memory_space<vmem>> -> memref<64xi32, #tpu.memory_space<vmem>>
        %dma_wait3A_60 = arith.constant 0 : i32
        %dma_wait3A_61 = tpu.memref_slice %arg7[%dma_wait3A_60] : memref<10240xf32, #tpu.memory_space<vmem_shared>> -> memref<10240xf32, #tpu.memory_space<vmem_shared>>
        tpu.wait_indirect_dma semaphore(%run_scoped3A_53 : memref<!tpu.dma_semaphore, #tpu.memory_space<semaphore_mem>>) src(%arg6 : memref<64xf32, #tpu.memory_space<vmem>>) dst(%dma_wait3A_61 : memref<10240xf32, #tpu.memory_space<vmem_shared>>)
        tpu.yield
      }) : () -> ()
      %run_scoped3A_52 = arith.constant 7 : i32
      "tpu.region"() ({
        %run_scoped3A_53 = tpu.sem_alloc : memref<!tpu.dma_semaphore, #tpu.memory_space<semaphore_mem>>
        %dma_start3A = arith.constant 0 : i32
        %dma_start3A_54 = tpu.memref_slice %arg5[%run_scoped3A_52, %dma_start3A] : memref<8x64xi32, #tpu.memory_space<vmem>> -> memref<1x64xi32, #tpu.memory_space<vmem>>
        %dma_start3A_55 = tpu.memref_squeeze %dma_start3A_54 : memref<1x64xi32, #tpu.memory_space<vmem>> -> memref<64xi32, #tpu.memory_space<vmem>>
        %dma_start3A_56 = arith.constant 0 : i32
        %dma_start3A_57 = tpu.memref_slice %arg7[%dma_start3A_56] : memref<10240xf32, #tpu.memory_space<vmem_shared>> -> memref<10240xf32, #tpu.memory_space<vmem_shared>>
        tpu.enqueue_indirect_dma source(%arg6 : memref<64xf32, #tpu.memory_space<vmem>>) target(%dma_start3A_57 : memref<10240xf32, #tpu.memory_space<vmem_shared>>) offsets(%dma_start3A_55 : memref<64xi32, #tpu.memory_space<vmem>>) semaphore(%run_scoped3A_53 : memref<!tpu.dma_semaphore, #tpu.memory_space<semaphore_mem>>) {add = true}
        %dma_wait3A = arith.constant 0 : i32
        %dma_wait3A_58 = tpu.memref_slice %arg5[%run_scoped3A_52, %dma_wait3A] : memref<8x64xi32, #tpu.memory_space<vmem>> -> memref<1x64xi32, #tpu.memory_space<vmem>>
        %dma_wait3A_59 = tpu.memref_squeeze %dma_wait3A_58 : memref<1x64xi32, #tpu.memory_space<vmem>> -> memref<64xi32, #tpu.memory_space<vmem>>
        %dma_wait3A_60 = arith.constant 0 : i32
        %dma_wait3A_61 = tpu.memref_slice %arg7[%dma_wait3A_60] : memref<10240xf32, #tpu.memory_space<vmem_shared>> -> memref<10240xf32, #tpu.memory_space<vmem_shared>>
        tpu.wait_indirect_dma semaphore(%run_scoped3A_53 : memref<!tpu.dma_semaphore, #tpu.memory_space<semaphore_mem>>) src(%arg6 : memref<64xf32, #tpu.memory_space<vmem>>) dst(%dma_wait3A_61 : memref<10240xf32, #tpu.memory_space<vmem_shared>>)
        tpu.yield
      }) : () -> ()
    }
    %scan3A_29 = arith.constant 40 : i32
    %barrier3A_30 = arith.constant 0 : index
    tpu.barrier barrier_id(%barrier3A_30)
    %mul3A_31 = arith.constant 640 : i32
    %mul3A_32 = arith.muli %arg1, %mul3A_31 : i32
    %mul3A_33 = arith.constant 10240 : i32
    %mul3A_34 = arith.muli %arg0, %mul3A_33 : i32
    %mul3A_35 = arith.constant 640 : i32
    %mul3A_36 = arith.muli %arg1, %mul3A_35 : i32
    %add3A = arith.addi %mul3A_34, %mul3A_36 : i32
    "tpu.region"() ({
      %run_scoped3A = tpu.sem_alloc : memref<!tpu.dma_semaphore, #tpu.memory_space<semaphore_mem>>
      %dma_start3A = tpu.memref_slice %arg4[%add3A] : memref<20480xf32, #tpu.memory_space<hbm>> -> memref<640xf32, #tpu.memory_space<hbm>>
      %dma_start3A_37 = tpu.memref_slice %arg7[%mul3A_32] : memref<10240xf32, #tpu.memory_space<vmem_shared>> -> memref<640xf32, #tpu.memory_space<vmem_shared>>
      tpu.enqueue_dma source(%dma_start3A_37 : memref<640xf32, #tpu.memory_space<vmem_shared>>) target(%dma_start3A : memref<640xf32, #tpu.memory_space<hbm>>) target_semaphore(%run_scoped3A : memref<!tpu.dma_semaphore, #tpu.memory_space<semaphore_mem>>)
      %dma_wait3A = tpu.memref_slice %arg4[%add3A] : memref<20480xf32, #tpu.memory_space<hbm>> -> memref<640xf32, #tpu.memory_space<hbm>>
      %dma_wait3A_38 = tpu.memref_slice %arg7[%mul3A_32] : memref<10240xf32, #tpu.memory_space<vmem_shared>> -> memref<640xf32, #tpu.memory_space<vmem_shared>>
      tpu.wait_dma2 semaphore(%run_scoped3A : memref<!tpu.dma_semaphore, #tpu.memory_space<semaphore_mem>>) src(%dma_wait3A_38 : memref<640xf32, #tpu.memory_space<vmem_shared>>) dst(%dma_wait3A : memref<640xf32, #tpu.memory_space<hbm>>)
      tpu.yield
    }) : () -> ()
    return
  }
}

#map = affine_map<(d0, d1) -> (0, 0)>
module attributes {stable_mosaic.version = 14 : i64} {
  func.func @_agg_kernel(%arg0: i32, %arg1: i32, %arg2: memref<20480x128xf32, #tpu.memory_space<hbm>>, %arg3: memref<10240x64xi32, #tpu.memory_space<hbm>>, %arg4: memref<10240x64xi32, #tpu.memory_space<hbm>>, %arg5: memref<10240x128xf32, #tpu.memory_space<hbm>>, %arg6: memref<20480x128xf32, #tpu.memory_space<hbm>>, %arg7: memref<8x64xi32, #tpu.memory_space<vmem>>, %arg8: memref<8x64xi32, #tpu.memory_space<vmem>>, %arg9: memref<64x128xf32, #tpu.memory_space<vmem>>, %arg10: memref<64x128xf32, #tpu.memory_space<vmem>>, %arg11: memref<64x128xf32, #tpu.memory_space<vmem>>, %arg12: memref<64x128xf32, #tpu.memory_space<vmem>>, %arg13: memref<10240x128xf32, #tpu.memory_space<vmem_shared>>, %arg14: memref<!tpu.dma_semaphore, #tpu.memory_space<semaphore_mem>>, %arg15: memref<!tpu.dma_semaphore, #tpu.memory_space<semaphore_mem>>) attributes {dimension_semantics = [#tpu.dimension_semantics<core_parallel>, #tpu.dimension_semantics<subcore_parallel>], iteration_bounds = array<i64: 2, 16>, scalar_prefetch = 0 : i64, scratch_operands = 9 : i64, tpu.core_type = #tpu.core_type<sc_vector_subcore>, window_params = [{transform_indices = #map}, {transform_indices = #map}, {transform_indices = #map}, {transform_indices = #map}, {transform_indices = #map}]} {
    %mul3A = arith.constant 640 : i32
    %mul3A_0 = arith.muli %arg1, %mul3A : i32
    %mul3A_1 = arith.constant 640 : i32
    %mul3A_2 = arith.muli %arg1, %mul3A_1 : i32
    "tpu.region"() ({
      %run_scoped3A = tpu.sem_alloc : memref<!tpu.dma_semaphore, #tpu.memory_space<semaphore_mem>>
      %dma_start3A = arith.constant 0 : i32
      %dma_start3A_15 = tpu.memref_slice %arg13[%mul3A_2, %dma_start3A] : memref<10240x128xf32, #tpu.memory_space<vmem_shared>> -> memref<640x128xf32, #tpu.memory_space<vmem_shared>>
      %dma_start3A_16 = arith.constant 0 : i32
      %dma_start3A_17 = tpu.memref_slice %arg5[%mul3A_0, %dma_start3A_16] : memref<10240x128xf32, #tpu.memory_space<hbm>> -> memref<640x128xf32, #tpu.memory_space<hbm>>
      tpu.enqueue_dma source(%dma_start3A_17 : memref<640x128xf32, #tpu.memory_space<hbm>>) target(%dma_start3A_15 : memref<640x128xf32, #tpu.memory_space<vmem_shared>>) target_semaphore(%run_scoped3A : memref<!tpu.dma_semaphore, #tpu.memory_space<semaphore_mem>>)
      %dma_wait3A = arith.constant 0 : i32
      %dma_wait3A_18 = tpu.memref_slice %arg13[%mul3A_2, %dma_wait3A] : memref<10240x128xf32, #tpu.memory_space<vmem_shared>> -> memref<640x128xf32, #tpu.memory_space<vmem_shared>>
      %dma_wait3A_19 = arith.constant 0 : i32
      %dma_wait3A_20 = tpu.memref_slice %arg5[%mul3A_0, %dma_wait3A_19] : memref<10240x128xf32, #tpu.memory_space<hbm>> -> memref<640x128xf32, #tpu.memory_space<hbm>>
      tpu.wait_dma2 semaphore(%run_scoped3A : memref<!tpu.dma_semaphore, #tpu.memory_space<semaphore_mem>>) src(%dma_wait3A_20 : memref<640x128xf32, #tpu.memory_space<hbm>>) dst(%dma_wait3A_18 : memref<640x128xf32, #tpu.memory_space<vmem_shared>>)
      tpu.yield
    }) : () -> ()
    %barrier3A = arith.constant 0 : index
    tpu.barrier barrier_id(%barrier3A)
    %scan3A = arith.constant 0 : i32
    %scan3A_3 = arith.constant 0 : i32
    %scan3A_4 = arith.constant 40 : i32
    %scan3A_5 = arith.addi %scan3A_3, %scan3A_4 : i32
    %scan3A_6 = arith.constant 1 : i32
    scf.for %scan3A_15 = %scan3A_3 to %scan3A_5 step %scan3A_6  : i32 {
      %mul3A_16 = arith.constant 5120 : i32
      %mul3A_17 = arith.muli %arg0, %mul3A_16 : i32
      %mul3A_18 = arith.constant 320 : i32
      %mul3A_19 = arith.muli %arg1, %mul3A_18 : i32
      %add3A_20 = arith.addi %mul3A_17, %mul3A_19 : i32
      %mul3A_21 = arith.constant 8 : i32
      %mul3A_22 = arith.muli %scan3A_15, %mul3A_21 : i32
      %add3A_23 = arith.addi %add3A_20, %mul3A_22 : i32
      "tpu.region"() ({
        %run_scoped3A = tpu.sem_alloc : memref<!tpu.dma_semaphore, #tpu.memory_space<semaphore_mem>>
        %dma_start3A_246 = arith.constant 0 : i32
        %dma_start3A_247 = tpu.memref_slice %arg3[%add3A_23, %dma_start3A_246] : memref<10240x64xi32, #tpu.memory_space<hbm>> -> memref<8x64xi32, #tpu.memory_space<hbm>>
        %dma_start3A_248 = arith.constant 0 : i32
        %dma_start3A_249 = tpu.memref_slice %arg3[%add3A_23, %dma_start3A_248] : memref<10240x64xi32, #tpu.memory_space<hbm>> -> memref<8x64xi32, #tpu.memory_space<hbm>>
        tpu.enqueue_dma source(%dma_start3A_249 : memref<8x64xi32, #tpu.memory_space<hbm>>) target(%arg7 : memref<8x64xi32, #tpu.memory_space<vmem>>) target_semaphore(%run_scoped3A : memref<!tpu.dma_semaphore, #tpu.memory_space<semaphore_mem>>)
        %dma_wait3A_250 = arith.constant 0 : i32
        %dma_wait3A_251 = tpu.memref_slice %arg3[%add3A_23, %dma_wait3A_250] : memref<10240x64xi32, #tpu.memory_space<hbm>> -> memref<8x64xi32, #tpu.memory_space<hbm>>
        %dma_wait3A_252 = arith.constant 0 : i32
        %dma_wait3A_253 = tpu.memref_slice %arg3[%add3A_23, %dma_wait3A_252] : memref<10240x64xi32, #tpu.memory_space<hbm>> -> memref<8x64xi32, #tpu.memory_space<hbm>>
        tpu.wait_dma2 semaphore(%run_scoped3A : memref<!tpu.dma_semaphore, #tpu.memory_space<semaphore_mem>>) src(%dma_wait3A_253 : memref<8x64xi32, #tpu.memory_space<hbm>>) dst(%arg7 : memref<8x64xi32, #tpu.memory_space<vmem>>)
        tpu.yield
      }) : () -> ()
      "tpu.region"() ({
        %run_scoped3A = tpu.sem_alloc : memref<!tpu.dma_semaphore, #tpu.memory_space<semaphore_mem>>
        %dma_start3A_246 = arith.constant 0 : i32
        %dma_start3A_247 = tpu.memref_slice %arg4[%add3A_23, %dma_start3A_246] : memref<10240x64xi32, #tpu.memory_space<hbm>> -> memref<8x64xi32, #tpu.memory_space<hbm>>
        %dma_start3A_248 = arith.constant 0 : i32
        %dma_start3A_249 = tpu.memref_slice %arg4[%add3A_23, %dma_start3A_248] : memref<10240x64xi32, #tpu.memory_space<hbm>> -> memref<8x64xi32, #tpu.memory_space<hbm>>
        tpu.enqueue_dma source(%dma_start3A_249 : memref<8x64xi32, #tpu.memory_space<hbm>>) target(%arg8 : memref<8x64xi32, #tpu.memory_space<vmem>>) target_semaphore(%run_scoped3A : memref<!tpu.dma_semaphore, #tpu.memory_space<semaphore_mem>>)
        %dma_wait3A_250 = arith.constant 0 : i32
        %dma_wait3A_251 = tpu.memref_slice %arg4[%add3A_23, %dma_wait3A_250] : memref<10240x64xi32, #tpu.memory_space<hbm>> -> memref<8x64xi32, #tpu.memory_space<hbm>>
        %dma_wait3A_252 = arith.constant 0 : i32
        %dma_wait3A_253 = tpu.memref_slice %arg4[%add3A_23, %dma_wait3A_252] : memref<10240x64xi32, #tpu.memory_space<hbm>> -> memref<8x64xi32, #tpu.memory_space<hbm>>
        tpu.wait_dma2 semaphore(%run_scoped3A : memref<!tpu.dma_semaphore, #tpu.memory_space<semaphore_mem>>) src(%dma_wait3A_253 : memref<8x64xi32, #tpu.memory_space<hbm>>) dst(%arg8 : memref<8x64xi32, #tpu.memory_space<vmem>>)
        tpu.yield
      }) : () -> ()
      %dma_start3A = arith.constant 0 : i32
      %dma_start3A_24 = arith.constant 0 : i32
      %dma_start3A_25 = tpu.memref_slice %arg7[%dma_start3A, %dma_start3A_24] : memref<8x64xi32, #tpu.memory_space<vmem>> -> memref<1x64xi32, #tpu.memory_space<vmem>>
      %dma_start3A_26 = tpu.memref_squeeze %dma_start3A_25 : memref<1x64xi32, #tpu.memory_space<vmem>> -> memref<64xi32, #tpu.memory_space<vmem>>
      %dma_start3A_27 = arith.constant 0 : i32
      %dma_start3A_28 = arith.constant 0 : i32
      %dma_start3A_29 = tpu.memref_slice %arg2[%dma_start3A_27, %dma_start3A_28] : memref<20480x128xf32, #tpu.memory_space<hbm>> -> memref<20480x128xf32, #tpu.memory_space<hbm>>
      tpu.enqueue_indirect_dma source(%dma_start3A_29 : memref<20480x128xf32, #tpu.memory_space<hbm>>) target(%arg9 : memref<64x128xf32, #tpu.memory_space<vmem>>) offsets(%dma_start3A_26 : memref<64xi32, #tpu.memory_space<vmem>>) semaphore(%arg14 : memref<!tpu.dma_semaphore, #tpu.memory_space<semaphore_mem>>)
      %dma_start3A_30 = arith.constant 1 : i32
      %dma_start3A_31 = arith.constant 0 : i32
      %dma_start3A_32 = tpu.memref_slice %arg7[%dma_start3A_30, %dma_start3A_31] : memref<8x64xi32, #tpu.memory_space<vmem>> -> memref<1x64xi32, #tpu.memory_space<vmem>>
      %dma_start3A_33 = tpu.memref_squeeze %dma_start3A_32 : memref<1x64xi32, #tpu.memory_space<vmem>> -> memref<64xi32, #tpu.memory_space<vmem>>
      %dma_start3A_34 = arith.constant 0 : i32
      %dma_start3A_35 = arith.constant 0 : i32
      %dma_start3A_36 = tpu.memref_slice %arg2[%dma_start3A_34, %dma_start3A_35] : memref<20480x128xf32, #tpu.memory_space<hbm>> -> memref<20480x128xf32, #tpu.memory_space<hbm>>
      tpu.enqueue_indirect_dma source(%dma_start3A_36 : memref<20480x128xf32, #tpu.memory_space<hbm>>) target(%arg10 : memref<64x128xf32, #tpu.memory_space<vmem>>) offsets(%dma_start3A_33 : memref<64xi32, #tpu.memory_space<vmem>>) semaphore(%arg14 : memref<!tpu.dma_semaphore, #tpu.memory_space<semaphore_mem>>)
      %dma_start3A_37 = arith.constant 2 : i32
      %dma_start3A_38 = arith.constant 0 : i32
      %dma_start3A_39 = tpu.memref_slice %arg7[%dma_start3A_37, %dma_start3A_38] : memref<8x64xi32, #tpu.memory_space<vmem>> -> memref<1x64xi32, #tpu.memory_space<vmem>>
      %dma_start3A_40 = tpu.memref_squeeze %dma_start3A_39 : memref<1x64xi32, #tpu.memory_space<vmem>> -> memref<64xi32, #tpu.memory_space<vmem>>
      %dma_start3A_41 = arith.constant 0 : i32
      %dma_start3A_42 = arith.constant 0 : i32
      %dma_start3A_43 = tpu.memref_slice %arg2[%dma_start3A_41, %dma_start3A_42] : memref<20480x128xf32, #tpu.memory_space<hbm>> -> memref<20480x128xf32, #tpu.memory_space<hbm>>
      tpu.enqueue_indirect_dma source(%dma_start3A_43 : memref<20480x128xf32, #tpu.memory_space<hbm>>) target(%arg11 : memref<64x128xf32, #tpu.memory_space<vmem>>) offsets(%dma_start3A_40 : memref<64xi32, #tpu.memory_space<vmem>>) semaphore(%arg14 : memref<!tpu.dma_semaphore, #tpu.memory_space<semaphore_mem>>)
      %dma_wait3A = arith.constant 0 : i32
      %dma_wait3A_44 = arith.constant 0 : i32
      %dma_wait3A_45 = tpu.memref_slice %arg7[%dma_wait3A, %dma_wait3A_44] : memref<8x64xi32, #tpu.memory_space<vmem>> -> memref<1x64xi32, #tpu.memory_space<vmem>>
      %dma_wait3A_46 = tpu.memref_squeeze %dma_wait3A_45 : memref<1x64xi32, #tpu.memory_space<vmem>> -> memref<64xi32, #tpu.memory_space<vmem>>
      %dma_wait3A_47 = arith.constant 0 : i32
      %dma_wait3A_48 = arith.constant 0 : i32
      %dma_wait3A_49 = tpu.memref_slice %arg2[%dma_wait3A_47, %dma_wait3A_48] : memref<20480x128xf32, #tpu.memory_space<hbm>> -> memref<20480x128xf32, #tpu.memory_space<hbm>>
      tpu.wait_indirect_dma semaphore(%arg14 : memref<!tpu.dma_semaphore, #tpu.memory_space<semaphore_mem>>) src(%dma_wait3A_49 : memref<20480x128xf32, #tpu.memory_space<hbm>>) dst(%arg9 : memref<64x128xf32, #tpu.memory_space<vmem>>)
      %dma_start3A_50 = arith.constant 0 : i32
      %dma_start3A_51 = arith.constant 0 : i32
      %dma_start3A_52 = tpu.memref_slice %arg8[%dma_start3A_50, %dma_start3A_51] : memref<8x64xi32, #tpu.memory_space<vmem>> -> memref<1x64xi32, #tpu.memory_space<vmem>>
      %dma_start3A_53 = tpu.memref_squeeze %dma_start3A_52 : memref<1x64xi32, #tpu.memory_space<vmem>> -> memref<64xi32, #tpu.memory_space<vmem>>
      %dma_start3A_54 = arith.constant 0 : i32
      %dma_start3A_55 = arith.constant 0 : i32
      %dma_start3A_56 = tpu.memref_slice %arg13[%dma_start3A_54, %dma_start3A_55] : memref<10240x128xf32, #tpu.memory_space<vmem_shared>> -> memref<10240x128xf32, #tpu.memory_space<vmem_shared>>
      tpu.enqueue_indirect_dma source(%arg9 : memref<64x128xf32, #tpu.memory_space<vmem>>) target(%dma_start3A_56 : memref<10240x128xf32, #tpu.memory_space<vmem_shared>>) offsets(%dma_start3A_53 : memref<64xi32, #tpu.memory_space<vmem>>) semaphore(%arg15 : memref<!tpu.dma_semaphore, #tpu.memory_space<semaphore_mem>>) {add = true}
      %dma_start3A_57 = arith.constant 3 : i32
      %dma_start3A_58 = arith.constant 0 : i32
      %dma_start3A_59 = tpu.memref_slice %arg7[%dma_start3A_57, %dma_start3A_58] : memref<8x64xi32, #tpu.memory_space<vmem>> -> memref<1x64xi32, #tpu.memory_space<vmem>>
      %dma_start3A_60 = tpu.memref_squeeze %dma_start3A_59 : memref<1x64xi32, #tpu.memory_space<vmem>> -> memref<64xi32, #tpu.memory_space<vmem>>
      %dma_start3A_61 = arith.constant 0 : i32
      %dma_start3A_62 = arith.constant 0 : i32
      %dma_start3A_63 = tpu.memref_slice %arg2[%dma_start3A_61, %dma_start3A_62] : memref<20480x128xf32, #tpu.memory_space<hbm>> -> memref<20480x128xf32, #tpu.memory_space<hbm>>
      tpu.enqueue_indirect_dma source(%dma_start3A_63 : memref<20480x128xf32, #tpu.memory_space<hbm>>) target(%arg12 : memref<64x128xf32, #tpu.memory_space<vmem>>) offsets(%dma_start3A_60 : memref<64xi32, #tpu.memory_space<vmem>>) semaphore(%arg14 : memref<!tpu.dma_semaphore, #tpu.memory_space<semaphore_mem>>)
      %dma_wait3A_64 = arith.constant 1 : i32
      %dma_wait3A_65 = arith.constant 0 : i32
      %dma_wait3A_66 = tpu.memref_slice %arg7[%dma_wait3A_64, %dma_wait3A_65] : memref<8x64xi32, #tpu.memory_space<vmem>> -> memref<1x64xi32, #tpu.memory_space<vmem>>
      %dma_wait3A_67 = tpu.memref_squeeze %dma_wait3A_66 : memref<1x64xi32, #tpu.memory_space<vmem>> -> memref<64xi32, #tpu.memory_space<vmem>>
      %dma_wait3A_68 = arith.constant 0 : i32
      %dma_wait3A_69 = arith.constant 0 : i32
      %dma_wait3A_70 = tpu.memref_slice %arg2[%dma_wait3A_68, %dma_wait3A_69] : memref<20480x128xf32, #tpu.memory_space<hbm>> -> memref<20480x128xf32, #tpu.memory_space<hbm>>
      tpu.wait_indirect_dma semaphore(%arg14 : memref<!tpu.dma_semaphore, #tpu.memory_space<semaphore_mem>>) src(%dma_wait3A_70 : memref<20480x128xf32, #tpu.memory_space<hbm>>) dst(%arg10 : memref<64x128xf32, #tpu.memory_space<vmem>>)
      %dma_start3A_71 = arith.constant 1 : i32
      %dma_start3A_72 = arith.constant 0 : i32
      %dma_start3A_73 = tpu.memref_slice %arg8[%dma_start3A_71, %dma_start3A_72] : memref<8x64xi32, #tpu.memory_space<vmem>> -> memref<1x64xi32, #tpu.memory_space<vmem>>
      %dma_start3A_74 = tpu.memref_squeeze %dma_start3A_73 : memref<1x64xi32, #tpu.memory_space<vmem>> -> memref<64xi32, #tpu.memory_space<vmem>>
      %dma_start3A_75 = arith.constant 0 : i32
      %dma_start3A_76 = arith.constant 0 : i32
      %dma_start3A_77 = tpu.memref_slice %arg13[%dma_start3A_75, %dma_start3A_76] : memref<10240x128xf32, #tpu.memory_space<vmem_shared>> -> memref<10240x128xf32, #tpu.memory_space<vmem_shared>>
      tpu.enqueue_indirect_dma source(%arg10 : memref<64x128xf32, #tpu.memory_space<vmem>>) target(%dma_start3A_77 : memref<10240x128xf32, #tpu.memory_space<vmem_shared>>) offsets(%dma_start3A_74 : memref<64xi32, #tpu.memory_space<vmem>>) semaphore(%arg15 : memref<!tpu.dma_semaphore, #tpu.memory_space<semaphore_mem>>) {add = true}
      %dma_wait3A_78 = arith.constant 0 : i32
      %dma_wait3A_79 = arith.constant 0 : i32
      %dma_wait3A_80 = tpu.memref_slice %arg8[%dma_wait3A_78, %dma_wait3A_79] : memref<8x64xi32, #tpu.memory_space<vmem>> -> memref<1x64xi32, #tpu.memory_space<vmem>>
      %dma_wait3A_81 = tpu.memref_squeeze %dma_wait3A_80 : memref<1x64xi32, #tpu.memory_space<vmem>> -> memref<64xi32, #tpu.memory_space<vmem>>
      %dma_wait3A_82 = arith.constant 0 : i32
      %dma_wait3A_83 = arith.constant 0 : i32
      %dma_wait3A_84 = tpu.memref_slice %arg13[%dma_wait3A_82, %dma_wait3A_83] : memref<10240x128xf32, #tpu.memory_space<vmem_shared>> -> memref<10240x128xf32, #tpu.memory_space<vmem_shared>>
      tpu.wait_indirect_dma semaphore(%arg15 : memref<!tpu.dma_semaphore, #tpu.memory_space<semaphore_mem>>) src(%arg9 : memref<64x128xf32, #tpu.memory_space<vmem>>) dst(%dma_wait3A_84 : memref<10240x128xf32, #tpu.memory_space<vmem_shared>>)
      %dma_start3A_85 = arith.constant 4 : i32
      %dma_start3A_86 = arith.constant 0 : i32
      %dma_start3A_87 = tpu.memref_slice %arg7[%dma_start3A_85, %dma_start3A_86] : memref<8x64xi32, #tpu.memory_space<vmem>> -> memref<1x64xi32, #tpu.memory_space<vmem>>
      %dma_start3A_88 = tpu.memref_squeeze %dma_start3A_87 : memref<1x64xi32, #tpu.memory_space<vmem>> -> memref<64xi32, #tpu.memory_space<vmem>>
      %dma_start3A_89 = arith.constant 0 : i32
      %dma_start3A_90 = arith.constant 0 : i32
      %dma_start3A_91 = tpu.memref_slice %arg2[%dma_start3A_89, %dma_start3A_90] : memref<20480x128xf32, #tpu.memory_space<hbm>> -> memref<20480x128xf32, #tpu.memory_space<hbm>>
      tpu.enqueue_indirect_dma source(%dma_start3A_91 : memref<20480x128xf32, #tpu.memory_space<hbm>>) target(%arg9 : memref<64x128xf32, #tpu.memory_space<vmem>>) offsets(%dma_start3A_88 : memref<64xi32, #tpu.memory_space<vmem>>) semaphore(%arg14 : memref<!tpu.dma_semaphore, #tpu.memory_space<semaphore_mem>>)
      %dma_wait3A_92 = arith.constant 2 : i32
      %dma_wait3A_93 = arith.constant 0 : i32
      %dma_wait3A_94 = tpu.memref_slice %arg7[%dma_wait3A_92, %dma_wait3A_93] : memref<8x64xi32, #tpu.memory_space<vmem>> -> memref<1x64xi32, #tpu.memory_space<vmem>>
      %dma_wait3A_95 = tpu.memref_squeeze %dma_wait3A_94 : memref<1x64xi32, #tpu.memory_space<vmem>> -> memref<64xi32, #tpu.memory_space<vmem>>
      %dma_wait3A_96 = arith.constant 0 : i32
      %dma_wait3A_97 = arith.constant 0 : i32
      %dma_wait3A_98 = tpu.memref_slice %arg2[%dma_wait3A_96, %dma_wait3A_97] : memref<20480x128xf32, #tpu.memory_space<hbm>> -> memref<20480x128xf32, #tpu.memory_space<hbm>>
      tpu.wait_indirect_dma semaphore(%arg14 : memref<!tpu.dma_semaphore, #tpu.memory_space<semaphore_mem>>) src(%dma_wait3A_98 : memref<20480x128xf32, #tpu.memory_space<hbm>>) dst(%arg11 : memref<64x128xf32, #tpu.memory_space<vmem>>)
      %dma_start3A_99 = arith.constant 2 : i32
      %dma_start3A_100 = arith.constant 0 : i32
      %dma_start3A_101 = tpu.memref_slice %arg8[%dma_start3A_99, %dma_start3A_100] : memref<8x64xi32, #tpu.memory_space<vmem>> -> memref<1x64xi32, #tpu.memory_space<vmem>>
      %dma_start3A_102 = tpu.memref_squeeze %dma_start3A_101 : memref<1x64xi32, #tpu.memory_space<vmem>> -> memref<64xi32, #tpu.memory_space<vmem>>
      %dma_start3A_103 = arith.constant 0 : i32
      %dma_start3A_104 = arith.constant 0 : i32
      %dma_start3A_105 = tpu.memref_slice %arg13[%dma_start3A_103, %dma_start3A_104] : memref<10240x128xf32, #tpu.memory_space<vmem_shared>> -> memref<10240x128xf32, #tpu.memory_space<vmem_shared>>
      tpu.enqueue_indirect_dma source(%arg11 : memref<64x128xf32, #tpu.memory_space<vmem>>) target(%dma_start3A_105 : memref<10240x128xf32, #tpu.memory_space<vmem_shared>>) offsets(%dma_start3A_102 : memref<64xi32, #tpu.memory_space<vmem>>) semaphore(%arg15 : memref<!tpu.dma_semaphore, #tpu.memory_space<semaphore_mem>>) {add = true}
      %dma_wait3A_106 = arith.constant 1 : i32
      %dma_wait3A_107 = arith.constant 0 : i32
      %dma_wait3A_108 = tpu.memref_slice %arg8[%dma_wait3A_106, %dma_wait3A_107] : memref<8x64xi32, #tpu.memory_space<vmem>> -> memref<1x64xi32, #tpu.memory_space<vmem>>
      %dma_wait3A_109 = tpu.memref_squeeze %dma_wait3A_108 : memref<1x64xi32, #tpu.memory_space<vmem>> -> memref<64xi32, #tpu.memory_space<vmem>>
      %dma_wait3A_110 = arith.constant 0 : i32
      %dma_wait3A_111 = arith.constant 0 : i32
      %dma_wait3A_112 = tpu.memref_slice %arg13[%dma_wait3A_110, %dma_wait3A_111] : memref<10240x128xf32, #tpu.memory_space<vmem_shared>> -> memref<10240x128xf32, #tpu.memory_space<vmem_shared>>
      tpu.wait_indirect_dma semaphore(%arg15 : memref<!tpu.dma_semaphore, #tpu.memory_space<semaphore_mem>>) src(%arg10 : memref<64x128xf32, #tpu.memory_space<vmem>>) dst(%dma_wait3A_112 : memref<10240x128xf32, #tpu.memory_space<vmem_shared>>)
      %dma_start3A_113 = arith.constant 5 : i32
      %dma_start3A_114 = arith.constant 0 : i32
      %dma_start3A_115 = tpu.memref_slice %arg7[%dma_start3A_113, %dma_start3A_114] : memref<8x64xi32, #tpu.memory_space<vmem>> -> memref<1x64xi32, #tpu.memory_space<vmem>>
      %dma_start3A_116 = tpu.memref_squeeze %dma_start3A_115 : memref<1x64xi32, #tpu.memory_space<vmem>> -> memref<64xi32, #tpu.memory_space<vmem>>
      %dma_start3A_117 = arith.constant 0 : i32
      %dma_start3A_118 = arith.constant 0 : i32
      %dma_start3A_119 = tpu.memref_slice %arg2[%dma_start3A_117, %dma_start3A_118] : memref<20480x128xf32, #tpu.memory_space<hbm>> -> memref<20480x128xf32, #tpu.memory_space<hbm>>
      tpu.enqueue_indirect_dma source(%dma_start3A_119 : memref<20480x128xf32, #tpu.memory_space<hbm>>) target(%arg10 : memref<64x128xf32, #tpu.memory_space<vmem>>) offsets(%dma_start3A_116 : memref<64xi32, #tpu.memory_space<vmem>>) semaphore(%arg14 : memref<!tpu.dma_semaphore, #tpu.memory_space<semaphore_mem>>)
      %dma_wait3A_120 = arith.constant 3 : i32
      %dma_wait3A_121 = arith.constant 0 : i32
      %dma_wait3A_122 = tpu.memref_slice %arg7[%dma_wait3A_120, %dma_wait3A_121] : memref<8x64xi32, #tpu.memory_space<vmem>> -> memref<1x64xi32, #tpu.memory_space<vmem>>
      %dma_wait3A_123 = tpu.memref_squeeze %dma_wait3A_122 : memref<1x64xi32, #tpu.memory_space<vmem>> -> memref<64xi32, #tpu.memory_space<vmem>>
      %dma_wait3A_124 = arith.constant 0 : i32
      %dma_wait3A_125 = arith.constant 0 : i32
      %dma_wait3A_126 = tpu.memref_slice %arg2[%dma_wait3A_124, %dma_wait3A_125] : memref<20480x128xf32, #tpu.memory_space<hbm>> -> memref<20480x128xf32, #tpu.memory_space<hbm>>
      tpu.wait_indirect_dma semaphore(%arg14 : memref<!tpu.dma_semaphore, #tpu.memory_space<semaphore_mem>>) src(%dma_wait3A_126 : memref<20480x128xf32, #tpu.memory_space<hbm>>) dst(%arg12 : memref<64x128xf32, #tpu.memory_space<vmem>>)
      %dma_start3A_127 = arith.constant 3 : i32
      %dma_start3A_128 = arith.constant 0 : i32
      %dma_start3A_129 = tpu.memref_slice %arg8[%dma_start3A_127, %dma_start3A_128] : memref<8x64xi32, #tpu.memory_space<vmem>> -> memref<1x64xi32, #tpu.memory_space<vmem>>
      %dma_start3A_130 = tpu.memref_squeeze %dma_start3A_129 : memref<1x64xi32, #tpu.memory_space<vmem>> -> memref<64xi32, #tpu.memory_space<vmem>>
      %dma_start3A_131 = arith.constant 0 : i32
      %dma_start3A_132 = arith.constant 0 : i32
      %dma_start3A_133 = tpu.memref_slice %arg13[%dma_start3A_131, %dma_start3A_132] : memref<10240x128xf32, #tpu.memory_space<vmem_shared>> -> memref<10240x128xf32, #tpu.memory_space<vmem_shared>>
      tpu.enqueue_indirect_dma source(%arg12 : memref<64x128xf32, #tpu.memory_space<vmem>>) target(%dma_start3A_133 : memref<10240x128xf32, #tpu.memory_space<vmem_shared>>) offsets(%dma_start3A_130 : memref<64xi32, #tpu.memory_space<vmem>>) semaphore(%arg15 : memref<!tpu.dma_semaphore, #tpu.memory_space<semaphore_mem>>) {add = true}
      %dma_wait3A_134 = arith.constant 2 : i32
      %dma_wait3A_135 = arith.constant 0 : i32
      %dma_wait3A_136 = tpu.memref_slice %arg8[%dma_wait3A_134, %dma_wait3A_135] : memref<8x64xi32, #tpu.memory_space<vmem>> -> memref<1x64xi32, #tpu.memory_space<vmem>>
      %dma_wait3A_137 = tpu.memref_squeeze %dma_wait3A_136 : memref<1x64xi32, #tpu.memory_space<vmem>> -> memref<64xi32, #tpu.memory_space<vmem>>
      %dma_wait3A_138 = arith.constant 0 : i32
      %dma_wait3A_139 = arith.constant 0 : i32
      %dma_wait3A_140 = tpu.memref_slice %arg13[%dma_wait3A_138, %dma_wait3A_139] : memref<10240x128xf32, #tpu.memory_space<vmem_shared>> -> memref<10240x128xf32, #tpu.memory_space<vmem_shared>>
      tpu.wait_indirect_dma semaphore(%arg15 : memref<!tpu.dma_semaphore, #tpu.memory_space<semaphore_mem>>) src(%arg11 : memref<64x128xf32, #tpu.memory_space<vmem>>) dst(%dma_wait3A_140 : memref<10240x128xf32, #tpu.memory_space<vmem_shared>>)
      %dma_start3A_141 = arith.constant 6 : i32
      %dma_start3A_142 = arith.constant 0 : i32
      %dma_start3A_143 = tpu.memref_slice %arg7[%dma_start3A_141, %dma_start3A_142] : memref<8x64xi32, #tpu.memory_space<vmem>> -> memref<1x64xi32, #tpu.memory_space<vmem>>
      %dma_start3A_144 = tpu.memref_squeeze %dma_start3A_143 : memref<1x64xi32, #tpu.memory_space<vmem>> -> memref<64xi32, #tpu.memory_space<vmem>>
      %dma_start3A_145 = arith.constant 0 : i32
      %dma_start3A_146 = arith.constant 0 : i32
      %dma_start3A_147 = tpu.memref_slice %arg2[%dma_start3A_145, %dma_start3A_146] : memref<20480x128xf32, #tpu.memory_space<hbm>> -> memref<20480x128xf32, #tpu.memory_space<hbm>>
      tpu.enqueue_indirect_dma source(%dma_start3A_147 : memref<20480x128xf32, #tpu.memory_space<hbm>>) target(%arg11 : memref<64x128xf32, #tpu.memory_space<vmem>>) offsets(%dma_start3A_144 : memref<64xi32, #tpu.memory_space<vmem>>) semaphore(%arg14 : memref<!tpu.dma_semaphore, #tpu.memory_space<semaphore_mem>>)
      %dma_wait3A_148 = arith.constant 4 : i32
      %dma_wait3A_149 = arith.constant 0 : i32
      %dma_wait3A_150 = tpu.memref_slice %arg7[%dma_wait3A_148, %dma_wait3A_149] : memref<8x64xi32, #tpu.memory_space<vmem>> -> memref<1x64xi32, #tpu.memory_space<vmem>>
      %dma_wait3A_151 = tpu.memref_squeeze %dma_wait3A_150 : memref<1x64xi32, #tpu.memory_space<vmem>> -> memref<64xi32, #tpu.memory_space<vmem>>
      %dma_wait3A_152 = arith.constant 0 : i32
      %dma_wait3A_153 = arith.constant 0 : i32
      %dma_wait3A_154 = tpu.memref_slice %arg2[%dma_wait3A_152, %dma_wait3A_153] : memref<20480x128xf32, #tpu.memory_space<hbm>> -> memref<20480x128xf32, #tpu.memory_space<hbm>>
      tpu.wait_indirect_dma semaphore(%arg14 : memref<!tpu.dma_semaphore, #tpu.memory_space<semaphore_mem>>) src(%dma_wait3A_154 : memref<20480x128xf32, #tpu.memory_space<hbm>>) dst(%arg9 : memref<64x128xf32, #tpu.memory_space<vmem>>)
      %dma_start3A_155 = arith.constant 4 : i32
      %dma_start3A_156 = arith.constant 0 : i32
      %dma_start3A_157 = tpu.memref_slice %arg8[%dma_start3A_155, %dma_start3A_156] : memref<8x64xi32, #tpu.memory_space<vmem>> -> memref<1x64xi32, #tpu.memory_space<vmem>>
      %dma_start3A_158 = tpu.memref_squeeze %dma_start3A_157 : memref<1x64xi32, #tpu.memory_space<vmem>> -> memref<64xi32, #tpu.memory_space<vmem>>
      %dma_start3A_159 = arith.constant 0 : i32
      %dma_start3A_160 = arith.constant 0 : i32
      %dma_start3A_161 = tpu.memref_slice %arg13[%dma_start3A_159, %dma_start3A_160] : memref<10240x128xf32, #tpu.memory_space<vmem_shared>> -> memref<10240x128xf32, #tpu.memory_space<vmem_shared>>
      tpu.enqueue_indirect_dma source(%arg9 : memref<64x128xf32, #tpu.memory_space<vmem>>) target(%dma_start3A_161 : memref<10240x128xf32, #tpu.memory_space<vmem_shared>>) offsets(%dma_start3A_158 : memref<64xi32, #tpu.memory_space<vmem>>) semaphore(%arg15 : memref<!tpu.dma_semaphore, #tpu.memory_space<semaphore_mem>>) {add = true}
      %dma_wait3A_162 = arith.constant 3 : i32
      %dma_wait3A_163 = arith.constant 0 : i32
      %dma_wait3A_164 = tpu.memref_slice %arg8[%dma_wait3A_162, %dma_wait3A_163] : memref<8x64xi32, #tpu.memory_space<vmem>> -> memref<1x64xi32, #tpu.memory_space<vmem>>
      %dma_wait3A_165 = tpu.memref_squeeze %dma_wait3A_164 : memref<1x64xi32, #tpu.memory_space<vmem>> -> memref<64xi32, #tpu.memory_space<vmem>>
      %dma_wait3A_166 = arith.constant 0 : i32
      %dma_wait3A_167 = arith.constant 0 : i32
      %dma_wait3A_168 = tpu.memref_slice %arg13[%dma_wait3A_166, %dma_wait3A_167] : memref<10240x128xf32, #tpu.memory_space<vmem_shared>> -> memref<10240x128xf32, #tpu.memory_space<vmem_shared>>
      tpu.wait_indirect_dma semaphore(%arg15 : memref<!tpu.dma_semaphore, #tpu.memory_space<semaphore_mem>>) src(%arg12 : memref<64x128xf32, #tpu.memory_space<vmem>>) dst(%dma_wait3A_168 : memref<10240x128xf32, #tpu.memory_space<vmem_shared>>)
      %dma_start3A_169 = arith.constant 7 : i32
      %dma_start3A_170 = arith.constant 0 : i32
      %dma_start3A_171 = tpu.memref_slice %arg7[%dma_start3A_169, %dma_start3A_170] : memref<8x64xi32, #tpu.memory_space<vmem>> -> memref<1x64xi32, #tpu.memory_space<vmem>>
      %dma_start3A_172 = tpu.memref_squeeze %dma_start3A_171 : memref<1x64xi32, #tpu.memory_space<vmem>> -> memref<64xi32, #tpu.memory_space<vmem>>
      %dma_start3A_173 = arith.constant 0 : i32
      %dma_start3A_174 = arith.constant 0 : i32
      %dma_start3A_175 = tpu.memref_slice %arg2[%dma_start3A_173, %dma_start3A_174] : memref<20480x128xf32, #tpu.memory_space<hbm>> -> memref<20480x128xf32, #tpu.memory_space<hbm>>
      tpu.enqueue_indirect_dma source(%dma_start3A_175 : memref<20480x128xf32, #tpu.memory_space<hbm>>) target(%arg12 : memref<64x128xf32, #tpu.memory_space<vmem>>) offsets(%dma_start3A_172 : memref<64xi32, #tpu.memory_space<vmem>>) semaphore(%arg14 : memref<!tpu.dma_semaphore, #tpu.memory_space<semaphore_mem>>)
      %dma_wait3A_176 = arith.constant 5 : i32
      %dma_wait3A_177 = arith.constant 0 : i32
      %dma_wait3A_178 = tpu.memref_slice %arg7[%dma_wait3A_176, %dma_wait3A_177] : memref<8x64xi32, #tpu.memory_space<vmem>> -> memref<1x64xi32, #tpu.memory_space<vmem>>
      %dma_wait3A_179 = tpu.memref_squeeze %dma_wait3A_178 : memref<1x64xi32, #tpu.memory_space<vmem>> -> memref<64xi32, #tpu.memory_space<vmem>>
      %dma_wait3A_180 = arith.constant 0 : i32
      %dma_wait3A_181 = arith.constant 0 : i32
      %dma_wait3A_182 = tpu.memref_slice %arg2[%dma_wait3A_180, %dma_wait3A_181] : memref<20480x128xf32, #tpu.memory_space<hbm>> -> memref<20480x128xf32, #tpu.memory_space<hbm>>
      tpu.wait_indirect_dma semaphore(%arg14 : memref<!tpu.dma_semaphore, #tpu.memory_space<semaphore_mem>>) src(%dma_wait3A_182 : memref<20480x128xf32, #tpu.memory_space<hbm>>) dst(%arg10 : memref<64x128xf32, #tpu.memory_space<vmem>>)
      %dma_start3A_183 = arith.constant 5 : i32
      %dma_start3A_184 = arith.constant 0 : i32
      %dma_start3A_185 = tpu.memref_slice %arg8[%dma_start3A_183, %dma_start3A_184] : memref<8x64xi32, #tpu.memory_space<vmem>> -> memref<1x64xi32, #tpu.memory_space<vmem>>
      %dma_start3A_186 = tpu.memref_squeeze %dma_start3A_185 : memref<1x64xi32, #tpu.memory_space<vmem>> -> memref<64xi32, #tpu.memory_space<vmem>>
      %dma_start3A_187 = arith.constant 0 : i32
      %dma_start3A_188 = arith.constant 0 : i32
      %dma_start3A_189 = tpu.memref_slice %arg13[%dma_start3A_187, %dma_start3A_188] : memref<10240x128xf32, #tpu.memory_space<vmem_shared>> -> memref<10240x128xf32, #tpu.memory_space<vmem_shared>>
      tpu.enqueue_indirect_dma source(%arg10 : memref<64x128xf32, #tpu.memory_space<vmem>>) target(%dma_start3A_189 : memref<10240x128xf32, #tpu.memory_space<vmem_shared>>) offsets(%dma_start3A_186 : memref<64xi32, #tpu.memory_space<vmem>>) semaphore(%arg15 : memref<!tpu.dma_semaphore, #tpu.memory_space<semaphore_mem>>) {add = true}
      %dma_wait3A_190 = arith.constant 6 : i32
      %dma_wait3A_191 = arith.constant 0 : i32
      %dma_wait3A_192 = tpu.memref_slice %arg7[%dma_wait3A_190, %dma_wait3A_191] : memref<8x64xi32, #tpu.memory_space<vmem>> -> memref<1x64xi32, #tpu.memory_space<vmem>>
      %dma_wait3A_193 = tpu.memref_squeeze %dma_wait3A_192 : memref<1x64xi32, #tpu.memory_space<vmem>> -> memref<64xi32, #tpu.memory_space<vmem>>
      %dma_wait3A_194 = arith.constant 0 : i32
      %dma_wait3A_195 = arith.constant 0 : i32
      %dma_wait3A_196 = tpu.memref_slice %arg2[%dma_wait3A_194, %dma_wait3A_195] : memref<20480x128xf32, #tpu.memory_space<hbm>> -> memref<20480x128xf32, #tpu.memory_space<hbm>>
      tpu.wait_indirect_dma semaphore(%arg14 : memref<!tpu.dma_semaphore, #tpu.memory_space<semaphore_mem>>) src(%dma_wait3A_196 : memref<20480x128xf32, #tpu.memory_space<hbm>>) dst(%arg11 : memref<64x128xf32, #tpu.memory_space<vmem>>)
      %dma_start3A_197 = arith.constant 6 : i32
      %dma_start3A_198 = arith.constant 0 : i32
      %dma_start3A_199 = tpu.memref_slice %arg8[%dma_start3A_197, %dma_start3A_198] : memref<8x64xi32, #tpu.memory_space<vmem>> -> memref<1x64xi32, #tpu.memory_space<vmem>>
      %dma_start3A_200 = tpu.memref_squeeze %dma_start3A_199 : memref<1x64xi32, #tpu.memory_space<vmem>> -> memref<64xi32, #tpu.memory_space<vmem>>
      %dma_start3A_201 = arith.constant 0 : i32
      %dma_start3A_202 = arith.constant 0 : i32
      %dma_start3A_203 = tpu.memref_slice %arg13[%dma_start3A_201, %dma_start3A_202] : memref<10240x128xf32, #tpu.memory_space<vmem_shared>> -> memref<10240x128xf32, #tpu.memory_space<vmem_shared>>
      tpu.enqueue_indirect_dma source(%arg11 : memref<64x128xf32, #tpu.memory_space<vmem>>) target(%dma_start3A_203 : memref<10240x128xf32, #tpu.memory_space<vmem_shared>>) offsets(%dma_start3A_200 : memref<64xi32, #tpu.memory_space<vmem>>) semaphore(%arg15 : memref<!tpu.dma_semaphore, #tpu.memory_space<semaphore_mem>>) {add = true}
      %dma_wait3A_204 = arith.constant 7 : i32
      %dma_wait3A_205 = arith.constant 0 : i32
      %dma_wait3A_206 = tpu.memref_slice %arg7[%dma_wait3A_204, %dma_wait3A_205] : memref<8x64xi32, #tpu.memory_space<vmem>> -> memref<1x64xi32, #tpu.memory_space<vmem>>
      %dma_wait3A_207 = tpu.memref_squeeze %dma_wait3A_206 : memref<1x64xi32, #tpu.memory_space<vmem>> -> memref<64xi32, #tpu.memory_space<vmem>>
      %dma_wait3A_208 = arith.constant 0 : i32
      %dma_wait3A_209 = arith.constant 0 : i32
      %dma_wait3A_210 = tpu.memref_slice %arg2[%dma_wait3A_208, %dma_wait3A_209] : memref<20480x128xf32, #tpu.memory_space<hbm>> -> memref<20480x128xf32, #tpu.memory_space<hbm>>
      tpu.wait_indirect_dma semaphore(%arg14 : memref<!tpu.dma_semaphore, #tpu.memory_space<semaphore_mem>>) src(%dma_wait3A_210 : memref<20480x128xf32, #tpu.memory_space<hbm>>) dst(%arg12 : memref<64x128xf32, #tpu.memory_space<vmem>>)
      %dma_start3A_211 = arith.constant 7 : i32
      %dma_start3A_212 = arith.constant 0 : i32
      %dma_start3A_213 = tpu.memref_slice %arg8[%dma_start3A_211, %dma_start3A_212] : memref<8x64xi32, #tpu.memory_space<vmem>> -> memref<1x64xi32, #tpu.memory_space<vmem>>
      %dma_start3A_214 = tpu.memref_squeeze %dma_start3A_213 : memref<1x64xi32, #tpu.memory_space<vmem>> -> memref<64xi32, #tpu.memory_space<vmem>>
      %dma_start3A_215 = arith.constant 0 : i32
      %dma_start3A_216 = arith.constant 0 : i32
      %dma_start3A_217 = tpu.memref_slice %arg13[%dma_start3A_215, %dma_start3A_216] : memref<10240x128xf32, #tpu.memory_space<vmem_shared>> -> memref<10240x128xf32, #tpu.memory_space<vmem_shared>>
      tpu.enqueue_indirect_dma source(%arg12 : memref<64x128xf32, #tpu.memory_space<vmem>>) target(%dma_start3A_217 : memref<10240x128xf32, #tpu.memory_space<vmem_shared>>) offsets(%dma_start3A_214 : memref<64xi32, #tpu.memory_space<vmem>>) semaphore(%arg15 : memref<!tpu.dma_semaphore, #tpu.memory_space<semaphore_mem>>) {add = true}
      %dma_wait3A_218 = arith.constant 4 : i32
      %dma_wait3A_219 = arith.constant 0 : i32
      %dma_wait3A_220 = tpu.memref_slice %arg8[%dma_wait3A_218, %dma_wait3A_219] : memref<8x64xi32, #tpu.memory_space<vmem>> -> memref<1x64xi32, #tpu.memory_space<vmem>>
      %dma_wait3A_221 = tpu.memref_squeeze %dma_wait3A_220 : memref<1x64xi32, #tpu.memory_space<vmem>> -> memref<64xi32, #tpu.memory_space<vmem>>
      %dma_wait3A_222 = arith.constant 0 : i32
      %dma_wait3A_223 = arith.constant 0 : i32
      %dma_wait3A_224 = tpu.memref_slice %arg13[%dma_wait3A_222, %dma_wait3A_223] : memref<10240x128xf32, #tpu.memory_space<vmem_shared>> -> memref<10240x128xf32, #tpu.memory_space<vmem_shared>>
      tpu.wait_indirect_dma semaphore(%arg15 : memref<!tpu.dma_semaphore, #tpu.memory_space<semaphore_mem>>) src(%arg9 : memref<64x128xf32, #tpu.memory_space<vmem>>) dst(%dma_wait3A_224 : memref<10240x128xf32, #tpu.memory_space<vmem_shared>>)
      %dma_wait3A_225 = arith.constant 5 : i32
      %dma_wait3A_226 = arith.constant 0 : i32
      %dma_wait3A_227 = tpu.memref_slice %arg8[%dma_wait3A_225, %dma_wait3A_226] : memref<8x64xi32, #tpu.memory_space<vmem>> -> memref<1x64xi32, #tpu.memory_space<vmem>>
      %dma_wait3A_228 = tpu.memref_squeeze %dma_wait3A_227 : memref<1x64xi32, #tpu.memory_space<vmem>> -> memref<64xi32, #tpu.memory_space<vmem>>
      %dma_wait3A_229 = arith.constant 0 : i32
      %dma_wait3A_230 = arith.constant 0 : i32
      %dma_wait3A_231 = tpu.memref_slice %arg13[%dma_wait3A_229, %dma_wait3A_230] : memref<10240x128xf32, #tpu.memory_space<vmem_shared>> -> memref<10240x128xf32, #tpu.memory_space<vmem_shared>>
      tpu.wait_indirect_dma semaphore(%arg15 : memref<!tpu.dma_semaphore, #tpu.memory_space<semaphore_mem>>) src(%arg10 : memref<64x128xf32, #tpu.memory_space<vmem>>) dst(%dma_wait3A_231 : memref<10240x128xf32, #tpu.memory_space<vmem_shared>>)
      %dma_wait3A_232 = arith.constant 6 : i32
      %dma_wait3A_233 = arith.constant 0 : i32
      %dma_wait3A_234 = tpu.memref_slice %arg8[%dma_wait3A_232, %dma_wait3A_233] : memref<8x64xi32, #tpu.memory_space<vmem>> -> memref<1x64xi32, #tpu.memory_space<vmem>>
      %dma_wait3A_235 = tpu.memref_squeeze %dma_wait3A_234 : memref<1x64xi32, #tpu.memory_space<vmem>> -> memref<64xi32, #tpu.memory_space<vmem>>
      %dma_wait3A_236 = arith.constant 0 : i32
      %dma_wait3A_237 = arith.constant 0 : i32
      %dma_wait3A_238 = tpu.memref_slice %arg13[%dma_wait3A_236, %dma_wait3A_237] : memref<10240x128xf32, #tpu.memory_space<vmem_shared>> -> memref<10240x128xf32, #tpu.memory_space<vmem_shared>>
      tpu.wait_indirect_dma semaphore(%arg15 : memref<!tpu.dma_semaphore, #tpu.memory_space<semaphore_mem>>) src(%arg11 : memref<64x128xf32, #tpu.memory_space<vmem>>) dst(%dma_wait3A_238 : memref<10240x128xf32, #tpu.memory_space<vmem_shared>>)
      %dma_wait3A_239 = arith.constant 7 : i32
      %dma_wait3A_240 = arith.constant 0 : i32
      %dma_wait3A_241 = tpu.memref_slice %arg8[%dma_wait3A_239, %dma_wait3A_240] : memref<8x64xi32, #tpu.memory_space<vmem>> -> memref<1x64xi32, #tpu.memory_space<vmem>>
      %dma_wait3A_242 = tpu.memref_squeeze %dma_wait3A_241 : memref<1x64xi32, #tpu.memory_space<vmem>> -> memref<64xi32, #tpu.memory_space<vmem>>
      %dma_wait3A_243 = arith.constant 0 : i32
      %dma_wait3A_244 = arith.constant 0 : i32
      %dma_wait3A_245 = tpu.memref_slice %arg13[%dma_wait3A_243, %dma_wait3A_244] : memref<10240x128xf32, #tpu.memory_space<vmem_shared>> -> memref<10240x128xf32, #tpu.memory_space<vmem_shared>>
      tpu.wait_indirect_dma semaphore(%arg15 : memref<!tpu.dma_semaphore, #tpu.memory_space<semaphore_mem>>) src(%arg12 : memref<64x128xf32, #tpu.memory_space<vmem>>) dst(%dma_wait3A_245 : memref<10240x128xf32, #tpu.memory_space<vmem_shared>>)
    }
    %scan3A_7 = arith.constant 40 : i32
    %barrier3A_8 = arith.constant 0 : index
    tpu.barrier barrier_id(%barrier3A_8)
    %mul3A_9 = arith.constant 640 : i32
    %mul3A_10 = arith.muli %arg1, %mul3A_9 : i32
    %mul3A_11 = arith.constant 10240 : i32
    %mul3A_12 = arith.muli %arg0, %mul3A_11 : i32
    %mul3A_13 = arith.constant 640 : i32
    %mul3A_14 = arith.muli %arg1, %mul3A_13 : i32
    %add3A = arith.addi %mul3A_12, %mul3A_14 : i32
    "tpu.region"() ({
      %run_scoped3A = tpu.sem_alloc : memref<!tpu.dma_semaphore, #tpu.memory_space<semaphore_mem>>
      %dma_start3A = arith.constant 0 : i32
      %dma_start3A_15 = tpu.memref_slice %arg6[%add3A, %dma_start3A] : memref<20480x128xf32, #tpu.memory_space<hbm>> -> memref<640x128xf32, #tpu.memory_space<hbm>>
      %dma_start3A_16 = arith.constant 0 : i32
      %dma_start3A_17 = tpu.memref_slice %arg13[%mul3A_10, %dma_start3A_16] : memref<10240x128xf32, #tpu.memory_space<vmem_shared>> -> memref<640x128xf32, #tpu.memory_space<vmem_shared>>
      tpu.enqueue_dma source(%dma_start3A_17 : memref<640x128xf32, #tpu.memory_space<vmem_shared>>) target(%dma_start3A_15 : memref<640x128xf32, #tpu.memory_space<hbm>>) target_semaphore(%run_scoped3A : memref<!tpu.dma_semaphore, #tpu.memory_space<semaphore_mem>>)
      %dma_wait3A = arith.constant 0 : i32
      %dma_wait3A_18 = tpu.memref_slice %arg6[%add3A, %dma_wait3A] : memref<20480x128xf32, #tpu.memory_space<hbm>> -> memref<640x128xf32, #tpu.memory_space<hbm>>
      %dma_wait3A_19 = arith.constant 0 : i32
      %dma_wait3A_20 = tpu.memref_slice %arg13[%mul3A_10, %dma_wait3A_19] : memref<10240x128xf32, #tpu.memory_space<vmem_shared>> -> memref<640x128xf32, #tpu.memory_space<vmem_shared>>
      tpu.wait_dma2 semaphore(%run_scoped3A : memref<!tpu.dma_semaphore, #tpu.memory_space<semaphore_mem>>) src(%dma_wait3A_20 : memref<640x128xf32, #tpu.memory_space<vmem_shared>>) dst(%dma_wait3A_18 : memref<640x128xf32, #tpu.memory_space<hbm>>)
      tpu.yield
    }) : () -> ()
    return
  }
}

#map = affine_map<(d0, d1) -> (0, 0)>
module attributes {stable_mosaic.version = 14 : i64} {
  func.func @_agg_kernel(%arg0: i32, %arg1: i32, %arg2: memref<20480x128xf32, #tpu.memory_space<hbm>>, %arg3: memref<10240x64xi32, #tpu.memory_space<hbm>>, %arg4: memref<10240x64xi32, #tpu.memory_space<hbm>>, %arg5: memref<10240x128xf32, #tpu.memory_space<hbm>>, %arg6: memref<20480x128xf32, #tpu.memory_space<hbm>>, %arg7: memref<8x64xi32, #tpu.memory_space<vmem>>, %arg8: memref<8x64xi32, #tpu.memory_space<vmem>>, %arg9: memref<64x128xf32, #tpu.memory_space<vmem>>, %arg10: memref<64x128xf32, #tpu.memory_space<vmem>>, %arg11: memref<64x128xf32, #tpu.memory_space<vmem>>, %arg12: memref<64x128xf32, #tpu.memory_space<vmem>>, %arg13: memref<10240x128xf32, #tpu.memory_space<vmem_shared>>, %arg14: memref<!tpu.dma_semaphore, #tpu.memory_space<semaphore_mem>>, %arg15: memref<!tpu.dma_semaphore, #tpu.memory_space<semaphore_mem>>) attributes {dimension_semantics = [#tpu.dimension_semantics<core_parallel>, #tpu.dimension_semantics<subcore_parallel>], iteration_bounds = array<i64: 2, 16>, scalar_prefetch = 0 : i64, scratch_operands = 9 : i64, tpu.core_type = #tpu.core_type<sc_vector_subcore>, window_params = [{transform_indices = #map}, {transform_indices = #map}, {transform_indices = #map}, {transform_indices = #map}, {transform_indices = #map}]} {
    %mul3A = arith.constant 640 : i32
    %mul3A_0 = arith.muli %arg1, %mul3A : i32
    %mul3A_1 = arith.constant 640 : i32
    %mul3A_2 = arith.muli %arg1, %mul3A_1 : i32
    "tpu.region"() ({
      %run_scoped3A = tpu.sem_alloc : memref<!tpu.dma_semaphore, #tpu.memory_space<semaphore_mem>>
      %dma_start3A = arith.constant 0 : i32
      %dma_start3A_15 = tpu.memref_slice %arg13[%mul3A_2, %dma_start3A] : memref<10240x128xf32, #tpu.memory_space<vmem_shared>> -> memref<640x128xf32, #tpu.memory_space<vmem_shared>>
      %dma_start3A_16 = arith.constant 0 : i32
      %dma_start3A_17 = tpu.memref_slice %arg5[%mul3A_0, %dma_start3A_16] : memref<10240x128xf32, #tpu.memory_space<hbm>> -> memref<640x128xf32, #tpu.memory_space<hbm>>
      tpu.enqueue_dma source(%dma_start3A_17 : memref<640x128xf32, #tpu.memory_space<hbm>>) target(%dma_start3A_15 : memref<640x128xf32, #tpu.memory_space<vmem_shared>>) target_semaphore(%run_scoped3A : memref<!tpu.dma_semaphore, #tpu.memory_space<semaphore_mem>>)
      %dma_wait3A = arith.constant 0 : i32
      %dma_wait3A_18 = tpu.memref_slice %arg13[%mul3A_2, %dma_wait3A] : memref<10240x128xf32, #tpu.memory_space<vmem_shared>> -> memref<640x128xf32, #tpu.memory_space<vmem_shared>>
      %dma_wait3A_19 = arith.constant 0 : i32
      %dma_wait3A_20 = tpu.memref_slice %arg5[%mul3A_0, %dma_wait3A_19] : memref<10240x128xf32, #tpu.memory_space<hbm>> -> memref<640x128xf32, #tpu.memory_space<hbm>>
      tpu.wait_dma2 semaphore(%run_scoped3A : memref<!tpu.dma_semaphore, #tpu.memory_space<semaphore_mem>>) src(%dma_wait3A_20 : memref<640x128xf32, #tpu.memory_space<hbm>>) dst(%dma_wait3A_18 : memref<640x128xf32, #tpu.memory_space<vmem_shared>>)
      tpu.yield
    }) : () -> ()
    %barrier3A = arith.constant 0 : index
    tpu.barrier barrier_id(%barrier3A)
    %scan3A = arith.constant 0 : i32
    %scan3A_3 = arith.constant 0 : i32
    %scan3A_4 = arith.constant 40 : i32
    %scan3A_5 = arith.addi %scan3A_3, %scan3A_4 : i32
    %scan3A_6 = arith.constant 1 : i32
    scf.for %scan3A_15 = %scan3A_3 to %scan3A_5 step %scan3A_6  : i32 {
      %mul3A_16 = arith.constant 5120 : i32
      %mul3A_17 = arith.muli %arg0, %mul3A_16 : i32
      %mul3A_18 = arith.constant 320 : i32
      %mul3A_19 = arith.muli %arg1, %mul3A_18 : i32
      %add3A_20 = arith.addi %mul3A_17, %mul3A_19 : i32
      %mul3A_21 = arith.constant 8 : i32
      %mul3A_22 = arith.muli %scan3A_15, %mul3A_21 : i32
      %add3A_23 = arith.addi %add3A_20, %mul3A_22 : i32
      "tpu.region"() ({
        %run_scoped3A = tpu.sem_alloc : memref<!tpu.dma_semaphore, #tpu.memory_space<semaphore_mem>>
        %dma_start3A_246 = arith.constant 0 : i32
        %dma_start3A_247 = tpu.memref_slice %arg3[%add3A_23, %dma_start3A_246] : memref<10240x64xi32, #tpu.memory_space<hbm>> -> memref<8x64xi32, #tpu.memory_space<hbm>>
        %dma_start3A_248 = arith.constant 0 : i32
        %dma_start3A_249 = tpu.memref_slice %arg3[%add3A_23, %dma_start3A_248] : memref<10240x64xi32, #tpu.memory_space<hbm>> -> memref<8x64xi32, #tpu.memory_space<hbm>>
        tpu.enqueue_dma source(%dma_start3A_249 : memref<8x64xi32, #tpu.memory_space<hbm>>) target(%arg7 : memref<8x64xi32, #tpu.memory_space<vmem>>) target_semaphore(%run_scoped3A : memref<!tpu.dma_semaphore, #tpu.memory_space<semaphore_mem>>)
        %dma_wait3A_250 = arith.constant 0 : i32
        %dma_wait3A_251 = tpu.memref_slice %arg3[%add3A_23, %dma_wait3A_250] : memref<10240x64xi32, #tpu.memory_space<hbm>> -> memref<8x64xi32, #tpu.memory_space<hbm>>
        %dma_wait3A_252 = arith.constant 0 : i32
        %dma_wait3A_253 = tpu.memref_slice %arg3[%add3A_23, %dma_wait3A_252] : memref<10240x64xi32, #tpu.memory_space<hbm>> -> memref<8x64xi32, #tpu.memory_space<hbm>>
        tpu.wait_dma2 semaphore(%run_scoped3A : memref<!tpu.dma_semaphore, #tpu.memory_space<semaphore_mem>>) src(%dma_wait3A_253 : memref<8x64xi32, #tpu.memory_space<hbm>>) dst(%arg7 : memref<8x64xi32, #tpu.memory_space<vmem>>)
        tpu.yield
      }) : () -> ()
      "tpu.region"() ({
        %run_scoped3A = tpu.sem_alloc : memref<!tpu.dma_semaphore, #tpu.memory_space<semaphore_mem>>
        %dma_start3A_246 = arith.constant 0 : i32
        %dma_start3A_247 = tpu.memref_slice %arg4[%add3A_23, %dma_start3A_246] : memref<10240x64xi32, #tpu.memory_space<hbm>> -> memref<8x64xi32, #tpu.memory_space<hbm>>
        %dma_start3A_248 = arith.constant 0 : i32
        %dma_start3A_249 = tpu.memref_slice %arg4[%add3A_23, %dma_start3A_248] : memref<10240x64xi32, #tpu.memory_space<hbm>> -> memref<8x64xi32, #tpu.memory_space<hbm>>
        tpu.enqueue_dma source(%dma_start3A_249 : memref<8x64xi32, #tpu.memory_space<hbm>>) target(%arg8 : memref<8x64xi32, #tpu.memory_space<vmem>>) target_semaphore(%run_scoped3A : memref<!tpu.dma_semaphore, #tpu.memory_space<semaphore_mem>>)
        %dma_wait3A_250 = arith.constant 0 : i32
        %dma_wait3A_251 = tpu.memref_slice %arg4[%add3A_23, %dma_wait3A_250] : memref<10240x64xi32, #tpu.memory_space<hbm>> -> memref<8x64xi32, #tpu.memory_space<hbm>>
        %dma_wait3A_252 = arith.constant 0 : i32
        %dma_wait3A_253 = tpu.memref_slice %arg4[%add3A_23, %dma_wait3A_252] : memref<10240x64xi32, #tpu.memory_space<hbm>> -> memref<8x64xi32, #tpu.memory_space<hbm>>
        tpu.wait_dma2 semaphore(%run_scoped3A : memref<!tpu.dma_semaphore, #tpu.memory_space<semaphore_mem>>) src(%dma_wait3A_253 : memref<8x64xi32, #tpu.memory_space<hbm>>) dst(%arg8 : memref<8x64xi32, #tpu.memory_space<vmem>>)
        tpu.yield
      }) : () -> ()
      %dma_start3A = arith.constant 0 : i32
      %dma_start3A_24 = arith.constant 0 : i32
      %dma_start3A_25 = tpu.memref_slice %arg7[%dma_start3A, %dma_start3A_24] : memref<8x64xi32, #tpu.memory_space<vmem>> -> memref<1x64xi32, #tpu.memory_space<vmem>>
      %dma_start3A_26 = tpu.memref_squeeze %dma_start3A_25 : memref<1x64xi32, #tpu.memory_space<vmem>> -> memref<64xi32, #tpu.memory_space<vmem>>
      %dma_start3A_27 = arith.constant 0 : i32
      %dma_start3A_28 = arith.constant 0 : i32
      %dma_start3A_29 = tpu.memref_slice %arg2[%dma_start3A_27, %dma_start3A_28] : memref<20480x128xf32, #tpu.memory_space<hbm>> -> memref<20480x128xf32, #tpu.memory_space<hbm>>
      tpu.enqueue_indirect_dma source(%dma_start3A_29 : memref<20480x128xf32, #tpu.memory_space<hbm>>) target(%arg9 : memref<64x128xf32, #tpu.memory_space<vmem>>) offsets(%dma_start3A_26 : memref<64xi32, #tpu.memory_space<vmem>>) semaphore(%arg14 : memref<!tpu.dma_semaphore, #tpu.memory_space<semaphore_mem>>)
      %dma_start3A_30 = arith.constant 1 : i32
      %dma_start3A_31 = arith.constant 0 : i32
      %dma_start3A_32 = tpu.memref_slice %arg7[%dma_start3A_30, %dma_start3A_31] : memref<8x64xi32, #tpu.memory_space<vmem>> -> memref<1x64xi32, #tpu.memory_space<vmem>>
      %dma_start3A_33 = tpu.memref_squeeze %dma_start3A_32 : memref<1x64xi32, #tpu.memory_space<vmem>> -> memref<64xi32, #tpu.memory_space<vmem>>
      %dma_start3A_34 = arith.constant 0 : i32
      %dma_start3A_35 = arith.constant 0 : i32
      %dma_start3A_36 = tpu.memref_slice %arg2[%dma_start3A_34, %dma_start3A_35] : memref<20480x128xf32, #tpu.memory_space<hbm>> -> memref<20480x128xf32, #tpu.memory_space<hbm>>
      tpu.enqueue_indirect_dma source(%dma_start3A_36 : memref<20480x128xf32, #tpu.memory_space<hbm>>) target(%arg10 : memref<64x128xf32, #tpu.memory_space<vmem>>) offsets(%dma_start3A_33 : memref<64xi32, #tpu.memory_space<vmem>>) semaphore(%arg14 : memref<!tpu.dma_semaphore, #tpu.memory_space<semaphore_mem>>)
      %dma_start3A_37 = arith.constant 2 : i32
      %dma_start3A_38 = arith.constant 0 : i32
      %dma_start3A_39 = tpu.memref_slice %arg7[%dma_start3A_37, %dma_start3A_38] : memref<8x64xi32, #tpu.memory_space<vmem>> -> memref<1x64xi32, #tpu.memory_space<vmem>>
      %dma_start3A_40 = tpu.memref_squeeze %dma_start3A_39 : memref<1x64xi32, #tpu.memory_space<vmem>> -> memref<64xi32, #tpu.memory_space<vmem>>
      %dma_start3A_41 = arith.constant 0 : i32
      %dma_start3A_42 = arith.constant 0 : i32
      %dma_start3A_43 = tpu.memref_slice %arg2[%dma_start3A_41, %dma_start3A_42] : memref<20480x128xf32, #tpu.memory_space<hbm>> -> memref<20480x128xf32, #tpu.memory_space<hbm>>
      tpu.enqueue_indirect_dma source(%dma_start3A_43 : memref<20480x128xf32, #tpu.memory_space<hbm>>) target(%arg11 : memref<64x128xf32, #tpu.memory_space<vmem>>) offsets(%dma_start3A_40 : memref<64xi32, #tpu.memory_space<vmem>>) semaphore(%arg14 : memref<!tpu.dma_semaphore, #tpu.memory_space<semaphore_mem>>)
      %dma_wait3A = arith.constant 0 : i32
      %dma_wait3A_44 = arith.constant 0 : i32
      %dma_wait3A_45 = tpu.memref_slice %arg7[%dma_wait3A, %dma_wait3A_44] : memref<8x64xi32, #tpu.memory_space<vmem>> -> memref<1x64xi32, #tpu.memory_space<vmem>>
      %dma_wait3A_46 = tpu.memref_squeeze %dma_wait3A_45 : memref<1x64xi32, #tpu.memory_space<vmem>> -> memref<64xi32, #tpu.memory_space<vmem>>
      %dma_wait3A_47 = arith.constant 0 : i32
      %dma_wait3A_48 = arith.constant 0 : i32
      %dma_wait3A_49 = tpu.memref_slice %arg2[%dma_wait3A_47, %dma_wait3A_48] : memref<20480x128xf32, #tpu.memory_space<hbm>> -> memref<20480x128xf32, #tpu.memory_space<hbm>>
      tpu.wait_indirect_dma semaphore(%arg14 : memref<!tpu.dma_semaphore, #tpu.memory_space<semaphore_mem>>) src(%dma_wait3A_49 : memref<20480x128xf32, #tpu.memory_space<hbm>>) dst(%arg9 : memref<64x128xf32, #tpu.memory_space<vmem>>)
      %dma_start3A_50 = arith.constant 0 : i32
      %dma_start3A_51 = arith.constant 0 : i32
      %dma_start3A_52 = tpu.memref_slice %arg8[%dma_start3A_50, %dma_start3A_51] : memref<8x64xi32, #tpu.memory_space<vmem>> -> memref<1x64xi32, #tpu.memory_space<vmem>>
      %dma_start3A_53 = tpu.memref_squeeze %dma_start3A_52 : memref<1x64xi32, #tpu.memory_space<vmem>> -> memref<64xi32, #tpu.memory_space<vmem>>
      %dma_start3A_54 = arith.constant 0 : i32
      %dma_start3A_55 = arith.constant 0 : i32
      %dma_start3A_56 = tpu.memref_slice %arg13[%dma_start3A_54, %dma_start3A_55] : memref<10240x128xf32, #tpu.memory_space<vmem_shared>> -> memref<10240x128xf32, #tpu.memory_space<vmem_shared>>
      tpu.enqueue_indirect_dma source(%arg9 : memref<64x128xf32, #tpu.memory_space<vmem>>) target(%dma_start3A_56 : memref<10240x128xf32, #tpu.memory_space<vmem_shared>>) offsets(%dma_start3A_53 : memref<64xi32, #tpu.memory_space<vmem>>) semaphore(%arg15 : memref<!tpu.dma_semaphore, #tpu.memory_space<semaphore_mem>>) {add = true}
      %dma_start3A_57 = arith.constant 3 : i32
      %dma_start3A_58 = arith.constant 0 : i32
      %dma_start3A_59 = tpu.memref_slice %arg7[%dma_start3A_57, %dma_start3A_58] : memref<8x64xi32, #tpu.memory_space<vmem>> -> memref<1x64xi32, #tpu.memory_space<vmem>>
      %dma_start3A_60 = tpu.memref_squeeze %dma_start3A_59 : memref<1x64xi32, #tpu.memory_space<vmem>> -> memref<64xi32, #tpu.memory_space<vmem>>
      %dma_start3A_61 = arith.constant 0 : i32
      %dma_start3A_62 = arith.constant 0 : i32
      %dma_start3A_63 = tpu.memref_slice %arg2[%dma_start3A_61, %dma_start3A_62] : memref<20480x128xf32, #tpu.memory_space<hbm>> -> memref<20480x128xf32, #tpu.memory_space<hbm>>
      tpu.enqueue_indirect_dma source(%dma_start3A_63 : memref<20480x128xf32, #tpu.memory_space<hbm>>) target(%arg12 : memref<64x128xf32, #tpu.memory_space<vmem>>) offsets(%dma_start3A_60 : memref<64xi32, #tpu.memory_space<vmem>>) semaphore(%arg14 : memref<!tpu.dma_semaphore, #tpu.memory_space<semaphore_mem>>)
      %dma_wait3A_64 = arith.constant 1 : i32
      %dma_wait3A_65 = arith.constant 0 : i32
      %dma_wait3A_66 = tpu.memref_slice %arg7[%dma_wait3A_64, %dma_wait3A_65] : memref<8x64xi32, #tpu.memory_space<vmem>> -> memref<1x64xi32, #tpu.memory_space<vmem>>
      %dma_wait3A_67 = tpu.memref_squeeze %dma_wait3A_66 : memref<1x64xi32, #tpu.memory_space<vmem>> -> memref<64xi32, #tpu.memory_space<vmem>>
      %dma_wait3A_68 = arith.constant 0 : i32
      %dma_wait3A_69 = arith.constant 0 : i32
      %dma_wait3A_70 = tpu.memref_slice %arg2[%dma_wait3A_68, %dma_wait3A_69] : memref<20480x128xf32, #tpu.memory_space<hbm>> -> memref<20480x128xf32, #tpu.memory_space<hbm>>
      tpu.wait_indirect_dma semaphore(%arg14 : memref<!tpu.dma_semaphore, #tpu.memory_space<semaphore_mem>>) src(%dma_wait3A_70 : memref<20480x128xf32, #tpu.memory_space<hbm>>) dst(%arg10 : memref<64x128xf32, #tpu.memory_space<vmem>>)
      %dma_start3A_71 = arith.constant 1 : i32
      %dma_start3A_72 = arith.constant 0 : i32
      %dma_start3A_73 = tpu.memref_slice %arg8[%dma_start3A_71, %dma_start3A_72] : memref<8x64xi32, #tpu.memory_space<vmem>> -> memref<1x64xi32, #tpu.memory_space<vmem>>
      %dma_start3A_74 = tpu.memref_squeeze %dma_start3A_73 : memref<1x64xi32, #tpu.memory_space<vmem>> -> memref<64xi32, #tpu.memory_space<vmem>>
      %dma_start3A_75 = arith.constant 0 : i32
      %dma_start3A_76 = arith.constant 0 : i32
      %dma_start3A_77 = tpu.memref_slice %arg13[%dma_start3A_75, %dma_start3A_76] : memref<10240x128xf32, #tpu.memory_space<vmem_shared>> -> memref<10240x128xf32, #tpu.memory_space<vmem_shared>>
      tpu.enqueue_indirect_dma source(%arg10 : memref<64x128xf32, #tpu.memory_space<vmem>>) target(%dma_start3A_77 : memref<10240x128xf32, #tpu.memory_space<vmem_shared>>) offsets(%dma_start3A_74 : memref<64xi32, #tpu.memory_space<vmem>>) semaphore(%arg15 : memref<!tpu.dma_semaphore, #tpu.memory_space<semaphore_mem>>) {add = true}
      %dma_wait3A_78 = arith.constant 0 : i32
      %dma_wait3A_79 = arith.constant 0 : i32
      %dma_wait3A_80 = tpu.memref_slice %arg8[%dma_wait3A_78, %dma_wait3A_79] : memref<8x64xi32, #tpu.memory_space<vmem>> -> memref<1x64xi32, #tpu.memory_space<vmem>>
      %dma_wait3A_81 = tpu.memref_squeeze %dma_wait3A_80 : memref<1x64xi32, #tpu.memory_space<vmem>> -> memref<64xi32, #tpu.memory_space<vmem>>
      %dma_wait3A_82 = arith.constant 0 : i32
      %dma_wait3A_83 = arith.constant 0 : i32
      %dma_wait3A_84 = tpu.memref_slice %arg13[%dma_wait3A_82, %dma_wait3A_83] : memref<10240x128xf32, #tpu.memory_space<vmem_shared>> -> memref<10240x128xf32, #tpu.memory_space<vmem_shared>>
      tpu.wait_indirect_dma semaphore(%arg15 : memref<!tpu.dma_semaphore, #tpu.memory_space<semaphore_mem>>) src(%arg9 : memref<64x128xf32, #tpu.memory_space<vmem>>) dst(%dma_wait3A_84 : memref<10240x128xf32, #tpu.memory_space<vmem_shared>>)
      %dma_start3A_85 = arith.constant 4 : i32
      %dma_start3A_86 = arith.constant 0 : i32
      %dma_start3A_87 = tpu.memref_slice %arg7[%dma_start3A_85, %dma_start3A_86] : memref<8x64xi32, #tpu.memory_space<vmem>> -> memref<1x64xi32, #tpu.memory_space<vmem>>
      %dma_start3A_88 = tpu.memref_squeeze %dma_start3A_87 : memref<1x64xi32, #tpu.memory_space<vmem>> -> memref<64xi32, #tpu.memory_space<vmem>>
      %dma_start3A_89 = arith.constant 0 : i32
      %dma_start3A_90 = arith.constant 0 : i32
      %dma_start3A_91 = tpu.memref_slice %arg2[%dma_start3A_89, %dma_start3A_90] : memref<20480x128xf32, #tpu.memory_space<hbm>> -> memref<20480x128xf32, #tpu.memory_space<hbm>>
      tpu.enqueue_indirect_dma source(%dma_start3A_91 : memref<20480x128xf32, #tpu.memory_space<hbm>>) target(%arg9 : memref<64x128xf32, #tpu.memory_space<vmem>>) offsets(%dma_start3A_88 : memref<64xi32, #tpu.memory_space<vmem>>) semaphore(%arg14 : memref<!tpu.dma_semaphore, #tpu.memory_space<semaphore_mem>>)
      %dma_wait3A_92 = arith.constant 2 : i32
      %dma_wait3A_93 = arith.constant 0 : i32
      %dma_wait3A_94 = tpu.memref_slice %arg7[%dma_wait3A_92, %dma_wait3A_93] : memref<8x64xi32, #tpu.memory_space<vmem>> -> memref<1x64xi32, #tpu.memory_space<vmem>>
      %dma_wait3A_95 = tpu.memref_squeeze %dma_wait3A_94 : memref<1x64xi32, #tpu.memory_space<vmem>> -> memref<64xi32, #tpu.memory_space<vmem>>
      %dma_wait3A_96 = arith.constant 0 : i32
      %dma_wait3A_97 = arith.constant 0 : i32
      %dma_wait3A_98 = tpu.memref_slice %arg2[%dma_wait3A_96, %dma_wait3A_97] : memref<20480x128xf32, #tpu.memory_space<hbm>> -> memref<20480x128xf32, #tpu.memory_space<hbm>>
      tpu.wait_indirect_dma semaphore(%arg14 : memref<!tpu.dma_semaphore, #tpu.memory_space<semaphore_mem>>) src(%dma_wait3A_98 : memref<20480x128xf32, #tpu.memory_space<hbm>>) dst(%arg11 : memref<64x128xf32, #tpu.memory_space<vmem>>)
      %dma_start3A_99 = arith.constant 2 : i32
      %dma_start3A_100 = arith.constant 0 : i32
      %dma_start3A_101 = tpu.memref_slice %arg8[%dma_start3A_99, %dma_start3A_100] : memref<8x64xi32, #tpu.memory_space<vmem>> -> memref<1x64xi32, #tpu.memory_space<vmem>>
      %dma_start3A_102 = tpu.memref_squeeze %dma_start3A_101 : memref<1x64xi32, #tpu.memory_space<vmem>> -> memref<64xi32, #tpu.memory_space<vmem>>
      %dma_start3A_103 = arith.constant 0 : i32
      %dma_start3A_104 = arith.constant 0 : i32
      %dma_start3A_105 = tpu.memref_slice %arg13[%dma_start3A_103, %dma_start3A_104] : memref<10240x128xf32, #tpu.memory_space<vmem_shared>> -> memref<10240x128xf32, #tpu.memory_space<vmem_shared>>
      tpu.enqueue_indirect_dma source(%arg11 : memref<64x128xf32, #tpu.memory_space<vmem>>) target(%dma_start3A_105 : memref<10240x128xf32, #tpu.memory_space<vmem_shared>>) offsets(%dma_start3A_102 : memref<64xi32, #tpu.memory_space<vmem>>) semaphore(%arg15 : memref<!tpu.dma_semaphore, #tpu.memory_space<semaphore_mem>>) {add = true}
      %dma_wait3A_106 = arith.constant 1 : i32
      %dma_wait3A_107 = arith.constant 0 : i32
      %dma_wait3A_108 = tpu.memref_slice %arg8[%dma_wait3A_106, %dma_wait3A_107] : memref<8x64xi32, #tpu.memory_space<vmem>> -> memref<1x64xi32, #tpu.memory_space<vmem>>
      %dma_wait3A_109 = tpu.memref_squeeze %dma_wait3A_108 : memref<1x64xi32, #tpu.memory_space<vmem>> -> memref<64xi32, #tpu.memory_space<vmem>>
      %dma_wait3A_110 = arith.constant 0 : i32
      %dma_wait3A_111 = arith.constant 0 : i32
      %dma_wait3A_112 = tpu.memref_slice %arg13[%dma_wait3A_110, %dma_wait3A_111] : memref<10240x128xf32, #tpu.memory_space<vmem_shared>> -> memref<10240x128xf32, #tpu.memory_space<vmem_shared>>
      tpu.wait_indirect_dma semaphore(%arg15 : memref<!tpu.dma_semaphore, #tpu.memory_space<semaphore_mem>>) src(%arg10 : memref<64x128xf32, #tpu.memory_space<vmem>>) dst(%dma_wait3A_112 : memref<10240x128xf32, #tpu.memory_space<vmem_shared>>)
      %dma_start3A_113 = arith.constant 5 : i32
      %dma_start3A_114 = arith.constant 0 : i32
      %dma_start3A_115 = tpu.memref_slice %arg7[%dma_start3A_113, %dma_start3A_114] : memref<8x64xi32, #tpu.memory_space<vmem>> -> memref<1x64xi32, #tpu.memory_space<vmem>>
      %dma_start3A_116 = tpu.memref_squeeze %dma_start3A_115 : memref<1x64xi32, #tpu.memory_space<vmem>> -> memref<64xi32, #tpu.memory_space<vmem>>
      %dma_start3A_117 = arith.constant 0 : i32
      %dma_start3A_118 = arith.constant 0 : i32
      %dma_start3A_119 = tpu.memref_slice %arg2[%dma_start3A_117, %dma_start3A_118] : memref<20480x128xf32, #tpu.memory_space<hbm>> -> memref<20480x128xf32, #tpu.memory_space<hbm>>
      tpu.enqueue_indirect_dma source(%dma_start3A_119 : memref<20480x128xf32, #tpu.memory_space<hbm>>) target(%arg10 : memref<64x128xf32, #tpu.memory_space<vmem>>) offsets(%dma_start3A_116 : memref<64xi32, #tpu.memory_space<vmem>>) semaphore(%arg14 : memref<!tpu.dma_semaphore, #tpu.memory_space<semaphore_mem>>)
      %dma_wait3A_120 = arith.constant 3 : i32
      %dma_wait3A_121 = arith.constant 0 : i32
      %dma_wait3A_122 = tpu.memref_slice %arg7[%dma_wait3A_120, %dma_wait3A_121] : memref<8x64xi32, #tpu.memory_space<vmem>> -> memref<1x64xi32, #tpu.memory_space<vmem>>
      %dma_wait3A_123 = tpu.memref_squeeze %dma_wait3A_122 : memref<1x64xi32, #tpu.memory_space<vmem>> -> memref<64xi32, #tpu.memory_space<vmem>>
      %dma_wait3A_124 = arith.constant 0 : i32
      %dma_wait3A_125 = arith.constant 0 : i32
      %dma_wait3A_126 = tpu.memref_slice %arg2[%dma_wait3A_124, %dma_wait3A_125] : memref<20480x128xf32, #tpu.memory_space<hbm>> -> memref<20480x128xf32, #tpu.memory_space<hbm>>
      tpu.wait_indirect_dma semaphore(%arg14 : memref<!tpu.dma_semaphore, #tpu.memory_space<semaphore_mem>>) src(%dma_wait3A_126 : memref<20480x128xf32, #tpu.memory_space<hbm>>) dst(%arg12 : memref<64x128xf32, #tpu.memory_space<vmem>>)
      %dma_start3A_127 = arith.constant 3 : i32
      %dma_start3A_128 = arith.constant 0 : i32
      %dma_start3A_129 = tpu.memref_slice %arg8[%dma_start3A_127, %dma_start3A_128] : memref<8x64xi32, #tpu.memory_space<vmem>> -> memref<1x64xi32, #tpu.memory_space<vmem>>
      %dma_start3A_130 = tpu.memref_squeeze %dma_start3A_129 : memref<1x64xi32, #tpu.memory_space<vmem>> -> memref<64xi32, #tpu.memory_space<vmem>>
      %dma_start3A_131 = arith.constant 0 : i32
      %dma_start3A_132 = arith.constant 0 : i32
      %dma_start3A_133 = tpu.memref_slice %arg13[%dma_start3A_131, %dma_start3A_132] : memref<10240x128xf32, #tpu.memory_space<vmem_shared>> -> memref<10240x128xf32, #tpu.memory_space<vmem_shared>>
      tpu.enqueue_indirect_dma source(%arg12 : memref<64x128xf32, #tpu.memory_space<vmem>>) target(%dma_start3A_133 : memref<10240x128xf32, #tpu.memory_space<vmem_shared>>) offsets(%dma_start3A_130 : memref<64xi32, #tpu.memory_space<vmem>>) semaphore(%arg15 : memref<!tpu.dma_semaphore, #tpu.memory_space<semaphore_mem>>) {add = true}
      %dma_wait3A_134 = arith.constant 2 : i32
      %dma_wait3A_135 = arith.constant 0 : i32
      %dma_wait3A_136 = tpu.memref_slice %arg8[%dma_wait3A_134, %dma_wait3A_135] : memref<8x64xi32, #tpu.memory_space<vmem>> -> memref<1x64xi32, #tpu.memory_space<vmem>>
      %dma_wait3A_137 = tpu.memref_squeeze %dma_wait3A_136 : memref<1x64xi32, #tpu.memory_space<vmem>> -> memref<64xi32, #tpu.memory_space<vmem>>
      %dma_wait3A_138 = arith.constant 0 : i32
      %dma_wait3A_139 = arith.constant 0 : i32
      %dma_wait3A_140 = tpu.memref_slice %arg13[%dma_wait3A_138, %dma_wait3A_139] : memref<10240x128xf32, #tpu.memory_space<vmem_shared>> -> memref<10240x128xf32, #tpu.memory_space<vmem_shared>>
      tpu.wait_indirect_dma semaphore(%arg15 : memref<!tpu.dma_semaphore, #tpu.memory_space<semaphore_mem>>) src(%arg11 : memref<64x128xf32, #tpu.memory_space<vmem>>) dst(%dma_wait3A_140 : memref<10240x128xf32, #tpu.memory_space<vmem_shared>>)
      %dma_start3A_141 = arith.constant 6 : i32
      %dma_start3A_142 = arith.constant 0 : i32
      %dma_start3A_143 = tpu.memref_slice %arg7[%dma_start3A_141, %dma_start3A_142] : memref<8x64xi32, #tpu.memory_space<vmem>> -> memref<1x64xi32, #tpu.memory_space<vmem>>
      %dma_start3A_144 = tpu.memref_squeeze %dma_start3A_143 : memref<1x64xi32, #tpu.memory_space<vmem>> -> memref<64xi32, #tpu.memory_space<vmem>>
      %dma_start3A_145 = arith.constant 0 : i32
      %dma_start3A_146 = arith.constant 0 : i32
      %dma_start3A_147 = tpu.memref_slice %arg2[%dma_start3A_145, %dma_start3A_146] : memref<20480x128xf32, #tpu.memory_space<hbm>> -> memref<20480x128xf32, #tpu.memory_space<hbm>>
      tpu.enqueue_indirect_dma source(%dma_start3A_147 : memref<20480x128xf32, #tpu.memory_space<hbm>>) target(%arg11 : memref<64x128xf32, #tpu.memory_space<vmem>>) offsets(%dma_start3A_144 : memref<64xi32, #tpu.memory_space<vmem>>) semaphore(%arg14 : memref<!tpu.dma_semaphore, #tpu.memory_space<semaphore_mem>>)
      %dma_wait3A_148 = arith.constant 4 : i32
      %dma_wait3A_149 = arith.constant 0 : i32
      %dma_wait3A_150 = tpu.memref_slice %arg7[%dma_wait3A_148, %dma_wait3A_149] : memref<8x64xi32, #tpu.memory_space<vmem>> -> memref<1x64xi32, #tpu.memory_space<vmem>>
      %dma_wait3A_151 = tpu.memref_squeeze %dma_wait3A_150 : memref<1x64xi32, #tpu.memory_space<vmem>> -> memref<64xi32, #tpu.memory_space<vmem>>
      %dma_wait3A_152 = arith.constant 0 : i32
      %dma_wait3A_153 = arith.constant 0 : i32
      %dma_wait3A_154 = tpu.memref_slice %arg2[%dma_wait3A_152, %dma_wait3A_153] : memref<20480x128xf32, #tpu.memory_space<hbm>> -> memref<20480x128xf32, #tpu.memory_space<hbm>>
      tpu.wait_indirect_dma semaphore(%arg14 : memref<!tpu.dma_semaphore, #tpu.memory_space<semaphore_mem>>) src(%dma_wait3A_154 : memref<20480x128xf32, #tpu.memory_space<hbm>>) dst(%arg9 : memref<64x128xf32, #tpu.memory_space<vmem>>)
      %dma_start3A_155 = arith.constant 4 : i32
      %dma_start3A_156 = arith.constant 0 : i32
      %dma_start3A_157 = tpu.memref_slice %arg8[%dma_start3A_155, %dma_start3A_156] : memref<8x64xi32, #tpu.memory_space<vmem>> -> memref<1x64xi32, #tpu.memory_space<vmem>>
      %dma_start3A_158 = tpu.memref_squeeze %dma_start3A_157 : memref<1x64xi32, #tpu.memory_space<vmem>> -> memref<64xi32, #tpu.memory_space<vmem>>
      %dma_start3A_159 = arith.constant 0 : i32
      %dma_start3A_160 = arith.constant 0 : i32
      %dma_start3A_161 = tpu.memref_slice %arg13[%dma_start3A_159, %dma_start3A_160] : memref<10240x128xf32, #tpu.memory_space<vmem_shared>> -> memref<10240x128xf32, #tpu.memory_space<vmem_shared>>
      tpu.enqueue_indirect_dma source(%arg9 : memref<64x128xf32, #tpu.memory_space<vmem>>) target(%dma_start3A_161 : memref<10240x128xf32, #tpu.memory_space<vmem_shared>>) offsets(%dma_start3A_158 : memref<64xi32, #tpu.memory_space<vmem>>) semaphore(%arg15 : memref<!tpu.dma_semaphore, #tpu.memory_space<semaphore_mem>>) {add = true}
      %dma_wait3A_162 = arith.constant 3 : i32
      %dma_wait3A_163 = arith.constant 0 : i32
      %dma_wait3A_164 = tpu.memref_slice %arg8[%dma_wait3A_162, %dma_wait3A_163] : memref<8x64xi32, #tpu.memory_space<vmem>> -> memref<1x64xi32, #tpu.memory_space<vmem>>
      %dma_wait3A_165 = tpu.memref_squeeze %dma_wait3A_164 : memref<1x64xi32, #tpu.memory_space<vmem>> -> memref<64xi32, #tpu.memory_space<vmem>>
      %dma_wait3A_166 = arith.constant 0 : i32
      %dma_wait3A_167 = arith.constant 0 : i32
      %dma_wait3A_168 = tpu.memref_slice %arg13[%dma_wait3A_166, %dma_wait3A_167] : memref<10240x128xf32, #tpu.memory_space<vmem_shared>> -> memref<10240x128xf32, #tpu.memory_space<vmem_shared>>
      tpu.wait_indirect_dma semaphore(%arg15 : memref<!tpu.dma_semaphore, #tpu.memory_space<semaphore_mem>>) src(%arg12 : memref<64x128xf32, #tpu.memory_space<vmem>>) dst(%dma_wait3A_168 : memref<10240x128xf32, #tpu.memory_space<vmem_shared>>)
      %dma_start3A_169 = arith.constant 7 : i32
      %dma_start3A_170 = arith.constant 0 : i32
      %dma_start3A_171 = tpu.memref_slice %arg7[%dma_start3A_169, %dma_start3A_170] : memref<8x64xi32, #tpu.memory_space<vmem>> -> memref<1x64xi32, #tpu.memory_space<vmem>>
      %dma_start3A_172 = tpu.memref_squeeze %dma_start3A_171 : memref<1x64xi32, #tpu.memory_space<vmem>> -> memref<64xi32, #tpu.memory_space<vmem>>
      %dma_start3A_173 = arith.constant 0 : i32
      %dma_start3A_174 = arith.constant 0 : i32
      %dma_start3A_175 = tpu.memref_slice %arg2[%dma_start3A_173, %dma_start3A_174] : memref<20480x128xf32, #tpu.memory_space<hbm>> -> memref<20480x128xf32, #tpu.memory_space<hbm>>
      tpu.enqueue_indirect_dma source(%dma_start3A_175 : memref<20480x128xf32, #tpu.memory_space<hbm>>) target(%arg12 : memref<64x128xf32, #tpu.memory_space<vmem>>) offsets(%dma_start3A_172 : memref<64xi32, #tpu.memory_space<vmem>>) semaphore(%arg14 : memref<!tpu.dma_semaphore, #tpu.memory_space<semaphore_mem>>)
      %dma_wait3A_176 = arith.constant 5 : i32
      %dma_wait3A_177 = arith.constant 0 : i32
      %dma_wait3A_178 = tpu.memref_slice %arg7[%dma_wait3A_176, %dma_wait3A_177] : memref<8x64xi32, #tpu.memory_space<vmem>> -> memref<1x64xi32, #tpu.memory_space<vmem>>
      %dma_wait3A_179 = tpu.memref_squeeze %dma_wait3A_178 : memref<1x64xi32, #tpu.memory_space<vmem>> -> memref<64xi32, #tpu.memory_space<vmem>>
      %dma_wait3A_180 = arith.constant 0 : i32
      %dma_wait3A_181 = arith.constant 0 : i32
      %dma_wait3A_182 = tpu.memref_slice %arg2[%dma_wait3A_180, %dma_wait3A_181] : memref<20480x128xf32, #tpu.memory_space<hbm>> -> memref<20480x128xf32, #tpu.memory_space<hbm>>
      tpu.wait_indirect_dma semaphore(%arg14 : memref<!tpu.dma_semaphore, #tpu.memory_space<semaphore_mem>>) src(%dma_wait3A_182 : memref<20480x128xf32, #tpu.memory_space<hbm>>) dst(%arg10 : memref<64x128xf32, #tpu.memory_space<vmem>>)
      %dma_start3A_183 = arith.constant 5 : i32
      %dma_start3A_184 = arith.constant 0 : i32
      %dma_start3A_185 = tpu.memref_slice %arg8[%dma_start3A_183, %dma_start3A_184] : memref<8x64xi32, #tpu.memory_space<vmem>> -> memref<1x64xi32, #tpu.memory_space<vmem>>
      %dma_start3A_186 = tpu.memref_squeeze %dma_start3A_185 : memref<1x64xi32, #tpu.memory_space<vmem>> -> memref<64xi32, #tpu.memory_space<vmem>>
      %dma_start3A_187 = arith.constant 0 : i32
      %dma_start3A_188 = arith.constant 0 : i32
      %dma_start3A_189 = tpu.memref_slice %arg13[%dma_start3A_187, %dma_start3A_188] : memref<10240x128xf32, #tpu.memory_space<vmem_shared>> -> memref<10240x128xf32, #tpu.memory_space<vmem_shared>>
      tpu.enqueue_indirect_dma source(%arg10 : memref<64x128xf32, #tpu.memory_space<vmem>>) target(%dma_start3A_189 : memref<10240x128xf32, #tpu.memory_space<vmem_shared>>) offsets(%dma_start3A_186 : memref<64xi32, #tpu.memory_space<vmem>>) semaphore(%arg15 : memref<!tpu.dma_semaphore, #tpu.memory_space<semaphore_mem>>) {add = true}
      %dma_wait3A_190 = arith.constant 6 : i32
      %dma_wait3A_191 = arith.constant 0 : i32
      %dma_wait3A_192 = tpu.memref_slice %arg7[%dma_wait3A_190, %dma_wait3A_191] : memref<8x64xi32, #tpu.memory_space<vmem>> -> memref<1x64xi32, #tpu.memory_space<vmem>>
      %dma_wait3A_193 = tpu.memref_squeeze %dma_wait3A_192 : memref<1x64xi32, #tpu.memory_space<vmem>> -> memref<64xi32, #tpu.memory_space<vmem>>
      %dma_wait3A_194 = arith.constant 0 : i32
      %dma_wait3A_195 = arith.constant 0 : i32
      %dma_wait3A_196 = tpu.memref_slice %arg2[%dma_wait3A_194, %dma_wait3A_195] : memref<20480x128xf32, #tpu.memory_space<hbm>> -> memref<20480x128xf32, #tpu.memory_space<hbm>>
      tpu.wait_indirect_dma semaphore(%arg14 : memref<!tpu.dma_semaphore, #tpu.memory_space<semaphore_mem>>) src(%dma_wait3A_196 : memref<20480x128xf32, #tpu.memory_space<hbm>>) dst(%arg11 : memref<64x128xf32, #tpu.memory_space<vmem>>)
      %dma_start3A_197 = arith.constant 6 : i32
      %dma_start3A_198 = arith.constant 0 : i32
      %dma_start3A_199 = tpu.memref_slice %arg8[%dma_start3A_197, %dma_start3A_198] : memref<8x64xi32, #tpu.memory_space<vmem>> -> memref<1x64xi32, #tpu.memory_space<vmem>>
      %dma_start3A_200 = tpu.memref_squeeze %dma_start3A_199 : memref<1x64xi32, #tpu.memory_space<vmem>> -> memref<64xi32, #tpu.memory_space<vmem>>
      %dma_start3A_201 = arith.constant 0 : i32
      %dma_start3A_202 = arith.constant 0 : i32
      %dma_start3A_203 = tpu.memref_slice %arg13[%dma_start3A_201, %dma_start3A_202] : memref<10240x128xf32, #tpu.memory_space<vmem_shared>> -> memref<10240x128xf32, #tpu.memory_space<vmem_shared>>
      tpu.enqueue_indirect_dma source(%arg11 : memref<64x128xf32, #tpu.memory_space<vmem>>) target(%dma_start3A_203 : memref<10240x128xf32, #tpu.memory_space<vmem_shared>>) offsets(%dma_start3A_200 : memref<64xi32, #tpu.memory_space<vmem>>) semaphore(%arg15 : memref<!tpu.dma_semaphore, #tpu.memory_space<semaphore_mem>>) {add = true}
      %dma_wait3A_204 = arith.constant 7 : i32
      %dma_wait3A_205 = arith.constant 0 : i32
      %dma_wait3A_206 = tpu.memref_slice %arg7[%dma_wait3A_204, %dma_wait3A_205] : memref<8x64xi32, #tpu.memory_space<vmem>> -> memref<1x64xi32, #tpu.memory_space<vmem>>
      %dma_wait3A_207 = tpu.memref_squeeze %dma_wait3A_206 : memref<1x64xi32, #tpu.memory_space<vmem>> -> memref<64xi32, #tpu.memory_space<vmem>>
      %dma_wait3A_208 = arith.constant 0 : i32
      %dma_wait3A_209 = arith.constant 0 : i32
      %dma_wait3A_210 = tpu.memref_slice %arg2[%dma_wait3A_208, %dma_wait3A_209] : memref<20480x128xf32, #tpu.memory_space<hbm>> -> memref<20480x128xf32, #tpu.memory_space<hbm>>
      tpu.wait_indirect_dma semaphore(%arg14 : memref<!tpu.dma_semaphore, #tpu.memory_space<semaphore_mem>>) src(%dma_wait3A_210 : memref<20480x128xf32, #tpu.memory_space<hbm>>) dst(%arg12 : memref<64x128xf32, #tpu.memory_space<vmem>>)
      %dma_start3A_211 = arith.constant 7 : i32
      %dma_start3A_212 = arith.constant 0 : i32
      %dma_start3A_213 = tpu.memref_slice %arg8[%dma_start3A_211, %dma_start3A_212] : memref<8x64xi32, #tpu.memory_space<vmem>> -> memref<1x64xi32, #tpu.memory_space<vmem>>
      %dma_start3A_214 = tpu.memref_squeeze %dma_start3A_213 : memref<1x64xi32, #tpu.memory_space<vmem>> -> memref<64xi32, #tpu.memory_space<vmem>>
      %dma_start3A_215 = arith.constant 0 : i32
      %dma_start3A_216 = arith.constant 0 : i32
      %dma_start3A_217 = tpu.memref_slice %arg13[%dma_start3A_215, %dma_start3A_216] : memref<10240x128xf32, #tpu.memory_space<vmem_shared>> -> memref<10240x128xf32, #tpu.memory_space<vmem_shared>>
      tpu.enqueue_indirect_dma source(%arg12 : memref<64x128xf32, #tpu.memory_space<vmem>>) target(%dma_start3A_217 : memref<10240x128xf32, #tpu.memory_space<vmem_shared>>) offsets(%dma_start3A_214 : memref<64xi32, #tpu.memory_space<vmem>>) semaphore(%arg15 : memref<!tpu.dma_semaphore, #tpu.memory_space<semaphore_mem>>) {add = true}
      %dma_wait3A_218 = arith.constant 4 : i32
      %dma_wait3A_219 = arith.constant 0 : i32
      %dma_wait3A_220 = tpu.memref_slice %arg8[%dma_wait3A_218, %dma_wait3A_219] : memref<8x64xi32, #tpu.memory_space<vmem>> -> memref<1x64xi32, #tpu.memory_space<vmem>>
      %dma_wait3A_221 = tpu.memref_squeeze %dma_wait3A_220 : memref<1x64xi32, #tpu.memory_space<vmem>> -> memref<64xi32, #tpu.memory_space<vmem>>
      %dma_wait3A_222 = arith.constant 0 : i32
      %dma_wait3A_223 = arith.constant 0 : i32
      %dma_wait3A_224 = tpu.memref_slice %arg13[%dma_wait3A_222, %dma_wait3A_223] : memref<10240x128xf32, #tpu.memory_space<vmem_shared>> -> memref<10240x128xf32, #tpu.memory_space<vmem_shared>>
      tpu.wait_indirect_dma semaphore(%arg15 : memref<!tpu.dma_semaphore, #tpu.memory_space<semaphore_mem>>) src(%arg9 : memref<64x128xf32, #tpu.memory_space<vmem>>) dst(%dma_wait3A_224 : memref<10240x128xf32, #tpu.memory_space<vmem_shared>>)
      %dma_wait3A_225 = arith.constant 5 : i32
      %dma_wait3A_226 = arith.constant 0 : i32
      %dma_wait3A_227 = tpu.memref_slice %arg8[%dma_wait3A_225, %dma_wait3A_226] : memref<8x64xi32, #tpu.memory_space<vmem>> -> memref<1x64xi32, #tpu.memory_space<vmem>>
      %dma_wait3A_228 = tpu.memref_squeeze %dma_wait3A_227 : memref<1x64xi32, #tpu.memory_space<vmem>> -> memref<64xi32, #tpu.memory_space<vmem>>
      %dma_wait3A_229 = arith.constant 0 : i32
      %dma_wait3A_230 = arith.constant 0 : i32
      %dma_wait3A_231 = tpu.memref_slice %arg13[%dma_wait3A_229, %dma_wait3A_230] : memref<10240x128xf32, #tpu.memory_space<vmem_shared>> -> memref<10240x128xf32, #tpu.memory_space<vmem_shared>>
      tpu.wait_indirect_dma semaphore(%arg15 : memref<!tpu.dma_semaphore, #tpu.memory_space<semaphore_mem>>) src(%arg10 : memref<64x128xf32, #tpu.memory_space<vmem>>) dst(%dma_wait3A_231 : memref<10240x128xf32, #tpu.memory_space<vmem_shared>>)
      %dma_wait3A_232 = arith.constant 6 : i32
      %dma_wait3A_233 = arith.constant 0 : i32
      %dma_wait3A_234 = tpu.memref_slice %arg8[%dma_wait3A_232, %dma_wait3A_233] : memref<8x64xi32, #tpu.memory_space<vmem>> -> memref<1x64xi32, #tpu.memory_space<vmem>>
      %dma_wait3A_235 = tpu.memref_squeeze %dma_wait3A_234 : memref<1x64xi32, #tpu.memory_space<vmem>> -> memref<64xi32, #tpu.memory_space<vmem>>
      %dma_wait3A_236 = arith.constant 0 : i32
      %dma_wait3A_237 = arith.constant 0 : i32
      %dma_wait3A_238 = tpu.memref_slice %arg13[%dma_wait3A_236, %dma_wait3A_237] : memref<10240x128xf32, #tpu.memory_space<vmem_shared>> -> memref<10240x128xf32, #tpu.memory_space<vmem_shared>>
      tpu.wait_indirect_dma semaphore(%arg15 : memref<!tpu.dma_semaphore, #tpu.memory_space<semaphore_mem>>) src(%arg11 : memref<64x128xf32, #tpu.memory_space<vmem>>) dst(%dma_wait3A_238 : memref<10240x128xf32, #tpu.memory_space<vmem_shared>>)
      %dma_wait3A_239 = arith.constant 7 : i32
      %dma_wait3A_240 = arith.constant 0 : i32
      %dma_wait3A_241 = tpu.memref_slice %arg8[%dma_wait3A_239, %dma_wait3A_240] : memref<8x64xi32, #tpu.memory_space<vmem>> -> memref<1x64xi32, #tpu.memory_space<vmem>>
      %dma_wait3A_242 = tpu.memref_squeeze %dma_wait3A_241 : memref<1x64xi32, #tpu.memory_space<vmem>> -> memref<64xi32, #tpu.memory_space<vmem>>
      %dma_wait3A_243 = arith.constant 0 : i32
      %dma_wait3A_244 = arith.constant 0 : i32
      %dma_wait3A_245 = tpu.memref_slice %arg13[%dma_wait3A_243, %dma_wait3A_244] : memref<10240x128xf32, #tpu.memory_space<vmem_shared>> -> memref<10240x128xf32, #tpu.memory_space<vmem_shared>>
      tpu.wait_indirect_dma semaphore(%arg15 : memref<!tpu.dma_semaphore, #tpu.memory_space<semaphore_mem>>) src(%arg12 : memref<64x128xf32, #tpu.memory_space<vmem>>) dst(%dma_wait3A_245 : memref<10240x128xf32, #tpu.memory_space<vmem_shared>>)
    }
    %scan3A_7 = arith.constant 40 : i32
    %barrier3A_8 = arith.constant 0 : index
    tpu.barrier barrier_id(%barrier3A_8)
    %mul3A_9 = arith.constant 640 : i32
    %mul3A_10 = arith.muli %arg1, %mul3A_9 : i32
    %mul3A_11 = arith.constant 10240 : i32
    %mul3A_12 = arith.muli %arg0, %mul3A_11 : i32
    %mul3A_13 = arith.constant 640 : i32
    %mul3A_14 = arith.muli %arg1, %mul3A_13 : i32
    %add3A = arith.addi %mul3A_12, %mul3A_14 : i32
    "tpu.region"() ({
      %run_scoped3A = tpu.sem_alloc : memref<!tpu.dma_semaphore, #tpu.memory_space<semaphore_mem>>
      %dma_start3A = arith.constant 0 : i32
      %dma_start3A_15 = tpu.memref_slice %arg6[%add3A, %dma_start3A] : memref<20480x128xf32, #tpu.memory_space<hbm>> -> memref<640x128xf32, #tpu.memory_space<hbm>>
      %dma_start3A_16 = arith.constant 0 : i32
      %dma_start3A_17 = tpu.memref_slice %arg13[%mul3A_10, %dma_start3A_16] : memref<10240x128xf32, #tpu.memory_space<vmem_shared>> -> memref<640x128xf32, #tpu.memory_space<vmem_shared>>
      tpu.enqueue_dma source(%dma_start3A_17 : memref<640x128xf32, #tpu.memory_space<vmem_shared>>) target(%dma_start3A_15 : memref<640x128xf32, #tpu.memory_space<hbm>>) target_semaphore(%run_scoped3A : memref<!tpu.dma_semaphore, #tpu.memory_space<semaphore_mem>>)
      %dma_wait3A = arith.constant 0 : i32
      %dma_wait3A_18 = tpu.memref_slice %arg6[%add3A, %dma_wait3A] : memref<20480x128xf32, #tpu.memory_space<hbm>> -> memref<640x128xf32, #tpu.memory_space<hbm>>
      %dma_wait3A_19 = arith.constant 0 : i32
      %dma_wait3A_20 = tpu.memref_slice %arg13[%mul3A_10, %dma_wait3A_19] : memref<10240x128xf32, #tpu.memory_space<vmem_shared>> -> memref<640x128xf32, #tpu.memory_space<vmem_shared>>
      tpu.wait_dma2 semaphore(%run_scoped3A : memref<!tpu.dma_semaphore, #tpu.memory_space<semaphore_mem>>) src(%dma_wait3A_20 : memref<640x128xf32, #tpu.memory_space<vmem_shared>>) dst(%dma_wait3A_18 : memref<640x128xf32, #tpu.memory_space<hbm>>)
      tpu.yield
    }) : () -> ()
    return
  }
}

module attributes {stable_mosaic.version = 14 : i64} {
  func.func @_mm1_body(%arg0: i32, %arg1: memref<1x10240x128xf32, #tpu.memory_space<vmem>>, %arg2: memref<128x128xf32, #tpu.memory_space<vmem>>, %arg3: memref<1x1x10240xf32, #tpu.memory_space<vmem>>, %arg4: memref<1x10240x128xf32, #tpu.memory_space<vmem>>) attributes {dimension_semantics = [#tpu.dimension_semantics<arbitrary>], iteration_bounds = array<i64: 2>, scalar_prefetch = 0 : i64, scratch_operands = 0 : i64, tpu.core_type = #tpu.core_type<tc>, window_params = [{transform_indices = @transform_0, window_bounds = array<i64: 1, 10240, 128>}, {pipeline_mode = #tpu.pipeline_mode<synchronous>, transform_indices = @transform_1, window_bounds = array<i64: 128, 128>}, {transform_indices = @transform_2, window_bounds = array<i64: 1, 1, 10240>}, {transform_indices = @transform_3, window_bounds = array<i64: 1, 10240, 128>}]} {
    %get3A = arith.constant 0 : index
    %get3A_0 = arith.constant 0 : index
    %get3A_1 = arith.constant 0 : index
    %get3A_2 = vector.load %arg3[%get3A, %get3A_0, %get3A_1] : memref<1x1x10240xf32, #tpu.memory_space<vmem>>, vector<1x1x10240xf32>
    %get3A_3 = vector.shape_cast %get3A_2 : vector<1x1x10240xf32> to vector<10240xf32>
    %add3A = arith.constant 1.000000e+00 : f32
    %add3A_4 = vector.broadcast %add3A : f32 to vector<10240xf32>
    %add3A_5 = arith.addf %get3A_3, %add3A_4 : vector<10240xf32>
    %rsqrt3A = math.rsqrt %add3A_5 : vector<10240xf32>
    %get3A_6 = arith.constant 0 : index
    %get3A_7 = arith.constant 0 : index
    %get3A_8 = arith.constant 0 : index
    %get3A_9 = vector.load %arg1[%get3A_6, %get3A_7, %get3A_8] : memref<1x10240x128xf32, #tpu.memory_space<vmem>>, vector<1x10240x128xf32>
    %get3A_10 = vector.shape_cast %get3A_9 : vector<1x10240x128xf32> to vector<10240x128xf32>
    %get3A_11 = arith.constant 0 : index
    %get3A_12 = arith.constant 0 : index
    %get3A_13 = vector.load %arg2[%get3A_11, %get3A_12] : memref<128x128xf32, #tpu.memory_space<vmem>>, vector<128x128xf32>
    %dot_general3A = arith.constant dense<0.000000e+00> : vector<10240x128xf32>
    %dot_general3A_14 = tpu.matmul %get3A_10, %get3A_13, %dot_general3A {dimension_numbers = #tpu.dot_dimension_numbers<[1], [0], [0], [1], [0, 0, 1, 1], [], []>, transpose_lhs_hint = false} : vector<10240x128xf32>, vector<128x128xf32>, vector<10240x128xf32> -> vector<10240x128xf32>
    %broadcast_in_dim3A = vector.shape_cast %rsqrt3A : vector<10240xf32> to vector<10240x1xf32>
    %mul3A = vector.broadcast %broadcast_in_dim3A : vector<10240x1xf32> to vector<10240x128xf32>
    %mul3A_15 = arith.mulf %mul3A, %dot_general3A_14 : vector<10240x128xf32>
    %swap3A = arith.constant 0 : index
    %swap3A_16 = arith.constant 0 : index
    %swap3A_17 = arith.constant 0 : index
    %swap3A_18 = vector.load %arg4[%swap3A, %swap3A_16, %swap3A_17] : memref<1x10240x128xf32, #tpu.memory_space<vmem>>, vector<1x10240x128xf32>
    %swap3A_19 = vector.shape_cast %swap3A_18 : vector<1x10240x128xf32> to vector<10240x128xf32>
    %swap3A_20 = vector.shape_cast %mul3A_15 : vector<10240x128xf32> to vector<1x10240x128xf32>
    tpu.vector_store %arg4[%swap3A, %swap3A_16, %swap3A_17], %swap3A_20 {strides = array<i32>} : memref<1x10240x128xf32, #tpu.memory_space<vmem>>, vector<1x10240x128xf32>,
    return
  }
  func.func @transform_0(%arg0: i32) -> (i32, i32, i32) {
    %c0_i32 = arith.constant 0 : i32
    %c0_i32_0 = arith.constant 0 : i32
    %c0_i32_1 = arith.constant 0 : i32
    return %arg0, %c0_i32, %c0_i32_0 : i32, i32, i32
  }
  func.func @transform_1(%arg0: i32) -> (i32, i32) {
    %c0_i32 = arith.constant 0 : i32
    %c0_i32_0 = arith.constant 0 : i32
    %c0_i32_1 = arith.constant 0 : i32
    return %c0_i32, %c0_i32_0 : i32, i32
  }
  func.func @transform_2(%arg0: i32) -> (i32, i32, i32) {
    %c0_i32 = arith.constant 0 : i32
    %c0_i32_0 = arith.constant 0 : i32
    %c0_i32_1 = arith.constant 0 : i32
    return %arg0, %c0_i32, %c0_i32_0 : i32, i32, i32
  }
  func.func @transform_3(%arg0: i32) -> (i32, i32, i32) {
    %c0_i32 = arith.constant 0 : i32
    %c0_i32_0 = arith.constant 0 : i32
    %c0_i32_1 = arith.constant 0 : i32
    return %arg0, %c0_i32, %c0_i32_0 : i32, i32, i32
  }
}

module attributes {stable_mosaic.version = 14 : i64} {
  func.func @_mm2_body(%arg0: i32, %arg1: memref<1x10240x128xf32, #tpu.memory_space<vmem>>, %arg2: memref<1x10240x128xf32, #tpu.memory_space<vmem>>, %arg3: memref<1x1x10240xf32, #tpu.memory_space<vmem>>, %arg4: memref<1x128xf32, #tpu.memory_space<vmem>>, %arg5: memref<128x128xf32, #tpu.memory_space<vmem>>, %arg6: memref<1x10240x128xf32, #tpu.memory_space<vmem>>) attributes {dimension_semantics = [#tpu.dimension_semantics<arbitrary>], iteration_bounds = array<i64: 2>, scalar_prefetch = 0 : i64, scratch_operands = 0 : i64, tpu.core_type = #tpu.core_type<tc>, window_params = [{transform_indices = @transform_0, window_bounds = array<i64: 1, 10240, 128>}, {transform_indices = @transform_1, window_bounds = array<i64: 1, 10240, 128>}, {transform_indices = @transform_2, window_bounds = array<i64: 1, 1, 10240>}, {pipeline_mode = #tpu.pipeline_mode<synchronous>, transform_indices = @transform_3, window_bounds = array<i64: 1, 128>}, {pipeline_mode = #tpu.pipeline_mode<synchronous>, transform_indices = @transform_4, window_bounds = array<i64: 128, 128>}, {transform_indices = @transform_5, window_bounds = array<i64: 1, 10240, 128>}]} {
    %get3A = arith.constant 0 : index
    %get3A_0 = arith.constant 0 : index
    %get3A_1 = arith.constant 0 : index
    %get3A_2 = vector.load %arg3[%get3A, %get3A_0, %get3A_1] : memref<1x1x10240xf32, #tpu.memory_space<vmem>>, vector<1x1x10240xf32>
    %get3A_3 = vector.shape_cast %get3A_2 : vector<1x1x10240xf32> to vector<10240xf32>
    %add3A = arith.constant 1.000000e+00 : f32
    %add3A_4 = vector.broadcast %add3A : f32 to vector<10240xf32>
    %add3A_5 = arith.addf %get3A_3, %add3A_4 : vector<10240xf32>
    %rsqrt3A = math.rsqrt %add3A_5 : vector<10240xf32>
    %broadcast_in_dim3A = vector.shape_cast %rsqrt3A : vector<10240xf32> to vector<10240x1xf32>
    %get3A_6 = arith.constant 0 : index
    %get3A_7 = arith.constant 0 : index
    %get3A_8 = arith.constant 0 : index
    %get3A_9 = vector.load %arg1[%get3A_6, %get3A_7, %get3A_8] : memref<1x10240x128xf32, #tpu.memory_space<vmem>>, vector<1x10240x128xf32>
    %get3A_10 = vector.shape_cast %get3A_9 : vector<1x10240x128xf32> to vector<10240x128xf32>
    %get3A_11 = arith.constant 0 : index
    %get3A_12 = arith.constant 0 : index
    %get3A_13 = arith.constant 0 : index
    %get3A_14 = vector.load %arg2[%get3A_11, %get3A_12, %get3A_13] : memref<1x10240x128xf32, #tpu.memory_space<vmem>>, vector<1x10240x128xf32>
    %get3A_15 = vector.shape_cast %get3A_14 : vector<1x10240x128xf32> to vector<10240x128xf32>
    %add3A_16 = arith.addf %get3A_10, %get3A_15 : vector<10240x128xf32>
    %mul3A = vector.broadcast %broadcast_in_dim3A : vector<10240x1xf32> to vector<10240x128xf32>
    %mul3A_17 = arith.mulf %mul3A, %add3A_16 : vector<10240x128xf32>
    %get3A_18 = arith.constant 0 : index
    %get3A_19 = arith.constant 0 : index
    %get3A_20 = vector.load %arg4[%get3A_18, %get3A_19] : memref<1x128xf32, #tpu.memory_space<vmem>>, vector<1x128xf32>
    %add3A_21 = vector.broadcast %get3A_20 : vector<1x128xf32> to vector<10240x128xf32>
    %add3A_22 = arith.addf %mul3A_17, %add3A_21 : vector<10240x128xf32>
    %max3A = arith.constant 0.000000e+00 : f32
    %max3A_23 = vector.broadcast %max3A : f32 to vector<10240x128xf32>
    %max3A_24 = arith.maximumf %add3A_22, %max3A_23 : vector<10240x128xf32>
    %broadcast_in_dim3A_25 = vector.shape_cast %rsqrt3A : vector<10240xf32> to vector<10240x1xf32>
    %get3A_26 = arith.constant 0 : index
    %get3A_27 = arith.constant 0 : index
    %get3A_28 = vector.load %arg5[%get3A_26, %get3A_27] : memref<128x128xf32, #tpu.memory_space<vmem>>, vector<128x128xf32>
    %dot_general3A = arith.constant dense<0.000000e+00> : vector<10240x128xf32>
    %dot_general3A_29 = tpu.matmul %max3A_24, %get3A_28, %dot_general3A {dimension_numbers = #tpu.dot_dimension_numbers<[1], [0], [0], [1], [0, 0, 1, 1], [], []>, transpose_lhs_hint = false} : vector<10240x128xf32>, vector<128x128xf32>, vector<10240x128xf32> -> vector<10240x128xf32>
    %mul3A_30 = vector.broadcast %broadcast_in_dim3A_25 : vector<10240x1xf32> to vector<10240x128xf32>
    %mul3A_31 = arith.mulf %mul3A_30, %dot_general3A_29 : vector<10240x128xf32>
    %swap3A = arith.constant 0 : index
    %swap3A_32 = arith.constant 0 : index
    %swap3A_33 = arith.constant 0 : index
    %swap3A_34 = vector.load %arg6[%swap3A, %swap3A_32, %swap3A_33] : memref<1x10240x128xf32, #tpu.memory_space<vmem>>, vector<1x10240x128xf32>
    %swap3A_35 = vector.shape_cast %swap3A_34 : vector<1x10240x128xf32> to vector<10240x128xf32>
    %swap3A_36 = vector.shape_cast %mul3A_31 : vector<10240x128xf32> to vector<1x10240x128xf32>
    tpu.vector_store %arg6[%swap3A, %swap3A_32, %swap3A_33], %swap3A_36 {strides = array<i32>} : memref<1x10240x128xf32, #tpu.memory_space<vmem>>, vector<1x10240x128xf32>,
    return
  }
  func.func @transform_0(%arg0: i32) -> (i32, i32, i32) {
    %c0_i32 = arith.constant 0 : i32
    %c0_i32_0 = arith.constant 0 : i32
    %c0_i32_1 = arith.constant 0 : i32
    return %arg0, %c0_i32, %c0_i32_0 : i32, i32, i32
  }
  func.func @transform_1(%arg0: i32) -> (i32, i32, i32) {
    %c0_i32 = arith.constant 0 : i32
    %c0_i32_0 = arith.constant 0 : i32
    %c0_i32_1 = arith.constant 0 : i32
    return %arg0, %c0_i32, %c0_i32_0 : i32, i32, i32
  }
  func.func @transform_2(%arg0: i32) -> (i32, i32, i32) {
    %c0_i32 = arith.constant 0 : i32
    %c0_i32_0 = arith.constant 0 : i32
    %c0_i32_1 = arith.constant 0 : i32
    return %arg0, %c0_i32, %c0_i32_0 : i32, i32, i32
  }
  func.func @transform_3(%arg0: i32) -> (i32, i32) {
    %c0_i32 = arith.constant 0 : i32
    %c0_i32_0 = arith.constant 0 : i32
    %c0_i32_1 = arith.constant 0 : i32
    return %c0_i32, %c0_i32_0 : i32, i32
  }
  func.func @transform_4(%arg0: i32) -> (i32, i32) {
    %c0_i32 = arith.constant 0 : i32
    %c0_i32_0 = arith.constant 0 : i32
    %c0_i32_1 = arith.constant 0 : i32
    return %c0_i32, %c0_i32_0 : i32, i32
  }
  func.func @transform_5(%arg0: i32) -> (i32, i32, i32) {
    %c0_i32 = arith.constant 0 : i32
    %c0_i32_0 = arith.constant 0 : i32
    %c0_i32_1 = arith.constant 0 : i32
    return %arg0, %c0_i32, %c0_i32_0 : i32, i32, i32
  }
}

module attributes {stable_mosaic.version = 14 : i64} {
  func.func @_fin_body(%arg0: i32, %arg1: memref<1x10240x128xf32, #tpu.memory_space<vmem>>, %arg2: memref<1x10240x128xf32, #tpu.memory_space<vmem>>, %arg3: memref<1x1x10240xf32, #tpu.memory_space<vmem>>, %arg4: memref<1x128xf32, #tpu.memory_space<vmem>>, %arg5: memref<1x10240x128xf32, #tpu.memory_space<vmem>>) attributes {dimension_semantics = [#tpu.dimension_semantics<arbitrary>], iteration_bounds = array<i64: 2>, scalar_prefetch = 0 : i64, scratch_operands = 0 : i64, tpu.core_type = #tpu.core_type<tc>, window_params = [{transform_indices = @transform_0, window_bounds = array<i64: 1, 10240, 128>}, {transform_indices = @transform_1, window_bounds = array<i64: 1, 10240, 128>}, {transform_indices = @transform_2, window_bounds = array<i64: 1, 1, 10240>}, {pipeline_mode = #tpu.pipeline_mode<synchronous>, transform_indices = @transform_3, window_bounds = array<i64: 1, 128>}, {transform_indices = @transform_4, window_bounds = array<i64: 1, 10240, 128>}]} {
    %get3A = arith.constant 0 : index
    %get3A_0 = arith.constant 0 : index
    %get3A_1 = arith.constant 0 : index
    %get3A_2 = vector.load %arg3[%get3A, %get3A_0, %get3A_1] : memref<1x1x10240xf32, #tpu.memory_space<vmem>>, vector<1x1x10240xf32>
    %get3A_3 = vector.shape_cast %get3A_2 : vector<1x1x10240xf32> to vector<10240xf32>
    %add3A = arith.constant 1.000000e+00 : f32
    %add3A_4 = vector.broadcast %add3A : f32 to vector<10240xf32>
    %add3A_5 = arith.addf %get3A_3, %add3A_4 : vector<10240xf32>
    %rsqrt3A = math.rsqrt %add3A_5 : vector<10240xf32>
    %broadcast_in_dim3A = vector.shape_cast %rsqrt3A : vector<10240xf32> to vector<10240x1xf32>
    %get3A_6 = arith.constant 0 : index
    %get3A_7 = arith.constant 0 : index
    %get3A_8 = arith.constant 0 : index
    %get3A_9 = vector.load %arg1[%get3A_6, %get3A_7, %get3A_8] : memref<1x10240x128xf32, #tpu.memory_space<vmem>>, vector<1x10240x128xf32>
    %get3A_10 = vector.shape_cast %get3A_9 : vector<1x10240x128xf32> to vector<10240x128xf32>
    %get3A_11 = arith.constant 0 : index
    %get3A_12 = arith.constant 0 : index
    %get3A_13 = arith.constant 0 : index
    %get3A_14 = vector.load %arg2[%get3A_11, %get3A_12, %get3A_13] : memref<1x10240x128xf32, #tpu.memory_space<vmem>>, vector<1x10240x128xf32>
    %get3A_15 = vector.shape_cast %get3A_14 : vector<1x10240x128xf32> to vector<10240x128xf32>
    %add3A_16 = arith.addf %get3A_10, %get3A_15 : vector<10240x128xf32>
    %mul3A = vector.broadcast %broadcast_in_dim3A : vector<10240x1xf32> to vector<10240x128xf32>
    %mul3A_17 = arith.mulf %mul3A, %add3A_16 : vector<10240x128xf32>
    %get3A_18 = arith.constant 0 : index
    %get3A_19 = arith.constant 0 : index
    %get3A_20 = vector.load %arg4[%get3A_18, %get3A_19] : memref<1x128xf32, #tpu.memory_space<vmem>>, vector<1x128xf32>
    %add3A_21 = vector.broadcast %get3A_20 : vector<1x128xf32> to vector<10240x128xf32>
    %add3A_22 = arith.addf %mul3A_17, %add3A_21 : vector<10240x128xf32>
    %swap3A = arith.constant 0 : index
    %swap3A_23 = arith.constant 0 : index
    %swap3A_24 = arith.constant 0 : index
    %swap3A_25 = vector.load %arg5[%swap3A, %swap3A_23, %swap3A_24] : memref<1x10240x128xf32, #tpu.memory_space<vmem>>, vector<1x10240x128xf32>
    %swap3A_26 = vector.shape_cast %swap3A_25 : vector<1x10240x128xf32> to vector<10240x128xf32>
    %swap3A_27 = vector.shape_cast %add3A_22 : vector<10240x128xf32> to vector<1x10240x128xf32>
    tpu.vector_store %arg5[%swap3A, %swap3A_23, %swap3A_24], %swap3A_27 {strides = array<i32>} : memref<1x10240x128xf32, #tpu.memory_space<vmem>>, vector<1x10240x128xf32>,
    return
  }
  func.func @transform_0(%arg0: i32) -> (i32, i32, i32) {
    %c0_i32 = arith.constant 0 : i32
    %c0_i32_0 = arith.constant 0 : i32
    %c0_i32_1 = arith.constant 0 : i32
    return %arg0, %c0_i32, %c0_i32_0 : i32, i32, i32
  }
  func.func @transform_1(%arg0: i32) -> (i32, i32, i32) {
    %c0_i32 = arith.constant 0 : i32
    %c0_i32_0 = arith.constant 0 : i32
    %c0_i32_1 = arith.constant 0 : i32
    return %arg0, %c0_i32, %c0_i32_0 : i32, i32, i32
  }
  func.func @transform_2(%arg0: i32) -> (i32, i32, i32) {
    %c0_i32 = arith.constant 0 : i32
    %c0_i32_0 = arith.constant 0 : i32
    %c0_i32_1 = arith.constant 0 : i32
    return %arg0, %c0_i32, %c0_i32_0 : i32, i32, i32
  }
  func.func @transform_3(%arg0: i32) -> (i32, i32) {
    %c0_i32 = arith.constant 0 : i32
    %c0_i32_0 = arith.constant 0 : i32
    %c0_i32_1 = arith.constant 0 : i32
    return %c0_i32, %c0_i32_0 : i32, i32
  }
  func.func @transform_4(%arg0: i32) -> (i32, i32, i32) {
    %c0_i32 = arith.constant 0 : i32
    %c0_i32_0 = arith.constant 0 : i32
    %c0_i32_1 = arith.constant 0 : i32
    return %arg0, %c0_i32, %c0_i32_0 : i32, i32, i32
  }
}

</mosaic_0001>

<sc_bundles>
// kernel: kernel.11.cloned.1.call-start
scs
__scs_entry_jumppad:
0x0: {  	(pc) =	sbr.rel $0x88, $3  }
0x1: {  	(tag) =	ssettag $0x0;
	lr =	simm.s32 $0x1  }
0x2: {  	[smem:$0x3F99] =	sst lr;
	_ =	strace $0xD0000000  }
0x3: {  	_ = 	snop  }
0x4: {  	_ = 	snop  }
0x5: {  	_ = 	snop  }
0x6: {  	_ = 	snop  }
0x7: {  	_ = 	snop  }
__scs_overlays_trampoline_lowered:
0x8: {  	[smem:$0x3FA8] =	sst s0  }
0x9: {  	[smem:$0x3FA9] =	sst s1  }
0xa: {  	[smem:$0x3FAA] =	sst s2  }
0xb: {  	[smem:$0x3FAB] =	sst s3  }
0xc: {  	[smem:$0x3FAC] =	sst s4  }
0xd: {  	[smem:$0x3FAD] =	sst s5  }
0xe: {  	[smem:$0x3FAE] =	sst s6  }
0xf: {  	[smem:$0x3FAF] =	sst s7  }
0x10: {  	[smem:$0x3FB0] =	sst s8  }
0x11: {  	[smem:$0x3FB1] =	sst s9;
	s0 =	simm.s32 @!p0 $0x0  }
0x12: {  	s1 =	sld [smem:$0x3F97];
	s0 =	simm.s32 @p0 $0x1  }
0x13: {  	[smem:$0x3FB2] =	sst s0;
	s0 =	simm.s32 @!p1 $0x0  }
0x14: {  	s2 =	sld [smem:$0x3F96];
	s0 =	simm.s32 @p1 $0x1  }
0x15: {  	[smem:$0x3FB3] =	sst s0;
	s0 =	simm.s32 @!p2 $0x0  }
0x16: {  	s3 =	sld [smem:$0x3FDB];
	s0 =	simm.s32 @p2 $0x1  }
0x17: {  	s4 =	simm.s32 $0x1BF5;
	[smem:$0x3FB5] =	sst s0  }
0x18: {  	s0 =	sld [smem:$0x3F98];
	_ =	swait.ge [sflag:s4], $0x0  }
0x19: {  	s7 =	sld [smem:$0x3F99]  }
0x1a: {  	s8 =	sadd.s32 $0xFFFFE003, lr  }
0x1b: {  	s9 =	sadd.s32 $0xFFFFFEF7, lr;
	s5 =	simm.s32 $0xFFFFFFFF;
	p2 =	slt.u32 s8, $0xFFFFF086  }
0x1c: {  	p1 =	slt.u32 s9, $0xF7A;
	s5 =	simm.s32 @!p2 $0x0  }
0x1d: {  	s5 =	simm.s32 @p1 $0x1;
	p0 =	seq.s32 s7, s2  }
0x1e: {  	s7 =	smul.u32 @!p0 $0xF7A, s2;
	p2 =	seq.s32 @!p0 s5, $0x0  }
0x1f: {  	s9 =	smul.u32 $0xF7A, s1;
	s8 =	simm.s32 @!p0 $0x1BF5;
	p2 =	por !p2, p0  }
0x20: {  	[sflag:s8] =	ssyncset.s32 @!p0 $0xFFFFF086;
	s6 =	sadd.s32 @!p0 s3, s7;
	s7 =	simm.s32 @!p0 $0x108  }
0x21: {  	s3 =	sadd.s32 s3, s9;
	s6 =	sadd.s32 @!p0 $0x88, s6;
	s7 =	simm.s32 @p2 $0x1082  }
0x22: {  	[simem:s7], [sflag:s8] =	dma.local @!p0 [hbm:s6], $0xF7A  }
0x23: {  	s9 =	sor.u32 $0xD0000000, s2;
	s6 =	simm.s32 $0x108;
	_ =	swait.ge @!p0 [sflag:s8], $0x0  }
0x24: {  	s3 =	sadd.s32 $0x88, s3;
	s6 =	simm.s32 @!p1 $0x1082;
	[sflag:s4] =	ssyncset.s32 $0xFFFFF086  }
0x25: {  	[simem:s6], [sflag:s4] =	dma.local [hbm:s3], $0xF7A  }
0x26: {  	[smem:$0x3F99] =	sst s1;
	(tag) =	ssettag s2;
	_ =	strace s9  }
0x27: {  	s1 =	sld [smem:$0x3FA9]  }
0x28: {  	s2 =	sld [smem:$0x3FAA]  }
0x29: {  	s4 =	sld [smem:$0x3FAC]  }
0x2a: {  	p0 =	seq.s32 s5, $0x0;
	s5 =	sld [smem:$0x3FAD]  }
0x2b: {  	s6 =	sld [smem:$0x3FAE]  }
0x2c: {  	s7 =	sld [smem:$0x3FAF]  }
0x2d: {  	s3 =	simm.s32 $0x108;
	s8 =	sld [smem:$0x3FB0]  }
0x2e: {  	s3 =	simm.s32 @!p0 $0x1082;
	s9 =	sld [smem:$0x3FB1]  }
0x2f: {  	lr =	sadd.s32 s0, s3;
	s0 =	sld [smem:$0x3FA8]  }
0x30: {  	s3 =	sld [smem:$0x3FAB]  }
0x31: {  	[smem:$0x3FB4] =	sst s10  }
0x32: {  	s10 =	sld [smem:$0x3FB2];
	_ =	sdelay $0x3  }
0x33: {  	p0 =	seq.s32 s10, $0x1;
	s10 =	sld [smem:$0x3FB4];
	_ =	sdelay $0x3  }
0x34: {  	[smem:$0x3FB4] =	sst s10  }
0x35: {  	s10 =	sld [smem:$0x3FB3];
	_ =	sdelay $0x3  }
0x36: {  	p1 =	seq.s32 s10, $0x1;
	s10 =	sld [smem:$0x3FB4];
	_ =	sdelay $0x3  }
0x37: {  	[smem:$0x3FB4] =	sst s10  }
0x38: {  	s10 =	sld [smem:$0x3FB5]  }
0x39: {  	_ = 	snop;
	(pc) =	sbr.ind lr, $3  }
0x3a: {  	_ = 	snop  }
0x3b: {  	_ = 	snop  }
0x3c: {  	p2 =	seq.s32 s10, $0x1;
	s10 =	sld [smem:$0x3FB4]  }
0x3d: {  	_ =	shalt  }
0x3e: {  	_ =	shalt  }
0x3f: {  	_ =	shalt  }
0x40: {  	_ =	shalt  }
0x41: {  	_ =	shalt  }
0x42: {  	_ =	shalt  }
0x43: {  	_ =	shalt  }
0x44: {  	_ =	shalt  }
0x45: {  	_ =	shalt  }
0x46: {  	_ =	shalt  }
0x47: {  	_ =	shalt  }
0x48: {  	_ =	shalt  }
0x49: {  	_ =	shalt  }
0x4a: {  	_ =	shalt  }
0x4b: {  	_ =	shalt  }
0x4c: {  	_ =	shalt  }
0x4d: {  	_ =	shalt  }
0x4e: {  	_ =	shalt  }
0x4f: {  	_ =	shalt  }
0x50: {  	_ =	shalt  }
0x51: {  	_ =	shalt  }
0x52: {  	_ =	shalt  }
0x53: {  	_ =	shalt  }
0x54: {  	_ =	shalt  }
0x55: {  	_ =	shalt  }
0x56: {  	_ =	shalt  }
0x57: {  	_ =	shalt  }
0x58: {  	_ =	shalt  }
0x59: {  	_ =	shalt  }
0x5a: {  	_ =	shalt  }
0x5b: {  	_ =	shalt  }
0x5c: {  	_ =	shalt  }
0x5d: {  	_ =	shalt  }
0x5e: {  	_ =	shalt  }
0x5f: {  	_ =	shalt  }
0x60: {  	_ =	shalt  }
0x61: {  	_ =	shalt  }
0x62: {  	_ =	shalt  }
0x63: {  	_ =	shalt  }
0x64: {  	_ =	shalt  }
0x65: {  	_ =	shalt  }
0x66: {  	_ =	shalt  }
0x67: {  	_ =	shalt  }
0x68: {  	_ =	shalt  }
0x69: {  	_ =	shalt  }
0x6a: {  	_ =	shalt  }
0x6b: {  	_ =	shalt  }
0x6c: {  	_ =	shalt  }
0x6d: {  	_ =	shalt  }
0x6e: {  	_ =	shalt  }
0x6f: {  	_ =	shalt  }
0x70: {  	_ =	shalt  }
0x71: {  	_ =	shalt  }
0x72: {  	_ =	shalt  }
0x73: {  	_ =	shalt  }
0x74: {  	_ =	shalt  }
0x75: {  	_ =	shalt  }
0x76: {  	_ =	shalt  }
0x77: {  	_ =	shalt  }
0x78: {  	_ =	shalt  }
0x79: {  	_ =	shalt  }
0x7a: {  	_ =	shalt  }
0x7b: {  	_ =	shalt  }
0x7c: {  	_ =	shalt  }
0x7d: {  	_ =	shalt  }
0x7e: {  	_ =	shalt  }
0x7f: {  	_ =	shalt  }
0x80: {  	_ =	shalt  }
0x81: {  	_ =	shalt  }
0x82: {  	_ =	shalt  }
0x83: {  	_ =	shalt  }
0x84: {  	_ =	shalt  }
0x85: {  	_ =	shalt  }
0x86: {  	_ =	shalt  }
0x87: {  	_ =	shalt  }
.Lfunc_end0:
.L_simem_size_0:
called_computation.1_lowered:
.L_overlay_start_0:
0x88: {  	s2 =	sld [smem:$0x3FD9]  }
0x89: {  	s3 =	sld [smem:$0x3FFE];
	_ =	sdelay $0x1  }
0x8a: {  	s1 =	srdreg.scid  }
0x8b: {  	s0 =	sand.u32 $0x1, s1  }
0x8c: {  	s16 =	sshll.u32 s0, $0xA;
	s2 =	sadd.s32 s3, s2  }
0x8d: {  	s2 =	sadd.s32 s2, s16  }
0x8e: {  	[smem:$0x3FC0] =	sst s2  }
0x8f: {  	_ = 	snop  }
0x90: {  	(tm) =	ssettm $0x1  }
0x91: {  	s17 =	sld [smem:$0x3FFB];
	_ =	sdelay $0x3  }
0x92: {  	_ =	strace s17  }
0x93: {  	s2 =	sld [smem:$0x3FFC];
	_ =	sdelay $0x3  }
0x94: {  	_ =	strace s2  }
0x95: {  	s2 =	sld [smem:$0x3FFD];
	_ =	sdelay $0x3  }
0x96: {  	_ =	strace s2  }
0x97: {  	_ =	strace $0x8FFFFFFF  }
0x98: {  	s18 =	sld [smem:$0x3FDB];
	_ =	sdelay $0x1  }
0x99: {  	s19 =	simm.s32 $_scs_section_size  }
0x9a: {  	s4 =	simm.s32 $_size__tile_overlayer_lowered;
	s5 =	simm.s32 $_tile_overlayer_lowered  }
0x9b: {  	s22 =	simm.s32 $0x1BFF;
	s21 =	sshll.u32 s5, $0x1;
	s2 =	sadd.s32 s19, s18  }
0x9c: {  	s6 =	simm.s32 $0x0;
	s20 =	sshll.u32 s4, $0x1;
	s4 =	sadd.s32 s21, s2  }
0x9d: {  	[timem:s6], [sflag:s22] =	dma.local [hbm:s4], s20  }
0x9e: {  	_ =	swait.ge [sflag:s22], s20  }
0x9f: {  	s3 =	ssub.s32 $0x0, s20;
	[sflag:s22] =	ssyncset.done $0x0  }
0xa0: {  	[sflag:s22] =	ssyncadd.s32 s3;
	_ =	sdelay $0x1  }
0xa1: {  	s23 =	simm.s32 $0x1B8B  }
0xa2: {  	_ =	swait.ge [sflag:s23], $0x1  }
0xa3: {  	[sflag:s23] =	ssyncset.done $0x0  }
0xa4: {  	s25 =	simm.s32 $0x1B8E;
	s24 =	sld [smem:$0x3FFE];
	[sflag:s23] =	ssyncadd.s32 $0xFFFFFFFF  }
0xa5: {  	s26 =	simm.s32 $execute0_lowered;
	[smem:$0x3FD2] =	sst s25  }
0xa6: {  	s4 =	sshll.u32 s26, $0x1;
	_ =	strace $0x80000049;
	[dreg:$0x1] =	wrdreg $0xFFFFFFFF  }
0xa7: {  	s28 =	simm.s32 $_size_execute0_lowered;
	s2 =	sadd.s32 s2, s4;
	[dreg:$0x0] =	wrdreg $0x0  }
0xa8: {  	s4 =	sshll.u32 s28, $0x1;
	[dreg:$0x2] =	wrdreg s2  }
0xa9: {  	[dreg:$0x3] =	wrdreg s4  }
0xaa: {  	[dreg:$0x4] =	wrdreg $0xC0  }
0xab: {  	_ =	task [dreg:s6], $0x5FFFF  }
0xac: {  	[dreg:$0x1] =	wrdreg $0xFFFFFFFF  }
0xad: {  	[dreg:$0x0] =	wrdreg $0x60  }
0xae: {  	[dreg:$0x2] =	wrdreg s24  }
0xaf: {  	[dreg:$0x3] =	wrdreg $0x88000  }
0xb0: {  	[dreg:$0x4] =	wrdreg $0x9  }
0xb1: {  	_ =	task.clear_ibuf [dreg:s6], $0x5FFFF;
	_ =	strace $0x90000049  }
0xb2: {  	s29 =	simm.s32 $0x9;
	_ =	strace $0x8000004B  }
0xb3: {  	_ =	swait.ge [sflag:s29], $0x1  }
0xb4: {  	[sflag:s29] =	ssyncadd.s32 $0xFFFFFFFF  }
0xb5: {  	_ =	strace $0x9000004B  }
0xb6: {  	_ =	sfence  }
0xb7: {  	s30 =	sld [smem:$0x0];
	_ =	sdelay $0x2  }
0xb8: {  	s31 =	sshll.u32 s1, $0xD;
	s1 =	sshrl.u32 s1, $0x2  }
0xb9: {  	s3 =	sand.u32 $0x4000, s31;
	s1 =	sadd.s32 s1, s30  }
0xba: {  	s0 =	sor.u32 s3, s0;
	s1 =	sshll.u32 s1, $0x11  }
0xbb: {  	s0 =	sor.u32 s1, s0  }
0xbc: {  	s0 =	sadd.s32 $0x8F2B, s0  }
0xbd: {  	[sflag:s0] =	ssyncadd.remote.s32 $0x1  }
0xbe: {  	_ =	sfence.sel $0xFFFF  }
0xbf: {  	[dreg:$0x0] =	wrdreg $0xFFFFFFFF;
	(pc) =	sbr.abs _section_cstart, $3  }
0xc0: {  	[dreg:$0x1] =	wrdreg $0xFFFFFFFF  }
0xc1: {  	_ =	task.clear_ibuf [dreg:s6], $0x2FFFF;
	_ =	strace $0x9FFFFFFF  }
0xc2: {  	(tm) =	ssettm $0x7FFFFFFF  }
0xc3: {  	_ =	shalt  }
tec
execute0_lowered:
.L_overlay_start_1:
0x0: {  	(tag) =	ssettag $0x1  }
0x1: {  	s0 =	srdreg.scid;
	s1 =	rddreg [dreg:$0x0]  }
0x2: {  	s9 =	stileid.u32;
	s2 =	rddreg [dreg:$0x1];
	s3 =	simm.s32 $0x0  }
0x3: {  	s11 =	simm.s32 $0x3;
	s12 =	simm.s32 $0x400;
	s13 =	simm.s32 $0x40  }
0x4: {  	s14 =	simm.s32 $0x800;
	s16 =	simm.s32 $0x2800;
	s17 =	simm.s32 $0x100  }
0x5: {  	s18 =	simm.s32 $0x4800;
	s19 =	simm.s32 $0x1;
	s20 =	simm.s32 $0x180  }
0x6: {  	s21 =	simm.s32 $0x6800;
	s28 =	simm.s32 $0x580;
	s5 =	smul.u32 $0x140, s9  }
0x7: {  	s29 =	simm.s32 $0x300;
	s30 =	simm.s32 $0x600;
	s22 =	smul.u32 $0x2800, s9  }
0x8: {  	s31 =	simm.s32 $0x380;
	s0 =	sand.u32 $0x1, s0;
	s8 =	smul.u32 $0x50000, s9  }
0x9: {  	s10 =	simm.s32 $0x0;
	[smem:$0x7FF] =	sst s3;
	s4 =	smul.u32 $0x1400, s0  }
0xa: {  	s25 =	sshll.u32 s9, $0x6;
	s7 =	smul.u32 $0x28000, s0;
	s0 =	ssub.s32 $0x2, s0  }
0xb: {  	_ =	strace $0x8000004A;
	s23 =	sshrl.u32 s0, $0x1;
	s24 =	sshrl.u32 s8, $0x2  }
0xc: {  	s8 =	sor.u32 $0x1C03, s25;
	s25 =	simm.s32 $0x500;
	s4 =	sadd.s32 s5, s4  }
0xd: {  	s7 =	sadd.s32 s22, s7;
	s5 =	sadd.s32 s22, s1;
	s0 =	ssub.s32 s0, s23  }
0xe: {  	s22 =	simm.s32 $0x480;
	s23 =	simm.s32 $0x2;
	[dreg:$0x5] =	wrdreg s8  }
0xf: {  	s6 =	sshll.u32 s4, $0x4;
	s4 =	sadd.s32 $0x53800, s1;
	s5 =	sadd.s32 $0xA3800, s5  }
0x10: {  	s0 =	smax.u32 s0, $0x1;
	s6 =	sadd.s32 s6, s1;
	[dreg:$0x4] =	wrdreg s5  }
0x11: {  	s1 =	sadd.s32 s7, s1;
	s7 =	sadd.s32 s24, s2;
	[dreg:$0x7] =	wrdreg s0  }
0x12: {  	s24 =	simm.s32 $0x200;
	s0 =	simm.s32 $0x700;
	s1 =	sadd.s32 $0xCB800, s1  }
0x13: {  	s5 =	simm.s32 $0x780;
	s26 =	sadd.s32 $0x3800, s6;
	[dreg:$0x6] =	wrdreg s1  }
0x14: {  	s9 =	sadd.s32 $0x2B800, s6;
	s7 =	sshrl.u32 s7, $0x3;
	[dreg:$0x3] =	wrdreg s26  }
0x15: {  	s26 =	simm.s32 $0x280;
	s1 =	simm.s32 $0x680;
	[dreg:$0x8] =	wrdreg s7  }
.LBB2_1:
0x16: {  	[dreg:$0x9] =	wrdreg s10  }
0x17: {  	s6 =	rddreg [dreg:$0x4]  }
0x18: {  	[spmem:s7], [sflag:s8] =	dma.local [hbm:s6], $0x2800  }
0x19: {  	_ =	swait.ge [sflag:s11], $0x2800  }
0x1a: {  	[sflag:s11] =	ssyncset.done $0x0  }
0x1b: {  	[sflag:s11] =	ssyncadd.s32 $0xFFFFD800  }
0x1c: {  	s8 =	sadd.s32 $0x0, s9;
	[bflag:$0x0] =	sbarrier.arrive $0xFFFF  }
0x1d: {  	[tilespmem:s3], [sflag:$0x3] =	stream.linear.gather [hbm4b:s8+s3], $0x400, $0x38;
	[tilespmem:$0x1C800] =	vst v63  }
0x1e: {  	_ =	swait.ge [sflag:s11], $0x400  }
0x1f: {  	s10 =	rddreg [dreg:$0x3];
	[sflag:s11] =	ssyncset.done $0x0  }
0x20: {  	[sflag:s11] =	ssyncadd.s32 $0xFFFFFC00;
	s6 =	sadd.s32 $0x0, s10  }
0x21: {  	[tilespmem:s12], [sflag:$0x3] =	stream.linear.gather [hbm4b:s6+s3], $0x400, $0x38;
	[tilespmem:$0x1C800] =	vst v63  }
0x22: {  	_ =	swait.ge [sflag:s11], $0x400  }
0x23: {  	[sflag:s11] =	ssyncset.done $0x0  }
0x24: {  	[sflag:s11] =	ssyncadd.s32 $0xFFFFFC00  }
0x25: {  	[tilespmem:s14], [sflag:$0x1] =	stream.indirect.gather [hbm4b:s4+s13], $0x80, s3, s13, $0xb8;
	[tilespmem:$0x1C800] =	vst v63  }
0x26: {  	s15 =	simm.s32 $0x80  }
0x27: {  	[tilespmem:s16], [sflag:$0x1] =	stream.indirect.gather [hbm4b:s4+s13], $0x80, s15, s13, $0xb8;
	[tilespmem:$0x1C800] =	vst v63  }
0x28: {  	_ = 	snop  }
0x29: {  	[tilespmem:s18], [sflag:$0x1] =	stream.indirect.gather [hbm4b:s4+s13], $0x80, s17, s13, $0xb8;
	[tilespmem:$0x1C800] =	vst v63  }
0x2a: {  	_ =	swait.ge [sflag:s19], $0x2000  }
0x2b: {  	[sflag:s19] =	ssyncset.done $0x0  }
0x2c: {  	[sflag:s19] =	ssyncadd.s32 $0xFFFFE000  }
0x2d: {  	[spmem:s2] =	stream.indirect.scatter.add.f32 [tilespmem:s14], [sflag:$0x2], $0x80, s12, s13, $0xb8;
	[tilespmem:$0x1C800] =	vst v63  }
0x2e: {  	_ = 	snop  }
0x2f: {  	[tilespmem:s21], [sflag:$0x1] =	stream.indirect.gather [hbm4b:s4+s13], $0x80, s20, s13, $0xb8;
	[tilespmem:$0x1C800] =	vst v63  }
0x30: {  	_ =	swait.ge [sflag:s19], $0x2000  }
0x31: {  	[sflag:s19] =	ssyncset.done $0x0  }
0x32: {  	[sflag:s19] =	ssyncadd.s32 $0xFFFFE000  }
0x33: {  	[spmem:s2] =	stream.indirect.scatter.add.f32 [tilespmem:s16], [sflag:$0x2], $0x80, s22, s13, $0xb8;
	[tilespmem:$0x1C800] =	vst v63  }
0x34: {  	_ =	swait.ge [sflag:s23], $0x2000  }
0x35: {  	[sflag:s23] =	ssyncset.done $0x0  }
0x36: {  	[sflag:s23] =	ssyncadd.s32 $0xFFFFE000  }
0x37: {  	[tilespmem:s14], [sflag:$0x1] =	stream.indirect.gather [hbm4b:s4+s13], $0x80, s24, s13, $0xb8;
	[tilespmem:$0x1C800] =	vst v63  }
0x38: {  	_ =	swait.ge [sflag:s19], $0x2000  }
0x39: {  	[sflag:s19] =	ssyncset.done $0x0  }
0x3a: {  	[sflag:s19] =	ssyncadd.s32 $0xFFFFE000  }
0x3b: {  	[spmem:s2] =	stream.indirect.scatter.add.f32 [tilespmem:s18], [sflag:$0x2], $0x80, s25, s13, $0xb8;
	[tilespmem:$0x1C800] =	vst v63  }
0x3c: {  	_ =	swait.ge [sflag:s23], $0x2000  }
0x3d: {  	[sflag:s23] =	ssyncset.done $0x0  }
0x3e: {  	[sflag:s23] =	ssyncadd.s32 $0xFFFFE000  }
0x3f: {  	[tilespmem:s16], [sflag:$0x1] =	stream.indirect.gather [hbm4b:s4+s13], $0x80, s26, s13, $0xb8;
	[tilespmem:$0x1C800] =	vst v63  }
0x40: {  	_ =	swait.ge [sflag:s19], $0x2000  }
0x41: {  	[sflag:s19] =	ssyncset.done $0x0  }
0x42: {  	[sflag:s19] =	ssyncadd.s32 $0xFFFFE000  }
0x43: {  	[spmem:s2] =	stream.indirect.scatter.add.f32 [tilespmem:s21], [sflag:$0x2], $0x80, s28, s13, $0xb8;
	[tilespmem:$0x1C800] =	vst v63  }
0x44: {  	_ =	swait.ge [sflag:s23], $0x2000  }
0x45: {  	[sflag:s23] =	ssyncset.done $0x0  }
0x46: {  	[sflag:s23] =	ssyncadd.s32 $0xFFFFE000  }
0x47: {  	[tilespmem:s18], [sflag:$0x1] =	stream.indirect.gather [hbm4b:s4+s13], $0x80, s29, s13, $0xb8;
	[tilespmem:$0x1C800] =	vst v63  }
0x48: {  	_ =	swait.ge [sflag:s19], $0x2000  }
0x49: {  	[sflag:s19] =	ssyncset.done $0x0  }
0x4a: {  	[sflag:s19] =	ssyncadd.s32 $0xFFFFE000  }
0x4b: {  	[spmem:s2] =	stream.indirect.scatter.add.f32 [tilespmem:s14], [sflag:$0x2], $0x80, s30, s13, $0xb8;
	[tilespmem:$0x1C800] =	vst v63  }
0x4c: {  	_ =	swait.ge [sflag:s23], $0x2000  }
0x4d: {  	[sflag:s23] =	ssyncset.done $0x0  }
0x4e: {  	[sflag:s23] =	ssyncadd.s32 $0xFFFFE000  }
0x4f: {  	[tilespmem:s21], [sflag:$0x1] =	stream.indirect.gather [hbm4b:s4+s13], $0x80, s31, s13, $0xb8;
	[tilespmem:$0x1C800] =	vst v63  }
0x50: {  	_ =	swait.ge [sflag:s19], $0x2000  }
0x51: {  	[sflag:s19] =	ssyncset.done $0x0  }
0x52: {  	[sflag:s19] =	ssyncadd.s32 $0xFFFFE000  }
0x53: {  	[spmem:s2] =	stream.indirect.scatter.add.f32 [tilespmem:s16], [sflag:$0x2], $0x80, s1, s13, $0xb8;
	[tilespmem:$0x1C800] =	vst v63  }
0x54: {  	_ =	swait.ge [sflag:s19], $0x2000  }
0x55: {  	[sflag:s19] =	ssyncset.done $0x0  }
0x56: {  	[sflag:s19] =	ssyncadd.s32 $0xFFFFE000  }
0x57: {  	[spmem:s2] =	stream.indirect.scatter.add.f32 [tilespmem:s18], [sflag:$0x2], $0x80, s0, s13, $0xb8;
	[tilespmem:$0x1C800] =	vst v63  }
0x58: {  	_ =	swait.ge [sflag:s19], $0x2000  }
0x59: {  	[sflag:s19] =	ssyncset.done $0x0  }
0x5a: {  	[sflag:s19] =	ssyncadd.s32 $0xFFFFE000  }
0x5b: {  	[spmem:s2] =	stream.indirect.scatter.add.f32 [tilespmem:s21], [sflag:$0x2], $0x80, s5, s13, $0xb8;
	[tilespmem:$0x1C800] =	vst v63  }
0x5c: {  	_ =	swait.ge [sflag:s23], $0x2000  }
0x5d: {  	[sflag:s23] =	ssyncset.done $0x0  }
0x5e: {  	[sflag:s23] =	ssyncadd.s32 $0xFFFFE000  }
0x5f: {  	_ =	swait.ge [sflag:s23], $0x2000  }
0x60: {  	[sflag:s23] =	ssyncset.done $0x0  }
0x61: {  	[sflag:s23] =	ssyncadd.s32 $0xFFFFE000  }
0x62: {  	_ =	swait.ge [sflag:s23], $0x2000  }
0x63: {  	[sflag:s23] =	ssyncset.done $0x0  }
0x64: {  	[sflag:s23] =	ssyncadd.s32 $0xFFFFE000  }
0x65: {  	_ =	swait.ge [sflag:s23], $0x2000  }
0x66: {  	s8 =	simm.s32 $0x80;
	s6 =	simm.s32 $0x100;
	[sflag:s23] =	ssyncset.done $0x0  }
.LBB2_2:
0x67: {  	s7 =	sadd.s32 s8, s9;
	[sflag:s23] =	ssyncadd.s32 $0xFFFFE000  }
0x68: {  	[tilespmem:s3], [sflag:$0x3] =	stream.linear.gather [hbm4b:s7+s3], $0x400, $0x38;
	[tilespmem:$0x1C800] =	vst v63  }
0x69: {  	s15 =	smov.u32 s6;
	_ =	swait.ge [sflag:s11], $0x400  }
0x6a: {  	s10 =	sadd.s32 $0x80, s6;
	s7 =	rddreg [dreg:$0x3];
	[sflag:s11] =	ssyncset.done $0x0  }
0x6b: {  	p0 =	sne.s32 s6, $0x1380;
	[sflag:s11] =	ssyncadd.s32 $0xFFFFFC00;
	s6 =	sadd.s32 s8, s7  }
0x6c: {  	[tilespmem:s12], [sflag:$0x3] =	stream.linear.gather [hbm4b:s6+s3], $0x400, $0x38;
	[tilespmem:$0x1C800] =	vst v63  }
0x6d: {  	_ =	swait.ge [sflag:s11], $0x400  }
0x6e: {  	[sflag:s11] =	ssyncset.done $0x0  }
0x6f: {  	[sflag:s11] =	ssyncadd.s32 $0xFFFFFC00  }
0x70: {  	[tilespmem:s14], [sflag:$0x1] =	stream.indirect.gather [hbm4b:s4+s13], $0x80, s3, s13, $0xb8;
	[tilespmem:$0x1C800] =	vst v63  }
0x71: {  	s8 =	smov.u32 s15;
	s15 =	simm.s32 $0x80  }
0x72: {  	[tilespmem:s16], [sflag:$0x1] =	stream.indirect.gather [hbm4b:s4+s13], $0x80, s15, s13, $0xb8;
	[tilespmem:$0x1C800] =	vst v63  }
0x73: {  	_ = 	snop  }
0x74: {  	[tilespmem:s18], [sflag:$0x1] =	stream.indirect.gather [hbm4b:s4+s13], $0x80, s17, s13, $0xb8;
	[tilespmem:$0x1C800] =	vst v63  }
0x75: {  	_ =	swait.ge [sflag:s19], $0x2000  }
0x76: {  	[sflag:s19] =	ssyncset.done $0x0  }
0x77: {  	[sflag:s19] =	ssyncadd.s32 $0xFFFFE000  }
0x78: {  	[spmem:s2] =	stream.indirect.scatter.add.f32 [tilespmem:s14], [sflag:$0x2], $0x80, s12, s13, $0xb8;
	[tilespmem:$0x1C800] =	vst v63  }
0x79: {  	_ = 	snop  }
0x7a: {  	[tilespmem:s21], [sflag:$0x1] =	stream.indirect.gather [hbm4b:s4+s13], $0x80, s20, s13, $0xb8;
	[tilespmem:$0x1C800] =	vst v63  }
0x7b: {  	_ =	swait.ge [sflag:s19], $0x2000  }
0x7c: {  	[sflag:s19] =	ssyncset.done $0x0  }
0x7d: {  	[sflag:s19] =	ssyncadd.s32 $0xFFFFE000  }
0x7e: {  	[spmem:s2] =	stream.indirect.scatter.add.f32 [tilespmem:s16], [sflag:$0x2], $0x80, s22, s13, $0xb8;
	[tilespmem:$0x1C800] =	vst v63  }
0x7f: {  	_ =	swait.ge [sflag:s23], $0x2000  }
0x80: {  	[sflag:s23] =	ssyncset.done $0x0  }
0x81: {  	[sflag:s23] =	ssyncadd.s32 $0xFFFFE000  }
0x82: {  	[tilespmem:s14], [sflag:$0x1] =	stream.indirect.gather [hbm4b:s4+s13], $0x80, s24, s13, $0xb8;
	[tilespmem:$0x1C800] =	vst v63  }
0x83: {  	_ =	swait.ge [sflag:s19], $0x2000  }
0x84: {  	[sflag:s19] =	ssyncset.done $0x0  }
0x85: {  	[sflag:s19] =	ssyncadd.s32 $0xFFFFE000  }
0x86: {  	[spmem:s2] =	stream.indirect.scatter.add.f32 [tilespmem:s18], [sflag:$0x2], $0x80, s25, s13, $0xb8;
	[tilespmem:$0x1C800] =	vst v63  }
0x87: {  	_ =	swait.ge [sflag:s23], $0x2000  }
0x88: {  	[sflag:s23] =	ssyncset.done $0x0  }
0x89: {  	[sflag:s23] =	ssyncadd.s32 $0xFFFFE000  }
0x8a: {  	[tilespmem:s16], [sflag:$0x1] =	stream.indirect.gather [hbm4b:s4+s13], $0x80, s26, s13, $0xb8;
	[tilespmem:$0x1C800] =	vst v63  }
0x8b: {  	_ =	swait.ge [sflag:s19], $0x2000  }
0x8c: {  	[sflag:s19] =	ssyncset.done $0x0  }
0x8d: {  	[sflag:s19] =	ssyncadd.s32 $0xFFFFE000  }
0x8e: {  	[spmem:s2] =	stream.indirect.scatter.add.f32 [tilespmem:s21], [sflag:$0x2], $0x80, s28, s13, $0xb8;
	[tilespmem:$0x1C800] =	vst v63  }
0x8f: {  	_ =	swait.ge [sflag:s23], $0x2000  }
0x90: {  	[sflag:s23] =	ssyncset.done $0x0  }
0x91: {  	[sflag:s23] =	ssyncadd.s32 $0xFFFFE000  }
0x92: {  	[tilespmem:s18], [sflag:$0x1] =	stream.indirect.gather [hbm4b:s4+s13], $0x80, s29, s13, $0xb8;
	[tilespmem:$0x1C800] =	vst v63  }
0x93: {  	_ =	swait.ge [sflag:s19], $0x2000  }
0x94: {  	[sflag:s19] =	ssyncset.done $0x0  }
0x95: {  	[sflag:s19] =	ssyncadd.s32 $0xFFFFE000  }
0x96: {  	[spmem:s2] =	stream.indirect.scatter.add.f32 [tilespmem:s14], [sflag:$0x2], $0x80, s30, s13, $0xb8;
	[tilespmem:$0x1C800] =	vst v63  }
0x97: {  	_ =	swait.ge [sflag:s23], $0x2000  }
0x98: {  	[sflag:s23] =	ssyncset.done $0x0  }
0x99: {  	[sflag:s23] =	ssyncadd.s32 $0xFFFFE000  }
0x9a: {  	[tilespmem:s21], [sflag:$0x1] =	stream.indirect.gather [hbm4b:s4+s13], $0x80, s31, s13, $0xb8;
	[tilespmem:$0x1C800] =	vst v63  }
0x9b: {  	_ =	swait.ge [sflag:s19], $0x2000  }
0x9c: {  	[sflag:s19] =	ssyncset.done $0x0  }
0x9d: {  	[sflag:s19] =	ssyncadd.s32 $0xFFFFE000  }
0x9e: {  	[spmem:s2] =	stream.indirect.scatter.add.f32 [tilespmem:s16], [sflag:$0x2], $0x80, s1, s13, $0xb8;
	[tilespmem:$0x1C800] =	vst v63  }
0x9f: {  	_ =	swait.ge [sflag:s19], $0x2000  }
0xa0: {  	[sflag:s19] =	ssyncset.done $0x0  }
0xa1: {  	[sflag:s19] =	ssyncadd.s32 $0xFFFFE000  }
0xa2: {  	[spmem:s2] =	stream.indirect.scatter.add.f32 [tilespmem:s18], [sflag:$0x2], $0x80, s0, s13, $0xb8;
	[tilespmem:$0x1C800] =	vst v63  }
0xa3: {  	_ =	swait.ge [sflag:s19], $0x2000  }
0xa4: {  	[sflag:s19] =	ssyncset.done $0x0  }
0xa5: {  	[sflag:s19] =	ssyncadd.s32 $0xFFFFE000  }
0xa6: {  	[spmem:s2] =	stream.indirect.scatter.add.f32 [tilespmem:s21], [sflag:$0x2], $0x80, s5, s13, $0xb8;
	[tilespmem:$0x1C800] =	vst v63  }
0xa7: {  	_ =	swait.ge [sflag:s23], $0x2000  }
0xa8: {  	[sflag:s23] =	ssyncset.done $0x0  }
0xa9: {  	[sflag:s23] =	ssyncadd.s32 $0xFFFFE000  }
0xaa: {  	_ =	swait.ge [sflag:s23], $0x2000  }
0xab: {  	[sflag:s23] =	ssyncset.done $0x0  }
0xac: {  	[sflag:s23] =	ssyncadd.s32 $0xFFFFE000  }
.Ltmp0:
0xad: {  	_ =	swait.ge [sflag:s23], $0x2000;
	(pc) =	sbr.rel @p0 .LBB2_2-.Ltmp0, $4  }
0xae: {  	[sflag:s23] =	ssyncset.done $0x0  }
0xaf: {  	[sflag:s23] =	ssyncadd.s32 $0xFFFFE000  }
0xb0: {  	_ =	swait.ge [sflag:s23], $0x2000  }
0xb1: {  	s6 =	smov.u32 s10;
	[sflag:s23] =	ssyncset.done $0x0  }
0xb2: {  	s6 =	sadd.s32 s8, s9;
	[sflag:s23] =	ssyncadd.s32 $0xFFFFE000  }
0xb3: {  	[tilespmem:s3], [sflag:$0x3] =	stream.linear.gather [hbm4b:s6+s3], $0x400, $0x38;
	[tilespmem:$0x1C800] =	vst v63  }
0xb4: {  	_ =	swait.ge [sflag:s11], $0x400  }
0xb5: {  	s7 =	rddreg [dreg:$0x3];
	[sflag:s11] =	ssyncset.done $0x0  }
0xb6: {  	s6 =	sadd.s32 s8, s7;
	[sflag:s11] =	ssyncadd.s32 $0xFFFFFC00  }
0xb7: {  	[tilespmem:s12], [sflag:$0x3] =	stream.linear.gather [hbm4b:s6+s3], $0x400, $0x38;
	[tilespmem:$0x1C800] =	vst v63  }
0xb8: {  	_ =	swait.ge [sflag:s11], $0x400  }
0xb9: {  	[sflag:s11] =	ssyncset.done $0x0  }
0xba: {  	[sflag:s11] =	ssyncadd.s32 $0xFFFFFC00  }
0xbb: {  	[tilespmem:s14], [sflag:$0x1] =	stream.indirect.gather [hbm4b:s4+s13], $0x80, s3, s13, $0xb8;
	[tilespmem:$0x1C800] =	vst v63  }
0xbc: {  	s8 =	simm.s32 $0x80  }
0xbd: {  	[tilespmem:s16], [sflag:$0x1] =	stream.indirect.gather [hbm4b:s4+s13], $0x80, s8, s13, $0xb8;
	[tilespmem:$0x1C800] =	vst v63  }
0xbe: {  	_ = 	snop  }
0xbf: {  	[tilespmem:s18], [sflag:$0x1] =	stream.indirect.gather [hbm4b:s4+s13], $0x80, s17, s13, $0xb8;
	[tilespmem:$0x1C800] =	vst v63  }
0xc0: {  	_ =	swait.ge [sflag:s19], $0x2000  }
0xc1: {  	[sflag:s19] =	ssyncset.done $0x0  }
0xc2: {  	[sflag:s19] =	ssyncadd.s32 $0xFFFFE000  }
0xc3: {  	[spmem:s2] =	stream.indirect.scatter.add.f32 [tilespmem:s14], [sflag:$0x2], $0x80, s12, s13, $0xb8;
	[tilespmem:$0x1C800] =	vst v63  }
0xc4: {  	_ = 	snop  }
0xc5: {  	[tilespmem:s21], [sflag:$0x1] =	stream.indirect.gather [hbm4b:s4+s13], $0x80, s20, s13, $0xb8;
	[tilespmem:$0x1C800] =	vst v63  }
0xc6: {  	_ =	swait.ge [sflag:s19], $0x2000  }
0xc7: {  	[sflag:s19] =	ssyncset.done $0x0  }
0xc8: {  	[sflag:s19] =	ssyncadd.s32 $0xFFFFE000  }
0xc9: {  	[spmem:s2] =	stream.indirect.scatter.add.f32 [tilespmem:s16], [sflag:$0x2], $0x80, s22, s13, $0xb8;
	[tilespmem:$0x1C800] =	vst v63  }
0xca: {  	_ =	swait.ge [sflag:s23], $0x2000  }
0xcb: {  	[sflag:s23] =	ssyncset.done $0x0  }
0xcc: {  	[sflag:s23] =	ssyncadd.s32 $0xFFFFE000  }
0xcd: {  	[tilespmem:s14], [sflag:$0x1] =	stream.indirect.gather [hbm4b:s4+s13], $0x80, s24, s13, $0xb8;
	[tilespmem:$0x1C800] =	vst v63  }
0xce: {  	_ =	swait.ge [sflag:s19], $0x2000  }
0xcf: {  	[sflag:s19] =	ssyncset.done $0x0  }
0xd0: {  	[sflag:s19] =	ssyncadd.s32 $0xFFFFE000  }
0xd1: {  	[spmem:s2] =	stream.indirect.scatter.add.f32 [tilespmem:s18], [sflag:$0x2], $0x80, s25, s13, $0xb8;
	[tilespmem:$0x1C800] =	vst v63  }
0xd2: {  	_ =	swait.ge [sflag:s23], $0x2000  }
0xd3: {  	[sflag:s23] =	ssyncset.done $0x0  }
0xd4: {  	[sflag:s23] =	ssyncadd.s32 $0xFFFFE000  }
0xd5: {  	[tilespmem:s16], [sflag:$0x1] =	stream.indirect.gather [hbm4b:s4+s13], $0x80, s26, s13, $0xb8;
	[tilespmem:$0x1C800] =	vst v63  }
0xd6: {  	_ =	swait.ge [sflag:s19], $0x2000  }
0xd7: {  	[sflag:s19] =	ssyncset.done $0x0  }
0xd8: {  	[sflag:s19] =	ssyncadd.s32 $0xFFFFE000  }
0xd9: {  	[spmem:s2] =	stream.indirect.scatter.add.f32 [tilespmem:s21], [sflag:$0x2], $0x80, s28, s13, $0xb8;
	[tilespmem:$0x1C800] =	vst v63  }
0xda: {  	_ =	swait.ge [sflag:s23], $0x2000  }
0xdb: {  	[sflag:s23] =	ssyncset.done $0x0  }
0xdc: {  	[sflag:s23] =	ssyncadd.s32 $0xFFFFE000  }
0xdd: {  	[tilespmem:s18], [sflag:$0x1] =	stream.indirect.gather [hbm4b:s4+s13], $0x80, s29, s13, $0xb8;
	[tilespmem:$0x1C800] =	vst v63  }
0xde: {  	_ =	swait.ge [sflag:s19], $0x2000  }
0xdf: {  	[sflag:s19] =	ssyncset.done $0x0  }
0xe0: {  	[sflag:s19] =	ssyncadd.s32 $0xFFFFE000  }
0xe1: {  	[spmem:s2] =	stream.indirect.scatter.add.f32 [tilespmem:s14], [sflag:$0x2], $0x80, s30, s13, $0xb8;
	[tilespmem:$0x1C800] =	vst v63  }
0xe2: {  	_ =	swait.ge [sflag:s23], $0x2000  }
0xe3: {  	[sflag:s23] =	ssyncset.done $0x0  }
0xe4: {  	[sflag:s23] =	ssyncadd.s32 $0xFFFFE000  }
0xe5: {  	[tilespmem:s21], [sflag:$0x1] =	stream.indirect.gather [hbm4b:s4+s13], $0x80, s31, s13, $0xb8;
	[tilespmem:$0x1C800] =	vst v63  }
0xe6: {  	_ =	swait.ge [sflag:s19], $0x2000  }
0xe7: {  	[sflag:s19] =	ssyncset.done $0x0  }
0xe8: {  	[sflag:s19] =	ssyncadd.s32 $0xFFFFE000  }
0xe9: {  	[spmem:s2] =	stream.indirect.scatter.add.f32 [tilespmem:s16], [sflag:$0x2], $0x80, s1, s13, $0xb8;
	[tilespmem:$0x1C800] =	vst v63  }
0xea: {  	_ =	swait.ge [sflag:s19], $0x2000  }
0xeb: {  	[sflag:s19] =	ssyncset.done $0x0  }
0xec: {  	[sflag:s19] =	ssyncadd.s32 $0xFFFFE000  }
0xed: {  	[spmem:s2] =	stream.indirect.scatter.add.f32 [tilespmem:s18], [sflag:$0x2], $0x80, s0, s13, $0xb8;
	[tilespmem:$0x1C800] =	vst v63  }
0xee: {  	_ =	swait.ge [sflag:s19], $0x2000  }
0xef: {  	[sflag:s19] =	ssyncset.done $0x0  }
0xf0: {  	[sflag:s19] =	ssyncadd.s32 $0xFFFFE000  }
0xf1: {  	[spmem:s2] =	stream.indirect.scatter.add.f32 [tilespmem:s21], [sflag:$0x2], $0x80, s5, s13, $0xb8;
	[tilespmem:$0x1C800] =	vst v63  }
0xf2: {  	_ =	swait.ge [sflag:s23], $0x2000  }
0xf3: {  	[sflag:s23] =	ssyncset.done $0x0  }
0xf4: {  	[sflag:s23] =	ssyncadd.s32 $0xFFFFE000  }
0xf5: {  	_ =	swait.ge [sflag:s23], $0x2000  }
0xf6: {  	[sflag:s23] =	ssyncset.done $0x0  }
0xf7: {  	[sflag:s23] =	ssyncadd.s32 $0xFFFFE000  }
0xf8: {  	_ =	swait.ge [sflag:s23], $0x2000  }
0xf9: {  	[sflag:s23] =	ssyncset.done $0x0  }
0xfa: {  	[sflag:s23] =	ssyncadd.s32 $0xFFFFE000  }
0xfb: {  	_ =	swait.ge [sflag:s23], $0x2000  }
0xfc: {  	[sflag:s23] =	ssyncset.done $0x0  }
0xfd: {  	[sflag:s23] =	ssyncadd.s32 $0xFFFFE000  }
0xfe: {  	[bflag:$0x0] =	sbarrier.arrive $0xFFFF  }
0xff: {  	s8 =	rddreg [dreg:$0x5]  }
0x100: {  	s10 =	rddreg [dreg:$0x6]  }
0x101: {  	s7 =	rddreg [dreg:$0x8]  }
0x102: {  	[hbm:s10], [sflag:s8] =	dma.local [spmem:s7], $0x2800  }
0x103: {  	_ =	swait.ge [sflag:s11], $0x2800  }
0x104: {  	s10 =	rddreg [dreg:$0x9]  }
0x105: {  	s15 =	rddreg [dreg:$0x7];
	s10 =	sadd.s32 $0x1, s10  }
0x106: {  	p0 =	sne.s32 s10, s15  }
.Ltmp1:
0x107: {  	_ = 	snop;
	(pc) =	sbr.rel @p0 .LBB2_1-.Ltmp1, $3  }
0x108: {  	_ =	sdelay $0x1  }
0x109: {  	[sflag:s11] =	ssyncset.done $0x0  }
0x10a: {  	[sflag:s11] =	ssyncadd.s32 $0xFFFFD800  }
0x10b: {  	_ =	sfence.sel $0x180000  }
0x10c: {  	[bflag:$0x0] =	sbarrier.arrive $0xFFFF  }
0x10d: {  	_ =	strace $0x9000004A  }
0x10e: {  	s0 =	stileid.u32;
	[bflag:$0x2] =	sbarrier.arrive $0xFFFF  }
0x10f: {  	p0 =	sne.s32 s0, $0x0;
	s0 =	rddreg [dreg:$0x2]  }
0x110: {  	s0 =	sadd.s32 @!p0 $0x100000, s0  }
0x111: {  	[sflag:s0] =	ssyncadd.tile.s32 @!p0 $0x1;
	_ =	shalt  }
.Lfunc_end2:
_tile_overlayer_lowered:
.L_overlay_start_2:
0x112: {  	(tag) =	ssettag $0x2  }
0x113: {  	s0 =	rddreg [dreg:$0x0];
	s2 =	stileid.u32  }
0x114: {  	s1 =	rddreg [dreg:$0x1];
	p0 =	sne.s32 s2, $0x0  }
0x115: {  	s3 =	rddreg [dreg:$0x2];
	[bflag:$0x3] =	sbarrier.arrive $0xFFFF;
	s2 =	simm.s32 @!p0 $0x1C03  }
0x116: {  	[timem:s3], [sflag:s2] =	dma.local @!p0 [hbm:s0], s1  }
0x117: {  	s0 =	simm.s32 @!p0 $0x3  }
0x118: {  	_ =	swait.ge @!p0 [sflag:s0], s1  }
0x119: {  	s1 =	ssub.s32 @!p0 $0x0, s1;
	[sflag:s0] =	ssyncset.done @!p0 $0x0  }
0x11a: {  	[sflag:s0] =	ssyncadd.s32 @!p0 s1  }
0x11b: {  	[bflag:$0x3] =	sbarrier.arrive $0xFFFF  }
0x11c: {  	_ =	shalt  }

// kernel: kernel.14.cloned.1.call-start
scs
__scs_entry_jumppad:
0x0: {  	(pc) =	sbr.rel $0x88, $3  }
0x1: {  	(tag) =	ssettag $0x0;
	lr =	simm.s32 $0x1  }
0x2: {  	[smem:$0x3F99] =	sst lr;
	_ =	strace $0xD0000000  }
0x3: {  	_ = 	snop  }
0x4: {  	_ = 	snop  }
0x5: {  	_ = 	snop  }
0x6: {  	_ = 	snop  }
0x7: {  	_ = 	snop  }
__scs_overlays_trampoline_lowered:
0x8: {  	[smem:$0x3FA8] =	sst s0  }
0x9: {  	[smem:$0x3FA9] =	sst s1  }
0xa: {  	[smem:$0x3FAA] =	sst s2  }
0xb: {  	[smem:$0x3FAB] =	sst s3  }
0xc: {  	[smem:$0x3FAC] =	sst s4  }
0xd: {  	[smem:$0x3FAD] =	sst s5  }
0xe: {  	[smem:$0x3FAE] =	sst s6  }
0xf: {  	[smem:$0x3FAF] =	sst s7  }
0x10: {  	[smem:$0x3FB0] =	sst s8  }
0x11: {  	[smem:$0x3FB1] =	sst s9;
	s0 =	simm.s32 @!p0 $0x0  }
0x12: {  	s1 =	sld [smem:$0x3F97];
	s0 =	simm.s32 @p0 $0x1  }
0x13: {  	[smem:$0x3FB2] =	sst s0;
	s0 =	simm.s32 @!p1 $0x0  }
0x14: {  	s2 =	sld [smem:$0x3F96];
	s0 =	simm.s32 @p1 $0x1  }
0x15: {  	[smem:$0x3FB3] =	sst s0;
	s0 =	simm.s32 @!p2 $0x0  }
0x16: {  	s3 =	sld [smem:$0x3FDB];
	s0 =	simm.s32 @p2 $0x1  }
0x17: {  	s4 =	simm.s32 $0x1BF5;
	[smem:$0x3FB5] =	sst s0  }
0x18: {  	s0 =	sld [smem:$0x3F98];
	_ =	swait.ge [sflag:s4], $0x0  }
0x19: {  	s7 =	sld [smem:$0x3F99]  }
0x1a: {  	s8 =	sadd.s32 $0xFFFFE003, lr  }
0x1b: {  	s9 =	sadd.s32 $0xFFFFFEF7, lr;
	s5 =	simm.s32 $0xFFFFFFFF;
	p2 =	slt.u32 s8, $0xFFFFF086  }
0x1c: {  	p1 =	slt.u32 s9, $0xF7A;
	s5 =	simm.s32 @!p2 $0x0  }
0x1d: {  	s5 =	simm.s32 @p1 $0x1;
	p0 =	seq.s32 s7, s2  }
0x1e: {  	s7 =	smul.u32 @!p0 $0xF7A, s2;
	p2 =	seq.s32 @!p0 s5, $0x0  }
0x1f: {  	s9 =	smul.u32 $0xF7A, s1;
	s8 =	simm.s32 @!p0 $0x1BF5;
	p2 =	por !p2, p0  }
0x20: {  	[sflag:s8] =	ssyncset.s32 @!p0 $0xFFFFF086;
	s6 =	sadd.s32 @!p0 s3, s7;
	s7 =	simm.s32 @!p0 $0x108  }
0x21: {  	s3 =	sadd.s32 s3, s9;
	s6 =	sadd.s32 @!p0 $0x88, s6;
	s7 =	simm.s32 @p2 $0x1082  }
0x22: {  	[simem:s7], [sflag:s8] =	dma.local @!p0 [hbm:s6], $0xF7A  }
0x23: {  	s9 =	sor.u32 $0xD0000000, s2;
	s6 =	simm.s32 $0x108;
	_ =	swait.ge @!p0 [sflag:s8], $0x0  }
0x24: {  	s3 =	sadd.s32 $0x88, s3;
	s6 =	simm.s32 @!p1 $0x1082;
	[sflag:s4] =	ssyncset.s32 $0xFFFFF086  }
0x25: {  	[simem:s6], [sflag:s4] =	dma.local [hbm:s3], $0xF7A  }
0x26: {  	[smem:$0x3F99] =	sst s1;
	(tag) =	ssettag s2;
	_ =	strace s9  }
0x27: {  	s1 =	sld [smem:$0x3FA9]  }
0x28: {  	s2 =	sld [smem:$0x3FAA]  }
0x29: {  	s4 =	sld [smem:$0x3FAC]  }
0x2a: {  	p0 =	seq.s32 s5, $0x0;
	s5 =	sld [smem:$0x3FAD]  }
0x2b: {  	s6 =	sld [smem:$0x3FAE]  }
0x2c: {  	s7 =	sld [smem:$0x3FAF]  }
0x2d: {  	s3 =	simm.s32 $0x108;
	s8 =	sld [smem:$0x3FB0]  }
0x2e: {  	s3 =	simm.s32 @!p0 $0x1082;
	s9 =	sld [smem:$0x3FB1]  }
0x2f: {  	lr =	sadd.s32 s0, s3;
	s0 =	sld [smem:$0x3FA8]  }
0x30: {  	s3 =	sld [smem:$0x3FAB]  }
0x31: {  	[smem:$0x3FB4] =	sst s10  }
0x32: {  	s10 =	sld [smem:$0x3FB2];
	_ =	sdelay $0x3  }
0x33: {  	p0 =	seq.s32 s10, $0x1;
	s10 =	sld [smem:$0x3FB4];
	_ =	sdelay $0x3  }
0x34: {  	[smem:$0x3FB4] =	sst s10  }
0x35: {  	s10 =	sld [smem:$0x3FB3];
	_ =	sdelay $0x3  }
0x36: {  	p1 =	seq.s32 s10, $0x1;
	s10 =	sld [smem:$0x3FB4];
	_ =	sdelay $0x3  }
0x37: {  	[smem:$0x3FB4] =	sst s10  }
0x38: {  	s10 =	sld [smem:$0x3FB5]  }
0x39: {  	_ = 	snop;
	(pc) =	sbr.ind lr, $3  }
0x3a: {  	_ = 	snop  }
0x3b: {  	_ = 	snop  }
0x3c: {  	p2 =	seq.s32 s10, $0x1;
	s10 =	sld [smem:$0x3FB4]  }
0x3d: {  	_ =	shalt  }
0x3e: {  	_ =	shalt  }
0x3f: {  	_ =	shalt  }
0x40: {  	_ =	shalt  }
0x41: {  	_ =	shalt  }
0x42: {  	_ =	shalt  }
0x43: {  	_ =	shalt  }
0x44: {  	_ =	shalt  }
0x45: {  	_ =	shalt  }
0x46: {  	_ =	shalt  }
0x47: {  	_ =	shalt  }
0x48: {  	_ =	shalt  }
0x49: {  	_ =	shalt  }
0x4a: {  	_ =	shalt  }
0x4b: {  	_ =	shalt  }
0x4c: {  	_ =	shalt  }
0x4d: {  	_ =	shalt  }
0x4e: {  	_ =	shalt  }
0x4f: {  	_ =	shalt  }
0x50: {  	_ =	shalt  }
0x51: {  	_ =	shalt  }
0x52: {  	_ =	shalt  }
0x53: {  	_ =	shalt  }
0x54: {  	_ =	shalt  }
0x55: {  	_ =	shalt  }
0x56: {  	_ =	shalt  }
0x57: {  	_ =	shalt  }
0x58: {  	_ =	shalt  }
0x59: {  	_ =	shalt  }
0x5a: {  	_ =	shalt  }
0x5b: {  	_ =	shalt  }
0x5c: {  	_ =	shalt  }
0x5d: {  	_ =	shalt  }
0x5e: {  	_ =	shalt  }
0x5f: {  	_ =	shalt  }
0x60: {  	_ =	shalt  }
0x61: {  	_ =	shalt  }
0x62: {  	_ =	shalt  }
0x63: {  	_ =	shalt  }
0x64: {  	_ =	shalt  }
0x65: {  	_ =	shalt  }
0x66: {  	_ =	shalt  }
0x67: {  	_ =	shalt  }
0x68: {  	_ =	shalt  }
0x69: {  	_ =	shalt  }
0x6a: {  	_ =	shalt  }
0x6b: {  	_ =	shalt  }
0x6c: {  	_ =	shalt  }
0x6d: {  	_ =	shalt  }
0x6e: {  	_ =	shalt  }
0x6f: {  	_ =	shalt  }
0x70: {  	_ =	shalt  }
0x71: {  	_ =	shalt  }
0x72: {  	_ =	shalt  }
0x73: {  	_ =	shalt  }
0x74: {  	_ =	shalt  }
0x75: {  	_ =	shalt  }
0x76: {  	_ =	shalt  }
0x77: {  	_ =	shalt  }
0x78: {  	_ =	shalt  }
0x79: {  	_ =	shalt  }
0x7a: {  	_ =	shalt  }
0x7b: {  	_ =	shalt  }
0x7c: {  	_ =	shalt  }
0x7d: {  	_ =	shalt  }
0x7e: {  	_ =	shalt  }
0x7f: {  	_ =	shalt  }
0x80: {  	_ =	shalt  }
0x81: {  	_ =	shalt  }
0x82: {  	_ =	shalt  }
0x83: {  	_ =	shalt  }
0x84: {  	_ =	shalt  }
0x85: {  	_ =	shalt  }
0x86: {  	_ =	shalt  }
0x87: {  	_ =	shalt  }
.Lfunc_end0:
.L_simem_size_0:
called_computation.2_lowered:
.L_overlay_start_0:
0x88: {  	s2 =	sld [smem:$0x3FD9]  }
0x89: {  	s3 =	sld [smem:$0x3FFE];
	_ =	sdelay $0x1  }
0x8a: {  	s1 =	srdreg.scid  }
0x8b: {  	s0 =	sand.u32 $0x1, s1  }
0x8c: {  	s16 =	sshll.u32 s0, $0xA;
	s2 =	sadd.s32 s3, s2  }
0x8d: {  	s2 =	sadd.s32 s2, s16  }
0x8e: {  	[smem:$0x3FC0] =	sst s2  }
0x8f: {  	_ = 	snop  }
0x90: {  	(tm) =	ssettm $0x1  }
0x91: {  	s17 =	sld [smem:$0x3FFB];
	_ =	sdelay $0x3  }
0x92: {  	_ =	strace s17  }
0x93: {  	s2 =	sld [smem:$0x3FFC];
	_ =	sdelay $0x3  }
0x94: {  	_ =	strace s2  }
0x95: {  	s2 =	sld [smem:$0x3FFD];
	_ =	sdelay $0x3  }
0x96: {  	_ =	strace s2  }
0x97: {  	_ =	strace $0x8FFFFFFF  }
0x98: {  	s18 =	sld [smem:$0x3FDB];
	_ =	sdelay $0x1  }
0x99: {  	s19 =	simm.s32 $_scs_section_size  }
0x9a: {  	s4 =	simm.s32 $_size__tile_overlayer_lowered;
	s5 =	simm.s32 $_tile_overlayer_lowered  }
0x9b: {  	s22 =	simm.s32 $0x1BFF;
	s21 =	sshll.u32 s5, $0x1;
	s2 =	sadd.s32 s19, s18  }
0x9c: {  	s6 =	simm.s32 $0x0;
	s20 =	sshll.u32 s4, $0x1;
	s4 =	sadd.s32 s21, s2  }
0x9d: {  	[timem:s6], [sflag:s22] =	dma.local [hbm:s4], s20  }
0x9e: {  	_ =	swait.ge [sflag:s22], s20  }
0x9f: {  	s3 =	ssub.s32 $0x0, s20;
	[sflag:s22] =	ssyncset.done $0x0  }
0xa0: {  	[sflag:s22] =	ssyncadd.s32 s3;
	_ =	sdelay $0x1  }
0xa1: {  	s23 =	simm.s32 $0x1B8B  }
0xa2: {  	_ =	swait.ge [sflag:s23], $0x1  }
0xa3: {  	[sflag:s23] =	ssyncset.done $0x0  }
0xa4: {  	s25 =	simm.s32 $0x1B8E;
	s24 =	sld [smem:$0x3FFE];
	[sflag:s23] =	ssyncadd.s32 $0xFFFFFFFF  }
0xa5: {  	s26 =	simm.s32 $execute0_lowered;
	[smem:$0x3FD2] =	sst s25  }
0xa6: {  	s4 =	sshll.u32 s26, $0x1;
	_ =	strace $0x8000004C;
	[dreg:$0x1] =	wrdreg $0xFFFFFFFF  }
0xa7: {  	s28 =	simm.s32 $_size_execute0_lowered;
	s2 =	sadd.s32 s2, s4;
	[dreg:$0x0] =	wrdreg $0x0  }
0xa8: {  	s4 =	sshll.u32 s28, $0x1;
	[dreg:$0x2] =	wrdreg s2  }
0xa9: {  	[dreg:$0x3] =	wrdreg s4  }
0xaa: {  	[dreg:$0x4] =	wrdreg $0xC0  }
0xab: {  	_ =	task [dreg:s6], $0x5FFFF  }
0xac: {  	[dreg:$0x1] =	wrdreg $0xFFFFFFFF  }
0xad: {  	[dreg:$0x0] =	wrdreg $0x60  }
0xae: {  	[dreg:$0x2] =	wrdreg s24  }
0xaf: {  	[dreg:$0x3] =	wrdreg $0x88000  }
0xb0: {  	[dreg:$0x4] =	wrdreg $0x9  }
0xb1: {  	_ =	task.clear_ibuf [dreg:s6], $0x5FFFF;
	_ =	strace $0x9000004C  }
0xb2: {  	s29 =	simm.s32 $0x9;
	_ =	strace $0x8000004E  }
0xb3: {  	_ =	swait.ge [sflag:s29], $0x1  }
0xb4: {  	[sflag:s29] =	ssyncadd.s32 $0xFFFFFFFF  }
0xb5: {  	_ =	strace $0x9000004E  }
0xb6: {  	_ =	sfence  }
0xb7: {  	s30 =	sld [smem:$0x0];
	_ =	sdelay $0x2  }
0xb8: {  	s31 =	sshll.u32 s1, $0xD;
	s1 =	sshrl.u32 s1, $0x2  }
0xb9: {  	s3 =	sand.u32 $0x4000, s31;
	s1 =	sadd.s32 s1, s30  }
0xba: {  	s0 =	sor.u32 s3, s0;
	s1 =	sshll.u32 s1, $0x11  }
0xbb: {  	s0 =	sor.u32 s1, s0  }
0xbc: {  	s0 =	sadd.s32 $0x8F2B, s0  }
0xbd: {  	[sflag:s0] =	ssyncadd.remote.s32 $0x1  }
0xbe: {  	_ =	sfence.sel $0xFFFF  }
0xbf: {  	[dreg:$0x0] =	wrdreg $0xFFFFFFFF;
	(pc) =	sbr.abs _section_cstart, $3  }
0xc0: {  	[dreg:$0x1] =	wrdreg $0xFFFFFFFF  }
0xc1: {  	_ =	task.clear_ibuf [dreg:s6], $0x2FFFF;
	_ =	strace $0x9FFFFFFF  }
0xc2: {  	(tm) =	ssettm $0x7FFFFFFF  }
0xc3: {  	_ =	shalt  }
tec
execute0_lowered:
.L_overlay_start_1:
0x0: {  	(tag) =	ssettag $0x1  }
0x1: {  	s0 =	srdreg.scid;
	s1 =	rddreg [dreg:$0x0]  }
0x2: {  	s9 =	stileid.u32;
	s2 =	rddreg [dreg:$0x1];
	s3 =	simm.s32 $0x0  }
0x3: {  	s11 =	simm.s32 $0x3;
	s12 =	simm.s32 $0x400;
	s13 =	simm.s32 $0x40  }
0x4: {  	s14 =	simm.s32 $0x800;
	s16 =	simm.s32 $0x2800;
	s17 =	simm.s32 $0x100  }
0x5: {  	s18 =	simm.s32 $0x4800;
	s19 =	simm.s32 $0x1;
	s20 =	simm.s32 $0x180  }
0x6: {  	s21 =	simm.s32 $0x6800;
	s28 =	simm.s32 $0x580;
	s5 =	smul.u32 $0x140, s9  }
0x7: {  	s29 =	simm.s32 $0x300;
	s30 =	simm.s32 $0x600;
	s22 =	smul.u32 $0x2800, s9  }
0x8: {  	s31 =	simm.s32 $0x380;
	s0 =	sand.u32 $0x1, s0;
	s8 =	smul.u32 $0x50000, s9  }
0x9: {  	s10 =	simm.s32 $0x0;
	[smem:$0x7FF] =	sst s3;
	s4 =	smul.u32 $0x1400, s0  }
0xa: {  	s25 =	sshll.u32 s9, $0x6;
	s7 =	smul.u32 $0x28000, s0;
	s0 =	ssub.s32 $0x2, s0  }
0xb: {  	_ =	strace $0x8000004D;
	s23 =	sshrl.u32 s0, $0x1;
	s24 =	sshrl.u32 s8, $0x2  }
0xc: {  	s8 =	sor.u32 $0x1C03, s25;
	s25 =	simm.s32 $0x500;
	s4 =	sadd.s32 s5, s4  }
0xd: {  	s7 =	sadd.s32 s22, s7;
	s5 =	sadd.s32 s22, s1;
	s0 =	ssub.s32 s0, s23  }
0xe: {  	s22 =	simm.s32 $0x480;
	s23 =	simm.s32 $0x2;
	[dreg:$0x5] =	wrdreg s8  }
0xf: {  	s6 =	sshll.u32 s4, $0x4;
	s4 =	sadd.s32 $0x53800, s1;
	s5 =	sadd.s32 $0xA3800, s5  }
0x10: {  	s0 =	smax.u32 s0, $0x1;
	s6 =	sadd.s32 s6, s1;
	[dreg:$0x4] =	wrdreg s5  }
0x11: {  	s1 =	sadd.s32 s7, s1;
	s7 =	sadd.s32 s24, s2;
	[dreg:$0x7] =	wrdreg s0  }
0x12: {  	s24 =	simm.s32 $0x200;
	s0 =	simm.s32 $0x700;
	s1 =	sadd.s32 $0xCB800, s1  }
0x13: {  	s5 =	simm.s32 $0x780;
	s26 =	sadd.s32 $0x3800, s6;
	[dreg:$0x6] =	wrdreg s1  }
0x14: {  	s9 =	sadd.s32 $0x2B800, s6;
	s7 =	sshrl.u32 s7, $0x3;
	[dreg:$0x3] =	wrdreg s26  }
0x15: {  	s26 =	simm.s32 $0x280;
	s1 =	simm.s32 $0x680;
	[dreg:$0x8] =	wrdreg s7  }
.LBB2_1:
0x16: {  	[dreg:$0x9] =	wrdreg s10  }
0x17: {  	s6 =	rddreg [dreg:$0x4]  }
0x18: {  	[spmem:s7], [sflag:s8] =	dma.local [hbm:s6], $0x2800  }
0x19: {  	_ =	swait.ge [sflag:s11], $0x2800  }
0x1a: {  	[sflag:s11] =	ssyncset.done $0x0  }
0x1b: {  	[sflag:s11] =	ssyncadd.s32 $0xFFFFD800  }
0x1c: {  	s8 =	sadd.s32 $0x0, s9;
	[bflag:$0x0] =	sbarrier.arrive $0xFFFF  }
0x1d: {  	[tilespmem:s3], [sflag:$0x3] =	stream.linear.gather [hbm4b:s8+s3], $0x400, $0x38;
	[tilespmem:$0x1C800] =	vst v63  }
0x1e: {  	_ =	swait.ge [sflag:s11], $0x400  }
0x1f: {  	s10 =	rddreg [dreg:$0x3];
	[sflag:s11] =	ssyncset.done $0x0  }
0x20: {  	[sflag:s11] =	ssyncadd.s32 $0xFFFFFC00;
	s6 =	sadd.s32 $0x0, s10  }
0x21: {  	[tilespmem:s12], [sflag:$0x3] =	stream.linear.gather [hbm4b:s6+s3], $0x400, $0x38;
	[tilespmem:$0x1C800] =	vst v63  }
0x22: {  	_ =	swait.ge [sflag:s11], $0x400  }
0x23: {  	[sflag:s11] =	ssyncset.done $0x0  }
0x24: {  	[sflag:s11] =	ssyncadd.s32 $0xFFFFFC00  }
0x25: {  	[tilespmem:s14], [sflag:$0x1] =	stream.indirect.gather [hbm4b:s4+s13], $0x80, s3, s13, $0xb8;
	[tilespmem:$0x1C800] =	vst v63  }
0x26: {  	s15 =	simm.s32 $0x80  }
0x27: {  	[tilespmem:s16], [sflag:$0x1] =	stream.indirect.gather [hbm4b:s4+s13], $0x80, s15, s13, $0xb8;
	[tilespmem:$0x1C800] =	vst v63  }
0x28: {  	_ = 	snop  }
0x29: {  	[tilespmem:s18], [sflag:$0x1] =	stream.indirect.gather [hbm4b:s4+s13], $0x80, s17, s13, $0xb8;
	[tilespmem:$0x1C800] =	vst v63  }
0x2a: {  	_ =	swait.ge [sflag:s19], $0x2000  }
0x2b: {  	[sflag:s19] =	ssyncset.done $0x0  }
0x2c: {  	[sflag:s19] =	ssyncadd.s32 $0xFFFFE000  }
0x2d: {  	[spmem:s2] =	stream.indirect.scatter.add.f32 [tilespmem:s14], [sflag:$0x2], $0x80, s12, s13, $0xb8;
	[tilespmem:$0x1C800] =	vst v63  }
0x2e: {  	_ = 	snop  }
0x2f: {  	[tilespmem:s21], [sflag:$0x1] =	stream.indirect.gather [hbm4b:s4+s13], $0x80, s20, s13, $0xb8;
	[tilespmem:$0x1C800] =	vst v63  }
0x30: {  	_ =	swait.ge [sflag:s19], $0x2000  }
0x31: {  	[sflag:s19] =	ssyncset.done $0x0  }
0x32: {  	[sflag:s19] =	ssyncadd.s32 $0xFFFFE000  }
0x33: {  	[spmem:s2] =	stream.indirect.scatter.add.f32 [tilespmem:s16], [sflag:$0x2], $0x80, s22, s13, $0xb8;
	[tilespmem:$0x1C800] =	vst v63  }
0x34: {  	_ =	swait.ge [sflag:s23], $0x2000  }
0x35: {  	[sflag:s23] =	ssyncset.done $0x0  }
0x36: {  	[sflag:s23] =	ssyncadd.s32 $0xFFFFE000  }
0x37: {  	[tilespmem:s14], [sflag:$0x1] =	stream.indirect.gather [hbm4b:s4+s13], $0x80, s24, s13, $0xb8;
	[tilespmem:$0x1C800] =	vst v63  }
0x38: {  	_ =	swait.ge [sflag:s19], $0x2000  }
0x39: {  	[sflag:s19] =	ssyncset.done $0x0  }
0x3a: {  	[sflag:s19] =	ssyncadd.s32 $0xFFFFE000  }
0x3b: {  	[spmem:s2] =	stream.indirect.scatter.add.f32 [tilespmem:s18], [sflag:$0x2], $0x80, s25, s13, $0xb8;
	[tilespmem:$0x1C800] =	vst v63  }
0x3c: {  	_ =	swait.ge [sflag:s23], $0x2000  }
0x3d: {  	[sflag:s23] =	ssyncset.done $0x0  }
0x3e: {  	[sflag:s23] =	ssyncadd.s32 $0xFFFFE000  }
0x3f: {  	[tilespmem:s16], [sflag:$0x1] =	stream.indirect.gather [hbm4b:s4+s13], $0x80, s26, s13, $0xb8;
	[tilespmem:$0x1C800] =	vst v63  }
0x40: {  	_ =	swait.ge [sflag:s19], $0x2000  }
0x41: {  	[sflag:s19] =	ssyncset.done $0x0  }
0x42: {  	[sflag:s19] =	ssyncadd.s32 $0xFFFFE000  }
0x43: {  	[spmem:s2] =	stream.indirect.scatter.add.f32 [tilespmem:s21], [sflag:$0x2], $0x80, s28, s13, $0xb8;
	[tilespmem:$0x1C800] =	vst v63  }
0x44: {  	_ =	swait.ge [sflag:s23], $0x2000  }
0x45: {  	[sflag:s23] =	ssyncset.done $0x0  }
0x46: {  	[sflag:s23] =	ssyncadd.s32 $0xFFFFE000  }
0x47: {  	[tilespmem:s18], [sflag:$0x1] =	stream.indirect.gather [hbm4b:s4+s13], $0x80, s29, s13, $0xb8;
	[tilespmem:$0x1C800] =	vst v63  }
0x48: {  	_ =	swait.ge [sflag:s19], $0x2000  }
0x49: {  	[sflag:s19] =	ssyncset.done $0x0  }
0x4a: {  	[sflag:s19] =	ssyncadd.s32 $0xFFFFE000  }
0x4b: {  	[spmem:s2] =	stream.indirect.scatter.add.f32 [tilespmem:s14], [sflag:$0x2], $0x80, s30, s13, $0xb8;
	[tilespmem:$0x1C800] =	vst v63  }
0x4c: {  	_ =	swait.ge [sflag:s23], $0x2000  }
0x4d: {  	[sflag:s23] =	ssyncset.done $0x0  }
0x4e: {  	[sflag:s23] =	ssyncadd.s32 $0xFFFFE000  }
0x4f: {  	[tilespmem:s21], [sflag:$0x1] =	stream.indirect.gather [hbm4b:s4+s13], $0x80, s31, s13, $0xb8;
	[tilespmem:$0x1C800] =	vst v63  }
0x50: {  	_ =	swait.ge [sflag:s19], $0x2000  }
0x51: {  	[sflag:s19] =	ssyncset.done $0x0  }
0x52: {  	[sflag:s19] =	ssyncadd.s32 $0xFFFFE000  }
0x53: {  	[spmem:s2] =	stream.indirect.scatter.add.f32 [tilespmem:s16], [sflag:$0x2], $0x80, s1, s13, $0xb8;
	[tilespmem:$0x1C800] =	vst v63  }
0x54: {  	_ =	swait.ge [sflag:s19], $0x2000  }
0x55: {  	[sflag:s19] =	ssyncset.done $0x0  }
0x56: {  	[sflag:s19] =	ssyncadd.s32 $0xFFFFE000  }
0x57: {  	[spmem:s2] =	stream.indirect.scatter.add.f32 [tilespmem:s18], [sflag:$0x2], $0x80, s0, s13, $0xb8;
	[tilespmem:$0x1C800] =	vst v63  }
0x58: {  	_ =	swait.ge [sflag:s19], $0x2000  }
0x59: {  	[sflag:s19] =	ssyncset.done $0x0  }
0x5a: {  	[sflag:s19] =	ssyncadd.s32 $0xFFFFE000  }
0x5b: {  	[spmem:s2] =	stream.indirect.scatter.add.f32 [tilespmem:s21], [sflag:$0x2], $0x80, s5, s13, $0xb8;
	[tilespmem:$0x1C800] =	vst v63  }
0x5c: {  	_ =	swait.ge [sflag:s23], $0x2000  }
0x5d: {  	[sflag:s23] =	ssyncset.done $0x0  }
0x5e: {  	[sflag:s23] =	ssyncadd.s32 $0xFFFFE000  }
0x5f: {  	_ =	swait.ge [sflag:s23], $0x2000  }
0x60: {  	[sflag:s23] =	ssyncset.done $0x0  }
0x61: {  	[sflag:s23] =	ssyncadd.s32 $0xFFFFE000  }
0x62: {  	_ =	swait.ge [sflag:s23], $0x2000  }
0x63: {  	[sflag:s23] =	ssyncset.done $0x0  }
0x64: {  	[sflag:s23] =	ssyncadd.s32 $0xFFFFE000  }
0x65: {  	_ =	swait.ge [sflag:s23], $0x2000  }
0x66: {  	s8 =	simm.s32 $0x80;
	s6 =	simm.s32 $0x100;
	[sflag:s23] =	ssyncset.done $0x0  }
.LBB2_2:
0x67: {  	s7 =	sadd.s32 s8, s9;
	[sflag:s23] =	ssyncadd.s32 $0xFFFFE000  }
0x68: {  	[tilespmem:s3], [sflag:$0x3] =	stream.linear.gather [hbm4b:s7+s3], $0x400, $0x38;
	[tilespmem:$0x1C800] =	vst v63  }
0x69: {  	s15 =	smov.u32 s6;
	_ =	swait.ge [sflag:s11], $0x400  }
0x6a: {  	s10 =	sadd.s32 $0x80, s6;
	s7 =	rddreg [dreg:$0x3];
	[sflag:s11] =	ssyncset.done $0x0  }
0x6b: {  	p0 =	sne.s32 s6, $0x1380;
	[sflag:s11] =	ssyncadd.s32 $0xFFFFFC00;
	s6 =	sadd.s32 s8, s7  }
0x6c: {  	[tilespmem:s12], [sflag:$0x3] =	stream.linear.gather [hbm4b:s6+s3], $0x400, $0x38;
	[tilespmem:$0x1C800] =	vst v63  }
0x6d: {  	_ =	swait.ge [sflag:s11], $0x400  }
0x6e: {  	[sflag:s11] =	ssyncset.done $0x0  }
0x6f: {  	[sflag:s11] =	ssyncadd.s32 $0xFFFFFC00  }
0x70: {  	[tilespmem:s14], [sflag:$0x1] =	stream.indirect.gather [hbm4b:s4+s13], $0x80, s3, s13, $0xb8;
	[tilespmem:$0x1C800] =	vst v63  }
0x71: {  	s8 =	smov.u32 s15;
	s15 =	simm.s32 $0x80  }
0x72: {  	[tilespmem:s16], [sflag:$0x1] =	stream.indirect.gather [hbm4b:s4+s13], $0x80, s15, s13, $0xb8;
	[tilespmem:$0x1C800] =	vst v63  }
0x73: {  	_ = 	snop  }
0x74: {  	[tilespmem:s18], [sflag:$0x1] =	stream.indirect.gather [hbm4b:s4+s13], $0x80, s17, s13, $0xb8;
	[tilespmem:$0x1C800] =	vst v63  }
0x75: {  	_ =	swait.ge [sflag:s19], $0x2000  }
0x76: {  	[sflag:s19] =	ssyncset.done $0x0  }
0x77: {  	[sflag:s19] =	ssyncadd.s32 $0xFFFFE000  }
0x78: {  	[spmem:s2] =	stream.indirect.scatter.add.f32 [tilespmem:s14], [sflag:$0x2], $0x80, s12, s13, $0xb8;
	[tilespmem:$0x1C800] =	vst v63  }
0x79: {  	_ = 	snop  }
0x7a: {  	[tilespmem:s21], [sflag:$0x1] =	stream.indirect.gather [hbm4b:s4+s13], $0x80, s20, s13, $0xb8;
	[tilespmem:$0x1C800] =	vst v63  }
0x7b: {  	_ =	swait.ge [sflag:s19], $0x2000  }
0x7c: {  	[sflag:s19] =	ssyncset.done $0x0  }
0x7d: {  	[sflag:s19] =	ssyncadd.s32 $0xFFFFE000  }
0x7e: {  	[spmem:s2] =	stream.indirect.scatter.add.f32 [tilespmem:s16], [sflag:$0x2], $0x80, s22, s13, $0xb8;
	[tilespmem:$0x1C800] =	vst v63  }
0x7f: {  	_ =	swait.ge [sflag:s23], $0x2000  }
0x80: {  	[sflag:s23] =	ssyncset.done $0x0  }
0x81: {  	[sflag:s23] =	ssyncadd.s32 $0xFFFFE000  }
0x82: {  	[tilespmem:s14], [sflag:$0x1] =	stream.indirect.gather [hbm4b:s4+s13], $0x80, s24, s13, $0xb8;
	[tilespmem:$0x1C800] =	vst v63  }
0x83: {  	_ =	swait.ge [sflag:s19], $0x2000  }
0x84: {  	[sflag:s19] =	ssyncset.done $0x0  }
0x85: {  	[sflag:s19] =	ssyncadd.s32 $0xFFFFE000  }
0x86: {  	[spmem:s2] =	stream.indirect.scatter.add.f32 [tilespmem:s18], [sflag:$0x2], $0x80, s25, s13, $0xb8;
	[tilespmem:$0x1C800] =	vst v63  }
0x87: {  	_ =	swait.ge [sflag:s23], $0x2000  }
0x88: {  	[sflag:s23] =	ssyncset.done $0x0  }
0x89: {  	[sflag:s23] =	ssyncadd.s32 $0xFFFFE000  }
0x8a: {  	[tilespmem:s16], [sflag:$0x1] =	stream.indirect.gather [hbm4b:s4+s13], $0x80, s26, s13, $0xb8;
	[tilespmem:$0x1C800] =	vst v63  }
0x8b: {  	_ =	swait.ge [sflag:s19], $0x2000  }
0x8c: {  	[sflag:s19] =	ssyncset.done $0x0  }
0x8d: {  	[sflag:s19] =	ssyncadd.s32 $0xFFFFE000  }
0x8e: {  	[spmem:s2] =	stream.indirect.scatter.add.f32 [tilespmem:s21], [sflag:$0x2], $0x80, s28, s13, $0xb8;
	[tilespmem:$0x1C800] =	vst v63  }
0x8f: {  	_ =	swait.ge [sflag:s23], $0x2000  }
0x90: {  	[sflag:s23] =	ssyncset.done $0x0  }
0x91: {  	[sflag:s23] =	ssyncadd.s32 $0xFFFFE000  }
0x92: {  	[tilespmem:s18], [sflag:$0x1] =	stream.indirect.gather [hbm4b:s4+s13], $0x80, s29, s13, $0xb8;
	[tilespmem:$0x1C800] =	vst v63  }
0x93: {  	_ =	swait.ge [sflag:s19], $0x2000  }
0x94: {  	[sflag:s19] =	ssyncset.done $0x0  }
0x95: {  	[sflag:s19] =	ssyncadd.s32 $0xFFFFE000  }
0x96: {  	[spmem:s2] =	stream.indirect.scatter.add.f32 [tilespmem:s14], [sflag:$0x2], $0x80, s30, s13, $0xb8;
	[tilespmem:$0x1C800] =	vst v63  }
0x97: {  	_ =	swait.ge [sflag:s23], $0x2000  }
0x98: {  	[sflag:s23] =	ssyncset.done $0x0  }
0x99: {  	[sflag:s23] =	ssyncadd.s32 $0xFFFFE000  }
0x9a: {  	[tilespmem:s21], [sflag:$0x1] =	stream.indirect.gather [hbm4b:s4+s13], $0x80, s31, s13, $0xb8;
	[tilespmem:$0x1C800] =	vst v63  }
0x9b: {  	_ =	swait.ge [sflag:s19], $0x2000  }
0x9c: {  	[sflag:s19] =	ssyncset.done $0x0  }
0x9d: {  	[sflag:s19] =	ssyncadd.s32 $0xFFFFE000  }
0x9e: {  	[spmem:s2] =	stream.indirect.scatter.add.f32 [tilespmem:s16], [sflag:$0x2], $0x80, s1, s13, $0xb8;
	[tilespmem:$0x1C800] =	vst v63  }
0x9f: {  	_ =	swait.ge [sflag:s19], $0x2000  }
0xa0: {  	[sflag:s19] =	ssyncset.done $0x0  }
0xa1: {  	[sflag:s19] =	ssyncadd.s32 $0xFFFFE000  }
0xa2: {  	[spmem:s2] =	stream.indirect.scatter.add.f32 [tilespmem:s18], [sflag:$0x2], $0x80, s0, s13, $0xb8;
	[tilespmem:$0x1C800] =	vst v63  }
0xa3: {  	_ =	swait.ge [sflag:s19], $0x2000  }
0xa4: {  	[sflag:s19] =	ssyncset.done $0x0  }
0xa5: {  	[sflag:s19] =	ssyncadd.s32 $0xFFFFE000  }
0xa6: {  	[spmem:s2] =	stream.indirect.scatter.add.f32 [tilespmem:s21], [sflag:$0x2], $0x80, s5, s13, $0xb8;
	[tilespmem:$0x1C800] =	vst v63  }
0xa7: {  	_ =	swait.ge [sflag:s23], $0x2000  }
0xa8: {  	[sflag:s23] =	ssyncset.done $0x0  }
0xa9: {  	[sflag:s23] =	ssyncadd.s32 $0xFFFFE000  }
0xaa: {  	_ =	swait.ge [sflag:s23], $0x2000  }
0xab: {  	[sflag:s23] =	ssyncset.done $0x0  }
0xac: {  	[sflag:s23] =	ssyncadd.s32 $0xFFFFE000  }
.Ltmp0:
0xad: {  	_ =	swait.ge [sflag:s23], $0x2000;
	(pc) =	sbr.rel @p0 .LBB2_2-.Ltmp0, $4  }
0xae: {  	[sflag:s23] =	ssyncset.done $0x0  }
0xaf: {  	[sflag:s23] =	ssyncadd.s32 $0xFFFFE000  }
0xb0: {  	_ =	swait.ge [sflag:s23], $0x2000  }
0xb1: {  	s6 =	smov.u32 s10;
	[sflag:s23] =	ssyncset.done $0x0  }
0xb2: {  	s6 =	sadd.s32 s8, s9;
	[sflag:s23] =	ssyncadd.s32 $0xFFFFE000  }
0xb3: {  	[tilespmem:s3], [sflag:$0x3] =	stream.linear.gather [hbm4b:s6+s3], $0x400, $0x38;
	[tilespmem:$0x1C800] =	vst v63  }
0xb4: {  	_ =	swait.ge [sflag:s11], $0x400  }
0xb5: {  	s7 =	rddreg [dreg:$0x3];
	[sflag:s11] =	ssyncset.done $0x0  }
0xb6: {  	s6 =	sadd.s32 s8, s7;
	[sflag:s11] =	ssyncadd.s32 $0xFFFFFC00  }
0xb7: {  	[tilespmem:s12], [sflag:$0x3] =	stream.linear.gather [hbm4b:s6+s3], $0x400, $0x38;
	[tilespmem:$0x1C800] =	vst v63  }
0xb8: {  	_ =	swait.ge [sflag:s11], $0x400  }
0xb9: {  	[sflag:s11] =	ssyncset.done $0x0  }
0xba: {  	[sflag:s11] =	ssyncadd.s32 $0xFFFFFC00  }
0xbb: {  	[tilespmem:s14], [sflag:$0x1] =	stream.indirect.gather [hbm4b:s4+s13], $0x80, s3, s13, $0xb8;
	[tilespmem:$0x1C800] =	vst v63  }
0xbc: {  	s8 =	simm.s32 $0x80  }
0xbd: {  	[tilespmem:s16], [sflag:$0x1] =	stream.indirect.gather [hbm4b:s4+s13], $0x80, s8, s13, $0xb8;
	[tilespmem:$0x1C800] =	vst v63  }
0xbe: {  	_ = 	snop  }
0xbf: {  	[tilespmem:s18], [sflag:$0x1] =	stream.indirect.gather [hbm4b:s4+s13], $0x80, s17, s13, $0xb8;
	[tilespmem:$0x1C800] =	vst v63  }
0xc0: {  	_ =	swait.ge [sflag:s19], $0x2000  }
0xc1: {  	[sflag:s19] =	ssyncset.done $0x0  }
0xc2: {  	[sflag:s19] =	ssyncadd.s32 $0xFFFFE000  }
0xc3: {  	[spmem:s2] =	stream.indirect.scatter.add.f32 [tilespmem:s14], [sflag:$0x2], $0x80, s12, s13, $0xb8;
	[tilespmem:$0x1C800] =	vst v63  }
0xc4: {  	_ = 	snop  }
0xc5: {  	[tilespmem:s21], [sflag:$0x1] =	stream.indirect.gather [hbm4b:s4+s13], $0x80, s20, s13, $0xb8;
	[tilespmem:$0x1C800] =	vst v63  }
0xc6: {  	_ =	swait.ge [sflag:s19], $0x2000  }
0xc7: {  	[sflag:s19] =	ssyncset.done $0x0  }
0xc8: {  	[sflag:s19] =	ssyncadd.s32 $0xFFFFE000  }
0xc9: {  	[spmem:s2] =	stream.indirect.scatter.add.f32 [tilespmem:s16], [sflag:$0x2], $0x80, s22, s13, $0xb8;
	[tilespmem:$0x1C800] =	vst v63  }
0xca: {  	_ =	swait.ge [sflag:s23], $0x2000  }
0xcb: {  	[sflag:s23] =	ssyncset.done $0x0  }
0xcc: {  	[sflag:s23] =	ssyncadd.s32 $0xFFFFE000  }
0xcd: {  	[tilespmem:s14], [sflag:$0x1] =	stream.indirect.gather [hbm4b:s4+s13], $0x80, s24, s13, $0xb8;
	[tilespmem:$0x1C800] =	vst v63  }
0xce: {  	_ =	swait.ge [sflag:s19], $0x2000  }
0xcf: {  	[sflag:s19] =	ssyncset.done $0x0  }
0xd0: {  	[sflag:s19] =	ssyncadd.s32 $0xFFFFE000  }
0xd1: {  	[spmem:s2] =	stream.indirect.scatter.add.f32 [tilespmem:s18], [sflag:$0x2], $0x80, s25, s13, $0xb8;
	[tilespmem:$0x1C800] =	vst v63  }
0xd2: {  	_ =	swait.ge [sflag:s23], $0x2000  }
0xd3: {  	[sflag:s23] =	ssyncset.done $0x0  }
0xd4: {  	[sflag:s23] =	ssyncadd.s32 $0xFFFFE000  }
0xd5: {  	[tilespmem:s16], [sflag:$0x1] =	stream.indirect.gather [hbm4b:s4+s13], $0x80, s26, s13, $0xb8;
	[tilespmem:$0x1C800] =	vst v63  }
0xd6: {  	_ =	swait.ge [sflag:s19], $0x2000  }
0xd7: {  	[sflag:s19] =	ssyncset.done $0x0  }
0xd8: {  	[sflag:s19] =	ssyncadd.s32 $0xFFFFE000  }
0xd9: {  	[spmem:s2] =	stream.indirect.scatter.add.f32 [tilespmem:s21], [sflag:$0x2], $0x80, s28, s13, $0xb8;
	[tilespmem:$0x1C800] =	vst v63  }
0xda: {  	_ =	swait.ge [sflag:s23], $0x2000  }
0xdb: {  	[sflag:s23] =	ssyncset.done $0x0  }
0xdc: {  	[sflag:s23] =	ssyncadd.s32 $0xFFFFE000  }
0xdd: {  	[tilespmem:s18], [sflag:$0x1] =	stream.indirect.gather [hbm4b:s4+s13], $0x80, s29, s13, $0xb8;
	[tilespmem:$0x1C800] =	vst v63  }
0xde: {  	_ =	swait.ge [sflag:s19], $0x2000  }
0xdf: {  	[sflag:s19] =	ssyncset.done $0x0  }
0xe0: {  	[sflag:s19] =	ssyncadd.s32 $0xFFFFE000  }
0xe1: {  	[spmem:s2] =	stream.indirect.scatter.add.f32 [tilespmem:s14], [sflag:$0x2], $0x80, s30, s13, $0xb8;
	[tilespmem:$0x1C800] =	vst v63  }
0xe2: {  	_ =	swait.ge [sflag:s23], $0x2000  }
0xe3: {  	[sflag:s23] =	ssyncset.done $0x0  }
0xe4: {  	[sflag:s23] =	ssyncadd.s32 $0xFFFFE000  }
0xe5: {  	[tilespmem:s21], [sflag:$0x1] =	stream.indirect.gather [hbm4b:s4+s13], $0x80, s31, s13, $0xb8;
	[tilespmem:$0x1C800] =	vst v63  }
0xe6: {  	_ =	swait.ge [sflag:s19], $0x2000  }
0xe7: {  	[sflag:s19] =	ssyncset.done $0x0  }
0xe8: {  	[sflag:s19] =	ssyncadd.s32 $0xFFFFE000  }
0xe9: {  	[spmem:s2] =	stream.indirect.scatter.add.f32 [tilespmem:s16], [sflag:$0x2], $0x80, s1, s13, $0xb8;
	[tilespmem:$0x1C800] =	vst v63  }
0xea: {  	_ =	swait.ge [sflag:s19], $0x2000  }
0xeb: {  	[sflag:s19] =	ssyncset.done $0x0  }
0xec: {  	[sflag:s19] =	ssyncadd.s32 $0xFFFFE000  }
0xed: {  	[spmem:s2] =	stream.indirect.scatter.add.f32 [tilespmem:s18], [sflag:$0x2], $0x80, s0, s13, $0xb8;
	[tilespmem:$0x1C800] =	vst v63  }
0xee: {  	_ =	swait.ge [sflag:s19], $0x2000  }
0xef: {  	[sflag:s19] =	ssyncset.done $0x0  }
0xf0: {  	[sflag:s19] =	ssyncadd.s32 $0xFFFFE000  }
0xf1: {  	[spmem:s2] =	stream.indirect.scatter.add.f32 [tilespmem:s21], [sflag:$0x2], $0x80, s5, s13, $0xb8;
	[tilespmem:$0x1C800] =	vst v63  }
0xf2: {  	_ =	swait.ge [sflag:s23], $0x2000  }
0xf3: {  	[sflag:s23] =	ssyncset.done $0x0  }
0xf4: {  	[sflag:s23] =	ssyncadd.s32 $0xFFFFE000  }
0xf5: {  	_ =	swait.ge [sflag:s23], $0x2000  }
0xf6: {  	[sflag:s23] =	ssyncset.done $0x0  }
0xf7: {  	[sflag:s23] =	ssyncadd.s32 $0xFFFFE000  }
0xf8: {  	_ =	swait.ge [sflag:s23], $0x2000  }
0xf9: {  	[sflag:s23] =	ssyncset.done $0x0  }
0xfa: {  	[sflag:s23] =	ssyncadd.s32 $0xFFFFE000  }
0xfb: {  	_ =	swait.ge [sflag:s23], $0x2000  }
0xfc: {  	[sflag:s23] =	ssyncset.done $0x0  }
0xfd: {  	[sflag:s23] =	ssyncadd.s32 $0xFFFFE000  }
0xfe: {  	[bflag:$0x0] =	sbarrier.arrive $0xFFFF  }
0xff: {  	s8 =	rddreg [dreg:$0x5]  }
0x100: {  	s10 =	rddreg [dreg:$0x6]  }
0x101: {  	s7 =	rddreg [dreg:$0x8]  }
0x102: {  	[hbm:s10], [sflag:s8] =	dma.local [spmem:s7], $0x2800  }
0x103: {  	_ =	swait.ge [sflag:s11], $0x2800  }
0x104: {  	s10 =	rddreg [dreg:$0x9]  }
0x105: {  	s15 =	rddreg [dreg:$0x7];
	s10 =	sadd.s32 $0x1, s10  }
0x106: {  	p0 =	sne.s32 s10, s15  }
.Ltmp1:
0x107: {  	_ = 	snop;
	(pc) =	sbr.rel @p0 .LBB2_1-.Ltmp1, $3  }
0x108: {  	_ =	sdelay $0x1  }
0x109: {  	[sflag:s11] =	ssyncset.done $0x0  }
0x10a: {  	[sflag:s11] =	ssyncadd.s32 $0xFFFFD800  }
0x10b: {  	_ =	sfence.sel $0x180000  }
0x10c: {  	[bflag:$0x0] =	sbarrier.arrive $0xFFFF  }
0x10d: {  	_ =	strace $0x9000004D  }
0x10e: {  	s0 =	stileid.u32;
	[bflag:$0x2] =	sbarrier.arrive $0xFFFF  }
0x10f: {  	p0 =	sne.s32 s0, $0x0;
	s0 =	rddreg [dreg:$0x2]  }
0x110: {  	s0 =	sadd.s32 @!p0 $0x100000, s0  }
0x111: {  	[sflag:s0] =	ssyncadd.tile.s32 @!p0 $0x1;
	_ =	shalt  }
.Lfunc_end2:
_tile_overlayer_lowered:
.L_overlay_start_2:
0x112: {  	(tag) =	ssettag $0x2  }
0x113: {  	s0 =	rddreg [dreg:$0x0];
	s2 =	stileid.u32  }
0x114: {  	s1 =	rddreg [dreg:$0x1];
	p0 =	sne.s32 s2, $0x0  }
0x115: {  	s3 =	rddreg [dreg:$0x2];
	[bflag:$0x3] =	sbarrier.arrive $0xFFFF;
	s2 =	simm.s32 @!p0 $0x1C03  }
0x116: {  	[timem:s3], [sflag:s2] =	dma.local @!p0 [hbm:s0], s1  }
0x117: {  	s0 =	simm.s32 @!p0 $0x3  }
0x118: {  	_ =	swait.ge @!p0 [sflag:s0], s1  }
0x119: {  	s1 =	ssub.s32 @!p0 $0x0, s1;
	[sflag:s0] =	ssyncset.done @!p0 $0x0  }
0x11a: {  	[sflag:s0] =	ssyncadd.s32 @!p0 s1  }
0x11b: {  	[bflag:$0x3] =	sbarrier.arrive $0xFFFF  }
0x11c: {  	_ =	shalt  }

// kernel: kernel.8.cloned.1.call-start
scs
__scs_entry_jumppad:
0x0: {  	(pc) =	sbr.rel $0x88, $3  }
0x1: {  	(tag) =	ssettag $0x0;
	lr =	simm.s32 $0x1  }
0x2: {  	[smem:$0x3F99] =	sst lr;
	_ =	strace $0xD0000000  }
0x3: {  	_ = 	snop  }
0x4: {  	_ = 	snop  }
0x5: {  	_ = 	snop  }
0x6: {  	_ = 	snop  }
0x7: {  	_ = 	snop  }
__scs_overlays_trampoline_lowered:
0x8: {  	[smem:$0x3FA8] =	sst s0  }
0x9: {  	[smem:$0x3FA9] =	sst s1  }
0xa: {  	[smem:$0x3FAA] =	sst s2  }
0xb: {  	[smem:$0x3FAB] =	sst s3  }
0xc: {  	[smem:$0x3FAC] =	sst s4  }
0xd: {  	[smem:$0x3FAD] =	sst s5  }
0xe: {  	[smem:$0x3FAE] =	sst s6  }
0xf: {  	[smem:$0x3FAF] =	sst s7  }
0x10: {  	[smem:$0x3FB0] =	sst s8  }
0x11: {  	[smem:$0x3FB1] =	sst s9;
	s0 =	simm.s32 @!p0 $0x0  }
0x12: {  	s1 =	sld [smem:$0x3F97];
	s0 =	simm.s32 @p0 $0x1  }
0x13: {  	[smem:$0x3FB2] =	sst s0;
	s0 =	simm.s32 @!p1 $0x0  }
0x14: {  	s2 =	sld [smem:$0x3F96];
	s0 =	simm.s32 @p1 $0x1  }
0x15: {  	[smem:$0x3FB3] =	sst s0;
	s0 =	simm.s32 @!p2 $0x0  }
0x16: {  	s3 =	sld [smem:$0x3FDB];
	s0 =	simm.s32 @p2 $0x1  }
0x17: {  	s4 =	simm.s32 $0x1BF5;
	[smem:$0x3FB5] =	sst s0  }
0x18: {  	s0 =	sld [smem:$0x3F98];
	_ =	swait.ge [sflag:s4], $0x0  }
0x19: {  	s7 =	sld [smem:$0x3F99]  }
0x1a: {  	s8 =	sadd.s32 $0xFFFFE003, lr  }
0x1b: {  	s9 =	sadd.s32 $0xFFFFFEF7, lr;
	s5 =	simm.s32 $0xFFFFFFFF;
	p2 =	slt.u32 s8, $0xFFFFF086  }
0x1c: {  	p1 =	slt.u32 s9, $0xF7A;
	s5 =	simm.s32 @!p2 $0x0  }
0x1d: {  	s5 =	simm.s32 @p1 $0x1;
	p0 =	seq.s32 s7, s2  }
0x1e: {  	s7 =	smul.u32 @!p0 $0xF7A, s2;
	p2 =	seq.s32 @!p0 s5, $0x0  }
0x1f: {  	s9 =	smul.u32 $0xF7A, s1;
	s8 =	simm.s32 @!p0 $0x1BF5;
	p2 =	por !p2, p0  }
0x20: {  	[sflag:s8] =	ssyncset.s32 @!p0 $0xFFFFF086;
	s6 =	sadd.s32 @!p0 s3, s7;
	s7 =	simm.s32 @!p0 $0x108  }
0x21: {  	s3 =	sadd.s32 s3, s9;
	s6 =	sadd.s32 @!p0 $0x88, s6;
	s7 =	simm.s32 @p2 $0x1082  }
0x22: {  	[simem:s7], [sflag:s8] =	dma.local @!p0 [hbm:s6], $0xF7A  }
0x23: {  	s9 =	sor.u32 $0xD0000000, s2;
	s6 =	simm.s32 $0x108;
	_ =	swait.ge @!p0 [sflag:s8], $0x0  }
0x24: {  	s3 =	sadd.s32 $0x88, s3;
	s6 =	simm.s32 @!p1 $0x1082;
	[sflag:s4] =	ssyncset.s32 $0xFFFFF086  }
0x25: {  	[simem:s6], [sflag:s4] =	dma.local [hbm:s3], $0xF7A  }
0x26: {  	[smem:$0x3F99] =	sst s1;
	(tag) =	ssettag s2;
	_ =	strace s9  }
0x27: {  	s1 =	sld [smem:$0x3FA9]  }
0x28: {  	s2 =	sld [smem:$0x3FAA]  }
0x29: {  	s4 =	sld [smem:$0x3FAC]  }
0x2a: {  	p0 =	seq.s32 s5, $0x0;
	s5 =	sld [smem:$0x3FAD]  }
0x2b: {  	s6 =	sld [smem:$0x3FAE]  }
0x2c: {  	s7 =	sld [smem:$0x3FAF]  }
0x2d: {  	s3 =	simm.s32 $0x108;
	s8 =	sld [smem:$0x3FB0]  }
0x2e: {  	s3 =	simm.s32 @!p0 $0x1082;
	s9 =	sld [smem:$0x3FB1]  }
0x2f: {  	lr =	sadd.s32 s0, s3;
	s0 =	sld [smem:$0x3FA8]  }
0x30: {  	s3 =	sld [smem:$0x3FAB]  }
0x31: {  	[smem:$0x3FB4] =	sst s10  }
0x32: {  	s10 =	sld [smem:$0x3FB2];
	_ =	sdelay $0x3  }
0x33: {  	p0 =	seq.s32 s10, $0x1;
	s10 =	sld [smem:$0x3FB4];
	_ =	sdelay $0x3  }
0x34: {  	[smem:$0x3FB4] =	sst s10  }
0x35: {  	s10 =	sld [smem:$0x3FB3];
	_ =	sdelay $0x3  }
0x36: {  	p1 =	seq.s32 s10, $0x1;
	s10 =	sld [smem:$0x3FB4];
	_ =	sdelay $0x3  }
0x37: {  	[smem:$0x3FB4] =	sst s10  }
0x38: {  	s10 =	sld [smem:$0x3FB5]  }
0x39: {  	_ = 	snop;
	(pc) =	sbr.ind lr, $3  }
0x3a: {  	_ = 	snop  }
0x3b: {  	_ = 	snop  }
0x3c: {  	p2 =	seq.s32 s10, $0x1;
	s10 =	sld [smem:$0x3FB4]  }
0x3d: {  	_ =	shalt  }
0x3e: {  	_ =	shalt  }
0x3f: {  	_ =	shalt  }
0x40: {  	_ =	shalt  }
0x41: {  	_ =	shalt  }
0x42: {  	_ =	shalt  }
0x43: {  	_ =	shalt  }
0x44: {  	_ =	shalt  }
0x45: {  	_ =	shalt  }
0x46: {  	_ =	shalt  }
0x47: {  	_ =	shalt  }
0x48: {  	_ =	shalt  }
0x49: {  	_ =	shalt  }
0x4a: {  	_ =	shalt  }
0x4b: {  	_ =	shalt  }
0x4c: {  	_ =	shalt  }
0x4d: {  	_ =	shalt  }
0x4e: {  	_ =	shalt  }
0x4f: {  	_ =	shalt  }
0x50: {  	_ =	shalt  }
0x51: {  	_ =	shalt  }
0x52: {  	_ =	shalt  }
0x53: {  	_ =	shalt  }
0x54: {  	_ =	shalt  }
0x55: {  	_ =	shalt  }
0x56: {  	_ =	shalt  }
0x57: {  	_ =	shalt  }
0x58: {  	_ =	shalt  }
0x59: {  	_ =	shalt  }
0x5a: {  	_ =	shalt  }
0x5b: {  	_ =	shalt  }
0x5c: {  	_ =	shalt  }
0x5d: {  	_ =	shalt  }
0x5e: {  	_ =	shalt  }
0x5f: {  	_ =	shalt  }
0x60: {  	_ =	shalt  }
0x61: {  	_ =	shalt  }
0x62: {  	_ =	shalt  }
0x63: {  	_ =	shalt  }
0x64: {  	_ =	shalt  }
0x65: {  	_ =	shalt  }
0x66: {  	_ =	shalt  }
0x67: {  	_ =	shalt  }
0x68: {  	_ =	shalt  }
0x69: {  	_ =	shalt  }
0x6a: {  	_ =	shalt  }
0x6b: {  	_ =	shalt  }
0x6c: {  	_ =	shalt  }
0x6d: {  	_ =	shalt  }
0x6e: {  	_ =	shalt  }
0x6f: {  	_ =	shalt  }
0x70: {  	_ =	shalt  }
0x71: {  	_ =	shalt  }
0x72: {  	_ =	shalt  }
0x73: {  	_ =	shalt  }
0x74: {  	_ =	shalt  }
0x75: {  	_ =	shalt  }
0x76: {  	_ =	shalt  }
0x77: {  	_ =	shalt  }
0x78: {  	_ =	shalt  }
0x79: {  	_ =	shalt  }
0x7a: {  	_ =	shalt  }
0x7b: {  	_ =	shalt  }
0x7c: {  	_ =	shalt  }
0x7d: {  	_ =	shalt  }
0x7e: {  	_ =	shalt  }
0x7f: {  	_ =	shalt  }
0x80: {  	_ =	shalt  }
0x81: {  	_ =	shalt  }
0x82: {  	_ =	shalt  }
0x83: {  	_ =	shalt  }
0x84: {  	_ =	shalt  }
0x85: {  	_ =	shalt  }
0x86: {  	_ =	shalt  }
0x87: {  	_ =	shalt  }
.Lfunc_end0:
.L_simem_size_0:
called_computation_lowered:
.L_overlay_start_0:
0x88: {  	s2 =	sld [smem:$0x3FD9]  }
0x89: {  	s3 =	sld [smem:$0x3FFE];
	_ =	sdelay $0x1  }
0x8a: {  	s1 =	srdreg.scid  }
0x8b: {  	s0 =	sand.u32 $0x1, s1  }
0x8c: {  	s14 =	sshll.u32 s0, $0xA;
	s2 =	sadd.s32 s3, s2  }
0x8d: {  	s2 =	sadd.s32 s2, s14  }
0x8e: {  	[smem:$0x3FC0] =	sst s2  }
0x8f: {  	_ = 	snop  }
0x90: {  	s2 =	sld [smem:$0x3FD0];
	_ =	sdelay $0x2  }
0x91: {  	s15 =	simm.s32 $0xA;
	s4 =	simm.s32 $0x10  }
0x92: {  	[smem:s4], [sflag:s15] =	dma.local [hbm:s2], $0x1  }
0x93: {  	_ =	swait.eq [sflag:s15], $0x1  }
0x94: {  	[sflag:s15] =	ssyncset.done $0x0  }
0x95: {  	s16 =	sld [smem:$0x10];
	[sflag:s15] =	ssyncadd.s32 $0xFFFFFFFF  }
0x96: {  	s17 =	sld [smem:$0x11];
	(tm) =	ssettm $0x1  }
0x97: {  	s18 =	sld [smem:$0x3FFB];
	_ =	sdelay $0x3  }
0x98: {  	_ =	strace s18  }
0x99: {  	s4 =	sld [smem:$0x3FFC];
	_ =	sdelay $0x3  }
0x9a: {  	_ =	strace s4  }
0x9b: {  	s4 =	sld [smem:$0x3FFD];
	_ =	sdelay $0x3  }
0x9c: {  	_ =	strace s4  }
0x9d: {  	_ =	strace $0x8FFFFFFF  }
0x9e: {  	s19 =	sld [smem:$0x3FDB];
	_ =	sdelay $0x1  }
0x9f: {  	s5 =	simm.s32 $_scs_section_size  }
0xa0: {  	s6 =	simm.s32 $_size__tile_overlayer_lowered;
	s7 =	simm.s32 $_tile_overlayer_lowered  }
0xa1: {  	s22 =	simm.s32 $0x1BFF;
	s21 =	sshll.u32 s7, $0x1;
	s4 =	sadd.s32 s5, s19  }
0xa2: {  	s8 =	simm.s32 $0x0;
	s20 =	sshll.u32 s6, $0x1;
	s6 =	sadd.s32 s21, s4  }
0xa3: {  	[timem:s8], [sflag:s22] =	dma.local [hbm:s6], s20  }
0xa4: {  	_ =	swait.ge [sflag:s22], s20  }
0xa5: {  	s5 =	ssub.s32 $0x0, s20;
	[sflag:s22] =	ssyncset.done $0x0  }
0xa6: {  	[sflag:s22] =	ssyncadd.s32 s5;
	_ =	sdelay $0x1  }
0xa7: {  	s23 =	simm.s32 $0x1B8B  }
0xa8: {  	_ =	swait.ge [sflag:s23], $0x1  }
0xa9: {  	[sflag:s23] =	ssyncset.done $0x0  }
0xaa: {  	s25 =	simm.s32 $0x1B8E;
	s24 =	sld [smem:$0x3FFE];
	[sflag:s23] =	ssyncadd.s32 $0xFFFFFFFF  }
0xab: {  	s26 =	simm.s32 $execute0_lowered;
	[smem:$0x3FD2] =	sst s25  }
0xac: {  	s6 =	sshll.u32 s26, $0x1;
	_ =	strace $0x80000046;
	[dreg:$0x1] =	wrdreg $0xFFFFFFFF  }
0xad: {  	s28 =	simm.s32 $_size_execute0_lowered;
	s4 =	sadd.s32 s4, s6;
	[dreg:$0x0] =	wrdreg $0x0  }
0xae: {  	s6 =	sshll.u32 s28, $0x1;
	[dreg:$0x2] =	wrdreg s4  }
0xaf: {  	[dreg:$0x3] =	wrdreg s6  }
0xb0: {  	[dreg:$0x4] =	wrdreg $0xC0  }
0xb1: {  	_ =	task [dreg:s8], $0x5FFFF  }
0xb2: {  	[dreg:$0x1] =	wrdreg $0xFFFFFFFF  }
0xb3: {  	[dreg:$0x0] =	wrdreg $0x60  }
0xb4: {  	[dreg:$0x2] =	wrdreg s24  }
0xb5: {  	[dreg:$0x3] =	wrdreg s17  }
0xb6: {  	[dreg:$0x4] =	wrdreg s16  }
0xb7: {  	[dreg:$0x5] =	wrdreg $0x4800  }
0xb8: {  	[dreg:$0x6] =	wrdreg $0x9  }
0xb9: {  	_ =	task.clear_ibuf [dreg:s8], $0x7FFFF;
	_ =	strace $0x90000046  }
0xba: {  	s29 =	simm.s32 $0x9;
	_ =	strace $0x80000048  }
0xbb: {  	_ =	swait.ge [sflag:s29], $0x1  }
0xbc: {  	[sflag:s29] =	ssyncadd.s32 $0xFFFFFFFF  }
0xbd: {  	_ =	strace $0x90000048  }
0xbe: {  	_ =	sfence  }
0xbf: {  	s30 =	sld [smem:$0x0];
	_ =	sdelay $0x2  }
0xc0: {  	s31 =	sshll.u32 s1, $0xD;
	s1 =	sshrl.u32 s1, $0x2  }
0xc1: {  	s3 =	sand.u32 $0x4000, s31;
	s1 =	sadd.s32 s1, s30  }
0xc2: {  	s0 =	sor.u32 s3, s0;
	s1 =	sshll.u32 s1, $0x11  }
0xc3: {  	s0 =	sor.u32 s1, s0  }
0xc4: {  	s0 =	sadd.s32 $0x8F2B, s0  }
0xc5: {  	[sflag:s0] =	ssyncadd.remote.s32 $0x1  }
0xc6: {  	_ =	sfence.sel $0xFFFF  }
0xc7: {  	[dreg:$0x0] =	wrdreg $0xFFFFFFFF;
	(pc) =	sbr.abs _section_cstart, $3  }
0xc8: {  	[dreg:$0x1] =	wrdreg $0xFFFFFFFF  }
0xc9: {  	_ =	task.clear_ibuf [dreg:s8], $0x2FFFF;
	_ =	strace $0x9FFFFFFF  }
0xca: {  	(tm) =	ssettm $0x7FFFFFFF  }
0xcb: {  	_ =	shalt  }
tec
execute0_lowered:
.L_overlay_start_1:
0x0: {  	(tag) =	ssettag $0x1  }
0x1: {  	s4 =	rddreg [dreg:$0x0]  }
0x2: {  	s5 =	rddreg [dreg:$0x1]  }
0x3: {  	s6 =	rddreg [dreg:$0x2]  }
0x4: {  	s1 =	rddreg [dreg:$0x3]  }
0x5: {  	s2 =	srdreg.scid;
	s0 =	rddreg [dreg:$0x4];
	s3 =	simm.s32 $0x0  }
0x6: {  	s13 =	simm.s32 $0x80;
	s14 =	simm.s32 $0x100;
	s15 =	simm.s32 $0x180  }
0x7: {  	s16 =	simm.s32 $0x200;
	s17 =	simm.s32 $0x280;
	s7 =	sand.u32 $0x1, s2  }
0x8: {  	s18 =	simm.s32 $0x300;
	s2 =	stileid.u32;
	s8 =	smul.u32 $0x1400, s7  }
0x9: {  	s19 =	simm.s32 $0x380;
	s20 =	simm.s32 $0x0;
	s9 =	smul.u32 $0x140, s2  }
0xa: {  	[smem:$0x7FF] =	sst s3;
	s29 =	ssub.s32 $0x2, s7;
	s10 =	smul.u32 $0x280, s2  }
0xb: {  	_ =	strace $0x80000047;
	s7 =	smul.u32 $0x2800, s7;
	s11 =	sshrl.u32 s29, $0x1  }
0xc: {  	s12 =	sshll.u32 s2, $0x6;
	s8 =	sadd.s32 s9, s8;
	s9 =	ssub.s32 s29, s11  }
0xd: {  	s30 =	sadd.s32 s10, s1;
	s31 =	sshrl.u32 s10, $0x3;
	s7 =	sadd.s32 s10, s7  }
0xe: {  	s10 =	simm.s32 $0x1;
	s11 =	simm.s32 $0x40;
	s8 =	sshll.u32 s8, $0x4  }
0xf: {  	s7 =	sshrl.u32 s7, $0x3;
	s8 =	sadd.s32 s8, s4;
	s4 =	sadd.s32 s5, s31  }
0x10: {  	s5 =	sor.u32 $0x1C01, s12;
	s6 =	sadd.s32 s6, s7;
	s7 =	smax.u32 s9, $0x1  }
0x11: {  	v0 =	vimm.f32 $1.000000000e+00;
	s9 =	sshrl.u32 s30, $0x3;
	s12 =	simm.s32 $0x400;
	s8 =	sadd.s32 $0x3800, s8  }
.LBB2_1:
0x12: {  	[tilespmem:$0x400] =	vst v0  }
0x13: {  	[tilespmem:$0x410] =	vst v0  }
0x14: {  	[tilespmem:$0x420] =	vst v0  }
0x15: {  	[tilespmem:$0x430] =	vst v0  }
0x16: {  	[spmem:s9], [sflag:s5] =	dma.local [hbm:s4], $0x50  }
0x17: {  	_ =	swait.ge [sflag:s10], $0x50  }
0x18: {  	[sflag:s10] =	ssyncset.done $0x0  }
0x19: {  	[sflag:s10] =	ssyncadd.s32 $0xFFFFFFB0  }
0x1a: {  	s21 =	sadd.s32 $0x0, s8;
	[bflag:$0x0] =	sbarrier.arrive $0xFFFF  }
0x1b: {  	[tilespmem:s3], [sflag:$0x1] =	stream.linear.gather [hbm4b:s21+s3], $0x400, $0x38;
	[tilespmem:$0x700] =	vst v63  }
0x1c: {  	_ =	swait.ge [sflag:s10], $0x400  }
0x1d: {  	[sflag:s10] =	ssyncset.done $0x0  }
0x1e: {  	[sflag:s10] =	ssyncadd.s32 $0xFFFFFC00  }
0x1f: {  	[spmem:s1] =	stream.indirect.scatter.add.f32 [tilespmem:s12], [sflag:$0x1], $0x1, s3, s11, $0xb8;
	[tilespmem:$0x700] =	vst v63  }
0x20: {  	_ =	swait.ge [sflag:s10], $0x40  }
0x21: {  	[sflag:s10] =	ssyncset.done $0x0  }
0x22: {  	[sflag:s10] =	ssyncadd.s32 $0xFFFFFFC0  }
0x23: {  	[spmem:s1] =	stream.indirect.scatter.add.f32 [tilespmem:s12], [sflag:$0x1], $0x1, s13, s11, $0xb8;
	[tilespmem:$0x700] =	vst v63  }
0x24: {  	_ =	swait.ge [sflag:s10], $0x40  }
0x25: {  	[sflag:s10] =	ssyncset.done $0x0  }
0x26: {  	[sflag:s10] =	ssyncadd.s32 $0xFFFFFFC0  }
0x27: {  	[spmem:s1] =	stream.indirect.scatter.add.f32 [tilespmem:s12], [sflag:$0x1], $0x1, s14, s11, $0xb8;
	[tilespmem:$0x700] =	vst v63  }
0x28: {  	_ =	swait.ge [sflag:s10], $0x40  }
0x29: {  	[sflag:s10] =	ssyncset.done $0x0  }
0x2a: {  	[sflag:s10] =	ssyncadd.s32 $0xFFFFFFC0  }
0x2b: {  	[spmem:s1] =	stream.indirect.scatter.add.f32 [tilespmem:s12], [sflag:$0x1], $0x1, s15, s11, $0xb8;
	[tilespmem:$0x700] =	vst v63  }
0x2c: {  	_ =	swait.ge [sflag:s10], $0x40  }
0x2d: {  	[sflag:s10] =	ssyncset.done $0x0  }
0x2e: {  	[sflag:s10] =	ssyncadd.s32 $0xFFFFFFC0  }
0x2f: {  	[spmem:s1] =	stream.indirect.scatter.add.f32 [tilespmem:s12], [sflag:$0x1], $0x1, s16, s11, $0xb8;
	[tilespmem:$0x700] =	vst v63  }
0x30: {  	_ =	swait.ge [sflag:s10], $0x40  }
0x31: {  	[sflag:s10] =	ssyncset.done $0x0  }
0x32: {  	[sflag:s10] =	ssyncadd.s32 $0xFFFFFFC0  }
0x33: {  	[spmem:s1] =	stream.indirect.scatter.add.f32 [tilespmem:s12], [sflag:$0x1], $0x1, s17, s11, $0xb8;
	[tilespmem:$0x700] =	vst v63  }
0x34: {  	_ =	swait.ge [sflag:s10], $0x40  }
0x35: {  	[sflag:s10] =	ssyncset.done $0x0  }
0x36: {  	[sflag:s10] =	ssyncadd.s32 $0xFFFFFFC0  }
0x37: {  	[spmem:s1] =	stream.indirect.scatter.add.f32 [tilespmem:s12], [sflag:$0x1], $0x1, s18, s11, $0xb8;
	[tilespmem:$0x700] =	vst v63  }
0x38: {  	_ =	swait.ge [sflag:s10], $0x40  }
0x39: {  	[sflag:s10] =	ssyncset.done $0x0  }
0x3a: {  	[sflag:s10] =	ssyncadd.s32 $0xFFFFFFC0  }
0x3b: {  	[spmem:s1] =	stream.indirect.scatter.add.f32 [tilespmem:s12], [sflag:$0x1], $0x1, s19, s11, $0xb8;
	[tilespmem:$0x700] =	vst v63  }
0x3c: {  	_ =	swait.ge [sflag:s10], $0x40  }
0x3d: {  	s23 =	simm.s32 $0x100;
	s21 =	simm.s32 $0x80;
	[sflag:s10] =	ssyncset.done $0x0  }
.LBB2_2:
0x3e: {  	s24 =	sadd.s32 s21, s8  }
0x3f: {  	[sflag:s10] =	ssyncadd.s32 $0xFFFFFFC0;
	s21 =	smov.u32 s23;
	s22 =	sadd.s32 $0x80, s23  }
0x40: {  	[tilespmem:s3], [sflag:$0x1] =	stream.linear.gather [hbm4b:s24+s3], $0x400, $0x38;
	[tilespmem:$0x700] =	vst v63  }
0x41: {  	p0 =	sne.s32 s23, $0x1380;
	_ =	swait.ge [sflag:s10], $0x400  }
0x42: {  	[sflag:s10] =	ssyncset.done $0x0  }
0x43: {  	[sflag:s10] =	ssyncadd.s32 $0xFFFFFC00  }
0x44: {  	[spmem:s1] =	stream.indirect.scatter.add.f32 [tilespmem:s12], [sflag:$0x1], $0x1, s3, s11, $0xb8;
	[tilespmem:$0x700] =	vst v63  }
0x45: {  	_ =	swait.ge [sflag:s10], $0x40  }
0x46: {  	[sflag:s10] =	ssyncset.done $0x0  }
0x47: {  	[sflag:s10] =	ssyncadd.s32 $0xFFFFFFC0  }
0x48: {  	[spmem:s1] =	stream.indirect.scatter.add.f32 [tilespmem:s12], [sflag:$0x1], $0x1, s13, s11, $0xb8;
	[tilespmem:$0x700] =	vst v63  }
0x49: {  	_ =	swait.ge [sflag:s10], $0x40  }
0x4a: {  	[sflag:s10] =	ssyncset.done $0x0  }
0x4b: {  	[sflag:s10] =	ssyncadd.s32 $0xFFFFFFC0  }
0x4c: {  	[spmem:s1] =	stream.indirect.scatter.add.f32 [tilespmem:s12], [sflag:$0x1], $0x1, s14, s11, $0xb8;
	[tilespmem:$0x700] =	vst v63  }
0x4d: {  	_ =	swait.ge [sflag:s10], $0x40  }
0x4e: {  	[sflag:s10] =	ssyncset.done $0x0  }
0x4f: {  	[sflag:s10] =	ssyncadd.s32 $0xFFFFFFC0  }
0x50: {  	[spmem:s1] =	stream.indirect.scatter.add.f32 [tilespmem:s12], [sflag:$0x1], $0x1, s15, s11, $0xb8;
	[tilespmem:$0x700] =	vst v63  }
0x51: {  	_ =	swait.ge [sflag:s10], $0x40  }
0x52: {  	[sflag:s10] =	ssyncset.done $0x0  }
0x53: {  	[sflag:s10] =	ssyncadd.s32 $0xFFFFFFC0  }
0x54: {  	[spmem:s1] =	stream.indirect.scatter.add.f32 [tilespmem:s12], [sflag:$0x1], $0x1, s16, s11, $0xb8;
	[tilespmem:$0x700] =	vst v63  }
0x55: {  	_ =	swait.ge [sflag:s10], $0x40  }
0x56: {  	[sflag:s10] =	ssyncset.done $0x0  }
0x57: {  	[sflag:s10] =	ssyncadd.s32 $0xFFFFFFC0  }
0x58: {  	[spmem:s1] =	stream.indirect.scatter.add.f32 [tilespmem:s12], [sflag:$0x1], $0x1, s17, s11, $0xb8;
	[tilespmem:$0x700] =	vst v63  }
0x59: {  	_ =	swait.ge [sflag:s10], $0x40  }
0x5a: {  	[sflag:s10] =	ssyncset.done $0x0  }
0x5b: {  	[sflag:s10] =	ssyncadd.s32 $0xFFFFFFC0  }
0x5c: {  	[spmem:s1] =	stream.indirect.scatter.add.f32 [tilespmem:s12], [sflag:$0x1], $0x1, s18, s11, $0xb8;
	[tilespmem:$0x700] =	vst v63  }
0x5d: {  	_ =	swait.ge [sflag:s10], $0x40  }
.Ltmp0:
0x5e: {  	[sflag:s10] =	ssyncset.done $0x0;
	(pc) =	sbr.rel @p0 .LBB2_2-.Ltmp0, $4  }
0x5f: {  	[sflag:s10] =	ssyncadd.s32 $0xFFFFFFC0  }
0x60: {  	[spmem:s1] =	stream.indirect.scatter.add.f32 [tilespmem:s12], [sflag:$0x1], $0x1, s19, s11, $0xb8;
	[tilespmem:$0x700] =	vst v63  }
0x61: {  	_ =	swait.ge [sflag:s10], $0x40  }
0x62: {  	s23 =	smov.u32 s22;
	[sflag:s10] =	ssyncset.done $0x0  }
0x63: {  	s21 =	sadd.s32 s21, s8;
	[sflag:s10] =	ssyncadd.s32 $0xFFFFFFC0  }
0x64: {  	[tilespmem:s3], [sflag:$0x1] =	stream.linear.gather [hbm4b:s21+s3], $0x400, $0x38;
	[tilespmem:$0x700] =	vst v63  }
0x65: {  	_ =	swait.ge [sflag:s10], $0x400  }
0x66: {  	[sflag:s10] =	ssyncset.done $0x0  }
0x67: {  	[sflag:s10] =	ssyncadd.s32 $0xFFFFFC00  }
0x68: {  	[spmem:s1] =	stream.indirect.scatter.add.f32 [tilespmem:s12], [sflag:$0x1], $0x1, s3, s11, $0xb8;
	[tilespmem:$0x700] =	vst v63  }
0x69: {  	_ =	swait.ge [sflag:s10], $0x40  }
0x6a: {  	[sflag:s10] =	ssyncset.done $0x0  }
0x6b: {  	[sflag:s10] =	ssyncadd.s32 $0xFFFFFFC0  }
0x6c: {  	[spmem:s1] =	stream.indirect.scatter.add.f32 [tilespmem:s12], [sflag:$0x1], $0x1, s13, s11, $0xb8;
	[tilespmem:$0x700] =	vst v63  }
0x6d: {  	_ =	swait.ge [sflag:s10], $0x40  }
0x6e: {  	[sflag:s10] =	ssyncset.done $0x0  }
0x6f: {  	[sflag:s10] =	ssyncadd.s32 $0xFFFFFFC0  }
0x70: {  	[spmem:s1] =	stream.indirect.scatter.add.f32 [tilespmem:s12], [sflag:$0x1], $0x1, s14, s11, $0xb8;
	[tilespmem:$0x700] =	vst v63  }
0x71: {  	_ =	swait.ge [sflag:s10], $0x40  }
0x72: {  	[sflag:s10] =	ssyncset.done $0x0  }
0x73: {  	[sflag:s10] =	ssyncadd.s32 $0xFFFFFFC0  }
0x74: {  	[spmem:s1] =	stream.indirect.scatter.add.f32 [tilespmem:s12], [sflag:$0x1], $0x1, s15, s11, $0xb8;
	[tilespmem:$0x700] =	vst v63  }
0x75: {  	_ =	swait.ge [sflag:s10], $0x40  }
0x76: {  	[sflag:s10] =	ssyncset.done $0x0  }
0x77: {  	[sflag:s10] =	ssyncadd.s32 $0xFFFFFFC0  }
0x78: {  	[spmem:s1] =	stream.indirect.scatter.add.f32 [tilespmem:s12], [sflag:$0x1], $0x1, s16, s11, $0xb8;
	[tilespmem:$0x700] =	vst v63  }
0x79: {  	_ =	swait.ge [sflag:s10], $0x40  }
0x7a: {  	[sflag:s10] =	ssyncset.done $0x0  }
0x7b: {  	[sflag:s10] =	ssyncadd.s32 $0xFFFFFFC0  }
0x7c: {  	[spmem:s1] =	stream.indirect.scatter.add.f32 [tilespmem:s12], [sflag:$0x1], $0x1, s17, s11, $0xb8;
	[tilespmem:$0x700] =	vst v63  }
0x7d: {  	_ =	swait.ge [sflag:s10], $0x40  }
0x7e: {  	[sflag:s10] =	ssyncset.done $0x0  }
0x7f: {  	[sflag:s10] =	ssyncadd.s32 $0xFFFFFFC0  }
0x80: {  	[spmem:s1] =	stream.indirect.scatter.add.f32 [tilespmem:s12], [sflag:$0x1], $0x1, s18, s11, $0xb8;
	[tilespmem:$0x700] =	vst v63  }
0x81: {  	_ =	swait.ge [sflag:s10], $0x40  }
0x82: {  	[sflag:s10] =	ssyncset.done $0x0  }
0x83: {  	[sflag:s10] =	ssyncadd.s32 $0xFFFFFFC0  }
0x84: {  	[spmem:s1] =	stream.indirect.scatter.add.f32 [tilespmem:s12], [sflag:$0x1], $0x1, s19, s11, $0xb8;
	[tilespmem:$0x700] =	vst v63  }
0x85: {  	_ =	swait.ge [sflag:s10], $0x40  }
0x86: {  	s20 =	sadd.s32 $0x1, s20;
	[sflag:s10] =	ssyncset.done $0x0  }
0x87: {  	p0 =	sne.s32 s20, s7;
	[sflag:s10] =	ssyncadd.s32 $0xFFFFFFC0  }
.Ltmp1:
0x88: {  	[bflag:$0x0] =	sbarrier.arrive $0xFFFF;
	(pc) =	sbr.rel @p0 .LBB2_1-.Ltmp1, $4  }
0x89: {  	[hbm:s6], [sflag:s5] =	dma.local [spmem:s9], $0x50  }
0x8a: {  	_ =	swait.ge [sflag:s10], $0x50  }
0x8b: {  	[sflag:s10] =	ssyncset.done $0x0  }
0x8c: {  	[sflag:s10] =	ssyncadd.s32 $0xFFFFFFB0  }
0x8d: {  	_ =	sfence.sel $0x180000  }
0x8e: {  	[bflag:$0x0] =	sbarrier.arrive $0xFFFF  }
0x8f: {  	p0 =	sne.s32 s2, $0x0;
	_ =	strace $0x90000047  }
0x90: {  	s0 =	sadd.s32 @!p0 $0x100000, s0;
	[bflag:$0x2] =	sbarrier.arrive $0xFFFF  }
0x91: {  	[sflag:s0] =	ssyncadd.tile.s32 @!p0 $0x1;
	_ =	shalt  }
.Lfunc_end2:
_tile_overlayer_lowered:
.L_overlay_start_2:
0x92: {  	(tag) =	ssettag $0x2  }
0x93: {  	s0 =	rddreg [dreg:$0x0];
	s2 =	stileid.u32  }
0x94: {  	s1 =	rddreg [dreg:$0x1];
	p0 =	sne.s32 s2, $0x0  }
0x95: {  	s3 =	rddreg [dreg:$0x2];
	[bflag:$0x3] =	sbarrier.arrive $0xFFFF;
	s2 =	simm.s32 @!p0 $0x1C01  }
0x96: {  	[timem:s3], [sflag:s2] =	dma.local @!p0 [hbm:s0], s1  }
0x97: {  	s0 =	simm.s32 @!p0 $0x1  }
0x98: {  	_ =	swait.ge @!p0 [sflag:s0], s1  }
0x99: {  	s1 =	ssub.s32 @!p0 $0x0, s1;
	[sflag:s0] =	ssyncset.done @!p0 $0x0  }
0x9a: {  	[sflag:s0] =	ssyncadd.s32 @!p0 s1  }
0x9b: {  	[bflag:$0x3] =	sbarrier.arrive $0xFFFF  }
0x9c: {  	_ =	shalt  }

</sc_bundles>
